<compile_context>
chip_gen: v7x
topology: tpu7x:2x2x1
jax: 0.10.2.dev20260603
libtpu: 0.0.44.dev20260713+nightly
codegen_flags: <defaults>
</compile_context>

<pallas_src>
import functools

import jax
import jax.numpy as jnp
from jax import lax
from jax.experimental import pallas as pl
from jax.experimental.pallas import tpu as pltpu
from jax.experimental.pallas import tpu_sc as plsc

NC, NS, L = 2, 16, 16
NW = NC * NS
BATCH, SEQ, DIM = 16384, 200, 10
N = BATCH * SEQ
LB = SEQ // 8
BT = BATCH // 128
UNIT = 8192
UNITS = N // UNIT
U_MAX = -(-UNITS // NW)
TBL = 128

_mesh = plsc.VectorSubcoreMesh(core_axis_name="c", subcore_axis_name="s")


@functools.partial(
    pl.kernel,
    out_type=jax.ShapeDtypeStruct((SEQ, 1, BATCH), jnp.float32),
    mesh=_mesh,
    compiler_params=pltpu.CompilerParams(needs_layout_passes=False),
    scratch_types=[
        pltpu.VMEM((2 * DIM + 1, TBL), jnp.float32),
        pltpu.VMEM((TBL,), jnp.float32),
        pltpu.VMEM((4, 8, 8, 128), jnp.int32),
        pltpu.VMEM((4, 8, 1, 1024), jnp.float32),
        pltpu.SemaphoreType.DMA,
        pltpu.SemaphoreType.DMA,
        pltpu.SemaphoreType.DMA,
        pltpu.SemaphoreType.DMA,
        pltpu.SemaphoreType.DMA,
        pltpu.SemaphoreType.DMA,
        pltpu.SemaphoreType.DMA,
        pltpu.SemaphoreType.DMA,
    ],
)
def _embed_gather(ept_hbm, xp_hbm, out_hbm,
                  ept_v, table_v, ib, ob,
                  in_sem0, in_sem1, in_sem2, in_sem3,
                  out_sem0, out_sem1, out_sem2, out_sem3):
    in_sems = (in_sem0, in_sem1, in_sem2, in_sem3)
    out_sems = (out_sem0, out_sem1, out_sem2, out_sem3)
    wid = lax.axis_index("s") * NC + lax.axis_index("c")

    def unit_of(k):
        return wid + k * NW

    def in_copy(k, b):
        u = unit_of(k)
        row0 = (u >> 4) * 128 + (u & 15) * 8
        return pltpu.make_async_copy(
            xp_hbm.at[pl.ds(row0, 8), :, :], ib.at[b], in_sems[b])

    def out_copy(k, b):
        u = unit_of(k)
        return pltpu.make_async_copy(
            ob.at[b],
            out_hbm.at[pl.ds((u >> 4) * 8, 8), :,
                       pl.ds((u & 15) * 1024, 1024)],
            out_sems[b])

    for k in range(4):
        in_copy(k, k).start()

    pltpu.sync_copy(ept_hbm, ept_v)
    wbv = ept_v[2 * DIM, pl.ds(0, L)]
    for c in range(TBL // L):
        acc = jnp.zeros((L,), jnp.float32) + wbv[DIM]
        for d in range(DIM):
            acc = acc + (ept_v[d, pl.ds(c * L, L)]
                         + ept_v[DIM + d, pl.ds(c * L, L)]) * wbv[d]
        table_v[pl.ds(c * L, L)] = acc

    def step(k, b):
        in_copy(k, b).wait()

        @pl.when(k >= 4)
        def _():
            out_copy(k - 4, b).wait()

        @plsc.parallel_loop(0, UNIT, step=L, unroll=8)
        def _(j):
            iv = ib[b, j >> 10, (j >> 7) & 7, pl.ds(j & 127, L)]
            ob[b, (j >> 7) & 7, 0,
               pl.ds(((j >> 10) << 7) | (j & 127), L)] = plsc.load_gather(
                   table_v, [iv])

        out_copy(k, b).start()

        @pl.when(unit_of(k + 4) < UNITS)
        def _():
            in_copy(k + 4, b).start()

    def quad(g, carry):
        for b in range(4):
            k = g * 4 + b

            @pl.when(unit_of(k) < UNITS)
            def _():
                step(k, b)
        return carry

    lax.fori_loop(0, (U_MAX + 3) // 4, quad, 0)
    for b in range(4):
        last = U_MAX - 1 - ((U_MAX - 1 - b) % 4)

        @pl.when(unit_of(last) < UNITS)
        def _():
            out_copy(last, b).wait()

        if last >= 4:
            @pl.when(unit_of(last) >= UNITS)
            def _():
                out_copy(last - 4, b).wait()


def kernel(x, embed_in, embed_in_2, lin0_w, lin0_b):
    xp = (x.astype(jnp.int32)
           .reshape(BT, 128, LB, 8)
           .transpose(2, 0, 3, 1)
           .reshape(LB * BT, 8, 128))
    wrow = jnp.concatenate([lin0_w[0], lin0_b])[None, :]
    ept = jnp.pad(
        jnp.concatenate([embed_in.T, embed_in_2.T,
                         jnp.pad(wrow, ((0, 0), (0, 100 - DIM - 1)))], axis=0),
        ((0, 0), (0, TBL - 100)))
    out = _embed_gather(ept, xp)
    return out.transpose(2, 0, 1)

# --- scband reference (transcript-rebuilt; emitter-appended) ---
"""Pipeline reference for scband-model-embed-multiple-16174846837269 (READ-ONLY COPY).

The authoritative reference and input builder live on the scoring server;
editing this copy changes nothing except your own understanding.
"""

import jax, jax.numpy as jnp
import numpy as np


def setup_inputs(seed: int = 0) -> dict:
    key = jax.random.key(seed)
    k_x, k_w1, k_w2, k_w0, k_b0 = jax.random.split(key, 5)
    x = jax.random.randint(k_x, (16384, 200), 0, 100, dtype=jnp.int64 if jax.config.jax_enable_x64 else jnp.int32)
    # Learned parameters sized per the module's __init__
    embed_in = jax.random.normal(k_w1, (100, 10), dtype=jnp.float32)
    embed_in_2 = jax.random.normal(k_w2, (100, 10), dtype=jnp.float32)
    lin0_w = jax.random.normal(k_w0, (1, 10), dtype=jnp.float32) * 0.1
    lin0_b = jax.random.normal(k_b0, (1,), dtype=jnp.float32) * 0.1
    return {"x": x, "embed_in": embed_in, "embed_in_2": embed_in_2, "lin0_w": lin0_w, "lin0_b": lin0_b}


def reference(x, embed_in, embed_in_2, lin0_w, lin0_b):
    # embedding lookups (gather)
    e1 = jnp.take(embed_in, x, axis=0)      # [B, L, 10]
    e2 = jnp.take(embed_in_2, x, axis=0)    # [B, L, 10]
    h = e1 + e2
    # Linear(10 -> 1): h @ W^T + b
    out = jnp.einsum('bld,od->blo', h, lin0_w) + lin0_b
    return out

if __name__ == "__main__":
    import jax
    _d = setup_inputs()
    print(jax.jit(kernel)(*tuple(_d.values())))

</pallas_src>

<mosaic_0001>
#map = affine_map<(d0, d1) -> (0, 0)>
#map1 = affine_map<(d0, d1) -> (0, 0, 0)>
module attributes {stable_mosaic.version = 14 : i64} {
  func.func @_embed_gather(%arg0: i32, %arg1: i32, %arg2: memref<21x128xf32, #tpu.memory_space<hbm>>, %arg3: memref<3200x8x128xi32, #tpu.memory_space<hbm>>, %arg4: memref<200x1x16384xf32, #tpu.memory_space<hbm>>, %arg5: memref<21x128xf32, #tpu.memory_space<vmem>>, %arg6: memref<128xf32, #tpu.memory_space<vmem>>, %arg7: memref<4x8x8x128xi32, #tpu.memory_space<vmem>>, %arg8: memref<4x8x1x1024xf32, #tpu.memory_space<vmem>>, %arg9: memref<!tpu.dma_semaphore, #tpu.memory_space<semaphore_mem>>, %arg10: memref<!tpu.dma_semaphore, #tpu.memory_space<semaphore_mem>>, %arg11: memref<!tpu.dma_semaphore, #tpu.memory_space<semaphore_mem>>, %arg12: memref<!tpu.dma_semaphore, #tpu.memory_space<semaphore_mem>>, %arg13: memref<!tpu.dma_semaphore, #tpu.memory_space<semaphore_mem>>, %arg14: memref<!tpu.dma_semaphore, #tpu.memory_space<semaphore_mem>>, %arg15: memref<!tpu.dma_semaphore, #tpu.memory_space<semaphore_mem>>, %arg16: memref<!tpu.dma_semaphore, #tpu.memory_space<semaphore_mem>>) attributes {dimension_semantics = [#tpu.dimension_semantics<core_parallel>, #tpu.dimension_semantics<subcore_parallel>], iteration_bounds = array<i64: 2, 16>, scalar_prefetch = 0 : i64, scratch_operands = 12 : i64, tpu.core_type = #tpu.core_type<sc_vector_subcore>, window_params = [{transform_indices = #map}, {transform_indices = #map1}, {transform_indices = #map1}]} {
    %mul3A = arith.constant 2 : i32
    %mul3A_0 = arith.muli %arg1, %mul3A : i32
    %add3A = arith.addi %mul3A_0, %arg0 : i32
    %add3A_1 = arith.constant 0 : i32
    %add3A_2 = arith.addi %add3A, %add3A_1 : i32
    %shift_right_arithmetic3A = arith.constant 4 : i32
    %shift_right_arithmetic3A_3 = arith.shrsi %add3A_2, %shift_right_arithmetic3A : i32
    %mul3A_4 = arith.constant 128 : i32
    %mul3A_5 = arith.muli %shift_right_arithmetic3A_3, %mul3A_4 : i32
    %and3A = arith.constant 15 : i32
    %and3A_6 = arith.andi %add3A_2, %and3A : i32
    %mul3A_7 = arith.constant 8 : i32
    %mul3A_8 = arith.muli %and3A_6, %mul3A_7 : i32
    %add3A_9 = arith.addi %mul3A_5, %mul3A_8 : i32
    %dma_start3A = arith.constant 0 : i32
    %dma_start3A_10 = arith.constant 0 : i32
    %dma_start3A_11 = arith.constant 0 : i32
    %dma_start3A_12 = arith.constant 0 : i32
    %dma_start3A_13 = tpu.memref_slice %arg7[%dma_start3A, %dma_start3A_10, %dma_start3A_11, %dma_start3A_12] : memref<4x8x8x128xi32, #tpu.memory_space<vmem>> -> memref<1x8x8x128xi32, #tpu.memory_space<vmem>>
    %dma_start3A_14 = tpu.memref_squeeze %dma_start3A_13 : memref<1x8x8x128xi32, #tpu.memory_space<vmem>> -> memref<8x8x128xi32, #tpu.memory_space<vmem>>
    %dma_start3A_15 = arith.constant 0 : i32
    %dma_start3A_16 = arith.constant 0 : i32
    %dma_start3A_17 = tpu.memref_slice %arg3[%add3A_9, %dma_start3A_15, %dma_start3A_16] : memref<3200x8x128xi32, #tpu.memory_space<hbm>> -> memref<8x8x128xi32, #tpu.memory_space<hbm>>
    %dma_start3A_18 = arith.constant 0 : i32
    %dma_start3A_19 = arith.constant 0 : i32
    %dma_start3A_20 = arith.constant 0 : i32
    %dma_start3A_21 = tpu.memref_slice %arg7[%dma_start3A, %dma_start3A_18, %dma_start3A_19, %dma_start3A_20] : memref<4x8x8x128xi32, #tpu.memory_space<vmem>> -> memref<1x8x8x128xi32, #tpu.memory_space<vmem>>
    %dma_start3A_22 = tpu.memref_squeeze %dma_start3A_21 : memref<1x8x8x128xi32, #tpu.memory_space<vmem>> -> memref<8x8x128xi32, #tpu.memory_space<vmem>>
    %dma_start3A_23 = arith.constant 0 : i32
    %dma_start3A_24 = arith.constant 0 : i32
    %dma_start3A_25 = tpu.memref_slice %arg3[%add3A_9, %dma_start3A_23, %dma_start3A_24] : memref<3200x8x128xi32, #tpu.memory_space<hbm>> -> memref<8x8x128xi32, #tpu.memory_space<hbm>>
    tpu.enqueue_dma source(%dma_start3A_25 : memref<8x8x128xi32, #tpu.memory_space<hbm>>) target(%dma_start3A_22 : memref<8x8x128xi32, #tpu.memory_space<vmem>>) target_semaphore(%arg9 : memref<!tpu.dma_semaphore, #tpu.memory_space<semaphore_mem>>)
    %add3A_26 = arith.constant 32 : i32
    %add3A_27 = arith.addi %add3A, %add3A_26 : i32
    %shift_right_arithmetic3A_28 = arith.constant 4 : i32
    %shift_right_arithmetic3A_29 = arith.shrsi %add3A_27, %shift_right_arithmetic3A_28 : i32
    %mul3A_30 = arith.constant 128 : i32
    %mul3A_31 = arith.muli %shift_right_arithmetic3A_29, %mul3A_30 : i32
    %and3A_32 = arith.constant 15 : i32
    %and3A_33 = arith.andi %add3A_27, %and3A_32 : i32
    %mul3A_34 = arith.constant 8 : i32
    %mul3A_35 = arith.muli %and3A_33, %mul3A_34 : i32
    %add3A_36 = arith.addi %mul3A_31, %mul3A_35 : i32
    %dma_start3A_37 = arith.constant 1 : i32
    %dma_start3A_38 = arith.constant 0 : i32
    %dma_start3A_39 = arith.constant 0 : i32
    %dma_start3A_40 = arith.constant 0 : i32
    %dma_start3A_41 = tpu.memref_slice %arg7[%dma_start3A_37, %dma_start3A_38, %dma_start3A_39, %dma_start3A_40] : memref<4x8x8x128xi32, #tpu.memory_space<vmem>> -> memref<1x8x8x128xi32, #tpu.memory_space<vmem>>
    %dma_start3A_42 = tpu.memref_squeeze %dma_start3A_41 : memref<1x8x8x128xi32, #tpu.memory_space<vmem>> -> memref<8x8x128xi32, #tpu.memory_space<vmem>>
    %dma_start3A_43 = arith.constant 0 : i32
    %dma_start3A_44 = arith.constant 0 : i32
    %dma_start3A_45 = tpu.memref_slice %arg3[%add3A_36, %dma_start3A_43, %dma_start3A_44] : memref<3200x8x128xi32, #tpu.memory_space<hbm>> -> memref<8x8x128xi32, #tpu.memory_space<hbm>>
    %dma_start3A_46 = arith.constant 0 : i32
    %dma_start3A_47 = arith.constant 0 : i32
    %dma_start3A_48 = arith.constant 0 : i32
    %dma_start3A_49 = tpu.memref_slice %arg7[%dma_start3A_37, %dma_start3A_46, %dma_start3A_47, %dma_start3A_48] : memref<4x8x8x128xi32, #tpu.memory_space<vmem>> -> memref<1x8x8x128xi32, #tpu.memory_space<vmem>>
    %dma_start3A_50 = tpu.memref_squeeze %dma_start3A_49 : memref<1x8x8x128xi32, #tpu.memory_space<vmem>> -> memref<8x8x128xi32, #tpu.memory_space<vmem>>
    %dma_start3A_51 = arith.constant 0 : i32
    %dma_start3A_52 = arith.constant 0 : i32
    %dma_start3A_53 = tpu.memref_slice %arg3[%add3A_36, %dma_start3A_51, %dma_start3A_52] : memref<3200x8x128xi32, #tpu.memory_space<hbm>> -> memref<8x8x128xi32, #tpu.memory_space<hbm>>
    tpu.enqueue_dma source(%dma_start3A_53 : memref<8x8x128xi32, #tpu.memory_space<hbm>>) target(%dma_start3A_50 : memref<8x8x128xi32, #tpu.memory_space<vmem>>) target_semaphore(%arg10 : memref<!tpu.dma_semaphore, #tpu.memory_space<semaphore_mem>>)
    %add3A_54 = arith.constant 64 : i32
    %add3A_55 = arith.addi %add3A, %add3A_54 : i32
    %shift_right_arithmetic3A_56 = arith.constant 4 : i32
    %shift_right_arithmetic3A_57 = arith.shrsi %add3A_55, %shift_right_arithmetic3A_56 : i32
    %mul3A_58 = arith.constant 128 : i32
    %mul3A_59 = arith.muli %shift_right_arithmetic3A_57, %mul3A_58 : i32
    %and3A_60 = arith.constant 15 : i32
    %and3A_61 = arith.andi %add3A_55, %and3A_60 : i32
    %mul3A_62 = arith.constant 8 : i32
    %mul3A_63 = arith.muli %and3A_61, %mul3A_62 : i32
    %add3A_64 = arith.addi %mul3A_59, %mul3A_63 : i32
    %dma_start3A_65 = arith.constant 2 : i32
    %dma_start3A_66 = arith.constant 0 : i32
    %dma_start3A_67 = arith.constant 0 : i32
    %dma_start3A_68 = arith.constant 0 : i32
    %dma_start3A_69 = tpu.memref_slice %arg7[%dma_start3A_65, %dma_start3A_66, %dma_start3A_67, %dma_start3A_68] : memref<4x8x8x128xi32, #tpu.memory_space<vmem>> -> memref<1x8x8x128xi32, #tpu.memory_space<vmem>>
    %dma_start3A_70 = tpu.memref_squeeze %dma_start3A_69 : memref<1x8x8x128xi32, #tpu.memory_space<vmem>> -> memref<8x8x128xi32, #tpu.memory_space<vmem>>
    %dma_start3A_71 = arith.constant 0 : i32
    %dma_start3A_72 = arith.constant 0 : i32
    %dma_start3A_73 = tpu.memref_slice %arg3[%add3A_64, %dma_start3A_71, %dma_start3A_72] : memref<3200x8x128xi32, #tpu.memory_space<hbm>> -> memref<8x8x128xi32, #tpu.memory_space<hbm>>
    %dma_start3A_74 = arith.constant 0 : i32
    %dma_start3A_75 = arith.constant 0 : i32
    %dma_start3A_76 = arith.constant 0 : i32
    %dma_start3A_77 = tpu.memref_slice %arg7[%dma_start3A_65, %dma_start3A_74, %dma_start3A_75, %dma_start3A_76] : memref<4x8x8x128xi32, #tpu.memory_space<vmem>> -> memref<1x8x8x128xi32, #tpu.memory_space<vmem>>
    %dma_start3A_78 = tpu.memref_squeeze %dma_start3A_77 : memref<1x8x8x128xi32, #tpu.memory_space<vmem>> -> memref<8x8x128xi32, #tpu.memory_space<vmem>>
    %dma_start3A_79 = arith.constant 0 : i32
    %dma_start3A_80 = arith.constant 0 : i32
    %dma_start3A_81 = tpu.memref_slice %arg3[%add3A_64, %dma_start3A_79, %dma_start3A_80] : memref<3200x8x128xi32, #tpu.memory_space<hbm>> -> memref<8x8x128xi32, #tpu.memory_space<hbm>>
    tpu.enqueue_dma source(%dma_start3A_81 : memref<8x8x128xi32, #tpu.memory_space<hbm>>) target(%dma_start3A_78 : memref<8x8x128xi32, #tpu.memory_space<vmem>>) target_semaphore(%arg11 : memref<!tpu.dma_semaphore, #tpu.memory_space<semaphore_mem>>)
    %add3A_82 = arith.constant 96 : i32
    %add3A_83 = arith.addi %add3A, %add3A_82 : i32
    %shift_right_arithmetic3A_84 = arith.constant 4 : i32
    %shift_right_arithmetic3A_85 = arith.shrsi %add3A_83, %shift_right_arithmetic3A_84 : i32
    %mul3A_86 = arith.constant 128 : i32
    %mul3A_87 = arith.muli %shift_right_arithmetic3A_85, %mul3A_86 : i32
    %and3A_88 = arith.constant 15 : i32
    %and3A_89 = arith.andi %add3A_83, %and3A_88 : i32
    %mul3A_90 = arith.constant 8 : i32
    %mul3A_91 = arith.muli %and3A_89, %mul3A_90 : i32
    %add3A_92 = arith.addi %mul3A_87, %mul3A_91 : i32
    %dma_start3A_93 = arith.constant 3 : i32
    %dma_start3A_94 = arith.constant 0 : i32
    %dma_start3A_95 = arith.constant 0 : i32
    %dma_start3A_96 = arith.constant 0 : i32
    %dma_start3A_97 = tpu.memref_slice %arg7[%dma_start3A_93, %dma_start3A_94, %dma_start3A_95, %dma_start3A_96] : memref<4x8x8x128xi32, #tpu.memory_space<vmem>> -> memref<1x8x8x128xi32, #tpu.memory_space<vmem>>
    %dma_start3A_98 = tpu.memref_squeeze %dma_start3A_97 : memref<1x8x8x128xi32, #tpu.memory_space<vmem>> -> memref<8x8x128xi32, #tpu.memory_space<vmem>>
    %dma_start3A_99 = arith.constant 0 : i32
    %dma_start3A_100 = arith.constant 0 : i32
    %dma_start3A_101 = tpu.memref_slice %arg3[%add3A_92, %dma_start3A_99, %dma_start3A_100] : memref<3200x8x128xi32, #tpu.memory_space<hbm>> -> memref<8x8x128xi32, #tpu.memory_space<hbm>>
    %dma_start3A_102 = arith.constant 0 : i32
    %dma_start3A_103 = arith.constant 0 : i32
    %dma_start3A_104 = arith.constant 0 : i32
    %dma_start3A_105 = tpu.memref_slice %arg7[%dma_start3A_93, %dma_start3A_102, %dma_start3A_103, %dma_start3A_104] : memref<4x8x8x128xi32, #tpu.memory_space<vmem>> -> memref<1x8x8x128xi32, #tpu.memory_space<vmem>>
    %dma_start3A_106 = tpu.memref_squeeze %dma_start3A_105 : memref<1x8x8x128xi32, #tpu.memory_space<vmem>> -> memref<8x8x128xi32, #tpu.memory_space<vmem>>
    %dma_start3A_107 = arith.constant 0 : i32
    %dma_start3A_108 = arith.constant 0 : i32
    %dma_start3A_109 = tpu.memref_slice %arg3[%add3A_92, %dma_start3A_107, %dma_start3A_108] : memref<3200x8x128xi32, #tpu.memory_space<hbm>> -> memref<8x8x128xi32, #tpu.memory_space<hbm>>
    tpu.enqueue_dma source(%dma_start3A_109 : memref<8x8x128xi32, #tpu.memory_space<hbm>>) target(%dma_start3A_106 : memref<8x8x128xi32, #tpu.memory_space<vmem>>) target_semaphore(%arg12 : memref<!tpu.dma_semaphore, #tpu.memory_space<semaphore_mem>>)
    "tpu.region"() ({
      %run_scoped3A = tpu.sem_alloc : memref<!tpu.dma_semaphore, #tpu.memory_space<semaphore_mem>>
      tpu.enqueue_dma source(%arg2 : memref<21x128xf32, #tpu.memory_space<hbm>>) target(%arg5 : memref<21x128xf32, #tpu.memory_space<vmem>>) target_semaphore(%run_scoped3A : memref<!tpu.dma_semaphore, #tpu.memory_space<semaphore_mem>>)
      tpu.wait_dma2 semaphore(%run_scoped3A : memref<!tpu.dma_semaphore, #tpu.memory_space<semaphore_mem>>) src(%arg2 : memref<21x128xf32, #tpu.memory_space<hbm>>) dst(%arg5 : memref<21x128xf32, #tpu.memory_space<vmem>>)
      tpu.yield
    }) : () -> ()
    %get3A = arith.constant 20 : i32
    %get3A_110 = arith.index_cast %get3A : i32 to index
    %get3A_111 = arith.constant 0 : index
    %get3A_112 = tpu.vector_load %arg5[%get3A_110, %get3A_111] {strides = array<i32>} : memref<21x128xf32, #tpu.memory_space<vmem>>, vector<16xf32>,
    %broadcast_in_dim3A = arith.constant 0.000000e+00 : f32
    %broadcast_in_dim3A_113 = vector.broadcast %broadcast_in_dim3A : f32 to vector<16xf32>
    %slice3A = vector.extract_strided_slice %get3A_112 {offsets = [10], sizes = [1], strides = [1]} : vector<16xf32> to vector<1xf32>
    %squeeze3A = vector.extract %slice3A[0] : f32 from vector<1xf32>
    %add3A_114 = vector.broadcast %squeeze3A : f32 to vector<16xf32>
    %add3A_115 = arith.addf %broadcast_in_dim3A_113, %add3A_114 : vector<16xf32>
    %get3A_116 = arith.constant 0 : i32
    %get3A_117 = arith.index_cast %get3A_116 : i32 to index
    %get3A_118 = arith.constant 0 : index
    %get3A_119 = tpu.vector_load %arg5[%get3A_117, %get3A_118] {strides = array<i32>} : memref<21x128xf32, #tpu.memory_space<vmem>>, vector<16xf32>,
    %get3A_120 = arith.constant 10 : i32
    %get3A_121 = arith.index_cast %get3A_120 : i32 to index
    %get3A_122 = arith.constant 0 : index
    %get3A_123 = tpu.vector_load %arg5[%get3A_121, %get3A_122] {strides = array<i32>} : memref<21x128xf32, #tpu.memory_space<vmem>>, vector<16xf32>,
    %add3A_124 = arith.addf %get3A_119, %get3A_123 : vector<16xf32>
    %slice3A_125 = vector.extract_strided_slice %get3A_112 {offsets = [0], sizes = [1], strides = [1]} : vector<16xf32> to vector<1xf32>
    %squeeze3A_126 = vector.extract %slice3A_125[0] : f32 from vector<1xf32>
    %mul3A_127 = vector.broadcast %squeeze3A_126 : f32 to vector<16xf32>
    %mul3A_128 = arith.mulf %add3A_124, %mul3A_127 : vector<16xf32>
    %add3A_129 = arith.addf %add3A_115, %mul3A_128 : vector<16xf32>
    %get3A_130 = arith.constant 1 : i32
    %get3A_131 = arith.index_cast %get3A_130 : i32 to index
    %get3A_132 = arith.constant 0 : index
    %get3A_133 = tpu.vector_load %arg5[%get3A_131, %get3A_132] {strides = array<i32>} : memref<21x128xf32, #tpu.memory_space<vmem>>, vector<16xf32>,
    %get3A_134 = arith.constant 11 : i32
    %get3A_135 = arith.index_cast %get3A_134 : i32 to index
    %get3A_136 = arith.constant 0 : index
    %get3A_137 = tpu.vector_load %arg5[%get3A_135, %get3A_136] {strides = array<i32>} : memref<21x128xf32, #tpu.memory_space<vmem>>, vector<16xf32>,
    %add3A_138 = arith.addf %get3A_133, %get3A_137 : vector<16xf32>
    %slice3A_139 = vector.extract_strided_slice %get3A_112 {offsets = [1], sizes = [1], strides = [1]} : vector<16xf32> to vector<1xf32>
    %squeeze3A_140 = vector.extract %slice3A_139[0] : f32 from vector<1xf32>
    %mul3A_141 = vector.broadcast %squeeze3A_140 : f32 to vector<16xf32>
    %mul3A_142 = arith.mulf %add3A_138, %mul3A_141 : vector<16xf32>
    %add3A_143 = arith.addf %add3A_129, %mul3A_142 : vector<16xf32>
    %get3A_144 = arith.constant 2 : i32
    %get3A_145 = arith.index_cast %get3A_144 : i32 to index
    %get3A_146 = arith.constant 0 : index
    %get3A_147 = tpu.vector_load %arg5[%get3A_145, %get3A_146] {strides = array<i32>} : memref<21x128xf32, #tpu.memory_space<vmem>>, vector<16xf32>,
    %get3A_148 = arith.constant 12 : i32
    %get3A_149 = arith.index_cast %get3A_148 : i32 to index
    %get3A_150 = arith.constant 0 : index
    %get3A_151 = tpu.vector_load %arg5[%get3A_149, %get3A_150] {strides = array<i32>} : memref<21x128xf32, #tpu.memory_space<vmem>>, vector<16xf32>,
    %add3A_152 = arith.addf %get3A_147, %get3A_151 : vector<16xf32>
    %slice3A_153 = vector.extract_strided_slice %get3A_112 {offsets = [2], sizes = [1], strides = [1]} : vector<16xf32> to vector<1xf32>
    %squeeze3A_154 = vector.extract %slice3A_153[0] : f32 from vector<1xf32>
    %mul3A_155 = vector.broadcast %squeeze3A_154 : f32 to vector<16xf32>
    %mul3A_156 = arith.mulf %add3A_152, %mul3A_155 : vector<16xf32>
    %add3A_157 = arith.addf %add3A_143, %mul3A_156 : vector<16xf32>
    %get3A_158 = arith.constant 3 : i32
    %get3A_159 = arith.index_cast %get3A_158 : i32 to index
    %get3A_160 = arith.constant 0 : index
    %get3A_161 = tpu.vector_load %arg5[%get3A_159, %get3A_160] {strides = array<i32>} : memref<21x128xf32, #tpu.memory_space<vmem>>, vector<16xf32>,
    %get3A_162 = arith.constant 13 : i32
    %get3A_163 = arith.index_cast %get3A_162 : i32 to index
    %get3A_164 = arith.constant 0 : index
    %get3A_165 = tpu.vector_load %arg5[%get3A_163, %get3A_164] {strides = array<i32>} : memref<21x128xf32, #tpu.memory_space<vmem>>, vector<16xf32>,
    %add3A_166 = arith.addf %get3A_161, %get3A_165 : vector<16xf32>
    %slice3A_167 = vector.extract_strided_slice %get3A_112 {offsets = [3], sizes = [1], strides = [1]} : vector<16xf32> to vector<1xf32>
    %squeeze3A_168 = vector.extract %slice3A_167[0] : f32 from vector<1xf32>
    %mul3A_169 = vector.broadcast %squeeze3A_168 : f32 to vector<16xf32>
    %mul3A_170 = arith.mulf %add3A_166, %mul3A_169 : vector<16xf32>
    %add3A_171 = arith.addf %add3A_157, %mul3A_170 : vector<16xf32>
    %get3A_172 = arith.constant 4 : i32
    %get3A_173 = arith.index_cast %get3A_172 : i32 to index
    %get3A_174 = arith.constant 0 : index
    %get3A_175 = tpu.vector_load %arg5[%get3A_173, %get3A_174] {strides = array<i32>} : memref<21x128xf32, #tpu.memory_space<vmem>>, vector<16xf32>,
    %get3A_176 = arith.constant 14 : i32
    %get3A_177 = arith.index_cast %get3A_176 : i32 to index
    %get3A_178 = arith.constant 0 : index
    %get3A_179 = tpu.vector_load %arg5[%get3A_177, %get3A_178] {strides = array<i32>} : memref<21x128xf32, #tpu.memory_space<vmem>>, vector<16xf32>,
    %add3A_180 = arith.addf %get3A_175, %get3A_179 : vector<16xf32>
    %slice3A_181 = vector.extract_strided_slice %get3A_112 {offsets = [4], sizes = [1], strides = [1]} : vector<16xf32> to vector<1xf32>
    %squeeze3A_182 = vector.extract %slice3A_181[0] : f32 from vector<1xf32>
    %mul3A_183 = vector.broadcast %squeeze3A_182 : f32 to vector<16xf32>
    %mul3A_184 = arith.mulf %add3A_180, %mul3A_183 : vector<16xf32>
    %add3A_185 = arith.addf %add3A_171, %mul3A_184 : vector<16xf32>
    %get3A_186 = arith.constant 5 : i32
    %get3A_187 = arith.index_cast %get3A_186 : i32 to index
    %get3A_188 = arith.constant 0 : index
    %get3A_189 = tpu.vector_load %arg5[%get3A_187, %get3A_188] {strides = array<i32>} : memref<21x128xf32, #tpu.memory_space<vmem>>, vector<16xf32>,
    %get3A_190 = arith.constant 15 : i32
    %get3A_191 = arith.index_cast %get3A_190 : i32 to index
    %get3A_192 = arith.constant 0 : index
    %get3A_193 = tpu.vector_load %arg5[%get3A_191, %get3A_192] {strides = array<i32>} : memref<21x128xf32, #tpu.memory_space<vmem>>, vector<16xf32>,
    %add3A_194 = arith.addf %get3A_189, %get3A_193 : vector<16xf32>
    %slice3A_195 = vector.extract_strided_slice %get3A_112 {offsets = [5], sizes = [1], strides = [1]} : vector<16xf32> to vector<1xf32>
    %squeeze3A_196 = vector.extract %slice3A_195[0] : f32 from vector<1xf32>
    %mul3A_197 = vector.broadcast %squeeze3A_196 : f32 to vector<16xf32>
    %mul3A_198 = arith.mulf %add3A_194, %mul3A_197 : vector<16xf32>
    %add3A_199 = arith.addf %add3A_185, %mul3A_198 : vector<16xf32>
    %get3A_200 = arith.constant 6 : i32
    %get3A_201 = arith.index_cast %get3A_200 : i32 to index
    %get3A_202 = arith.constant 0 : index
    %get3A_203 = tpu.vector_load %arg5[%get3A_201, %get3A_202] {strides = array<i32>} : memref<21x128xf32, #tpu.memory_space<vmem>>, vector<16xf32>,
    %get3A_204 = arith.constant 16 : i32
    %get3A_205 = arith.index_cast %get3A_204 : i32 to index
    %get3A_206 = arith.constant 0 : index
    %get3A_207 = tpu.vector_load %arg5[%get3A_205, %get3A_206] {strides = array<i32>} : memref<21x128xf32, #tpu.memory_space<vmem>>, vector<16xf32>,
    %add3A_208 = arith.addf %get3A_203, %get3A_207 : vector<16xf32>
    %slice3A_209 = vector.extract_strided_slice %get3A_112 {offsets = [6], sizes = [1], strides = [1]} : vector<16xf32> to vector<1xf32>
    %squeeze3A_210 = vector.extract %slice3A_209[0] : f32 from vector<1xf32>
    %mul3A_211 = vector.broadcast %squeeze3A_210 : f32 to vector<16xf32>
    %mul3A_212 = arith.mulf %add3A_208, %mul3A_211 : vector<16xf32>
    %add3A_213 = arith.addf %add3A_199, %mul3A_212 : vector<16xf32>
    %get3A_214 = arith.constant 7 : i32
    %get3A_215 = arith.index_cast %get3A_214 : i32 to index
    %get3A_216 = arith.constant 0 : index
    %get3A_217 = tpu.vector_load %arg5[%get3A_215, %get3A_216] {strides = array<i32>} : memref<21x128xf32, #tpu.memory_space<vmem>>, vector<16xf32>,
    %get3A_218 = arith.constant 17 : i32
    %get3A_219 = arith.index_cast %get3A_218 : i32 to index
    %get3A_220 = arith.constant 0 : index
    %get3A_221 = tpu.vector_load %arg5[%get3A_219, %get3A_220] {strides = array<i32>} : memref<21x128xf32, #tpu.memory_space<vmem>>, vector<16xf32>,
    %add3A_222 = arith.addf %get3A_217, %get3A_221 : vector<16xf32>
    %slice3A_223 = vector.extract_strided_slice %get3A_112 {offsets = [7], sizes = [1], strides = [1]} : vector<16xf32> to vector<1xf32>
    %squeeze3A_224 = vector.extract %slice3A_223[0] : f32 from vector<1xf32>
    %mul3A_225 = vector.broadcast %squeeze3A_224 : f32 to vector<16xf32>
    %mul3A_226 = arith.mulf %add3A_222, %mul3A_225 : vector<16xf32>
    %add3A_227 = arith.addf %add3A_213, %mul3A_226 : vector<16xf32>
    %get3A_228 = arith.constant 8 : i32
    %get3A_229 = arith.index_cast %get3A_228 : i32 to index
    %get3A_230 = arith.constant 0 : index
    %get3A_231 = tpu.vector_load %arg5[%get3A_229, %get3A_230] {strides = array<i32>} : memref<21x128xf32, #tpu.memory_space<vmem>>, vector<16xf32>,
    %get3A_232 = arith.constant 18 : i32
    %get3A_233 = arith.index_cast %get3A_232 : i32 to index
    %get3A_234 = arith.constant 0 : index
    %get3A_235 = tpu.vector_load %arg5[%get3A_233, %get3A_234] {strides = array<i32>} : memref<21x128xf32, #tpu.memory_space<vmem>>, vector<16xf32>,
    %add3A_236 = arith.addf %get3A_231, %get3A_235 : vector<16xf32>
    %slice3A_237 = vector.extract_strided_slice %get3A_112 {offsets = [8], sizes = [1], strides = [1]} : vector<16xf32> to vector<1xf32>
    %squeeze3A_238 = vector.extract %slice3A_237[0] : f32 from vector<1xf32>
    %mul3A_239 = vector.broadcast %squeeze3A_238 : f32 to vector<16xf32>
    %mul3A_240 = arith.mulf %add3A_236, %mul3A_239 : vector<16xf32>
    %add3A_241 = arith.addf %add3A_227, %mul3A_240 : vector<16xf32>
    %get3A_242 = arith.constant 9 : i32
    %get3A_243 = arith.index_cast %get3A_242 : i32 to index
    %get3A_244 = arith.constant 0 : index
    %get3A_245 = tpu.vector_load %arg5[%get3A_243, %get3A_244] {strides = array<i32>} : memref<21x128xf32, #tpu.memory_space<vmem>>, vector<16xf32>,
    %get3A_246 = arith.constant 19 : i32
    %get3A_247 = arith.index_cast %get3A_246 : i32 to index
    %get3A_248 = arith.constant 0 : index
    %get3A_249 = tpu.vector_load %arg5[%get3A_247, %get3A_248] {strides = array<i32>} : memref<21x128xf32, #tpu.memory_space<vmem>>, vector<16xf32>,
    %add3A_250 = arith.addf %get3A_245, %get3A_249 : vector<16xf32>
    %slice3A_251 = vector.extract_strided_slice %get3A_112 {offsets = [9], sizes = [1], strides = [1]} : vector<16xf32> to vector<1xf32>
    %squeeze3A_252 = vector.extract %slice3A_251[0] : f32 from vector<1xf32>
    %mul3A_253 = vector.broadcast %squeeze3A_252 : f32 to vector<16xf32>
    %mul3A_254 = arith.mulf %add3A_250, %mul3A_253 : vector<16xf32>
    %add3A_255 = arith.addf %add3A_241, %mul3A_254 : vector<16xf32>
    %swap3A = arith.constant 0 : index
    %swap3A_256 = tpu.vector_load %arg6[%swap3A] {strides = array<i32>} : memref<128xf32, #tpu.memory_space<vmem>>, vector<16xf32>,
    tpu.vector_store %arg6[%swap3A], %add3A_255 {strides = array<i32>} : memref<128xf32, #tpu.memory_space<vmem>>, vector<16xf32>,
    %broadcast_in_dim3A_257 = arith.constant 0.000000e+00 : f32
    %broadcast_in_dim3A_258 = vector.broadcast %broadcast_in_dim3A_257 : f32 to vector<16xf32>
    %slice3A_259 = vector.extract_strided_slice %get3A_112 {offsets = [10], sizes = [1], strides = [1]} : vector<16xf32> to vector<1xf32>
    %squeeze3A_260 = vector.extract %slice3A_259[0] : f32 from vector<1xf32>
    %add3A_261 = vector.broadcast %squeeze3A_260 : f32 to vector<16xf32>
    %add3A_262 = arith.addf %broadcast_in_dim3A_258, %add3A_261 : vector<16xf32>
    %get3A_263 = arith.constant 0 : i32
    %get3A_264 = arith.index_cast %get3A_263 : i32 to index
    %get3A_265 = arith.constant 16 : index
    %get3A_266 = tpu.vector_load %arg5[%get3A_264, %get3A_265] {strides = array<i32>} : memref<21x128xf32, #tpu.memory_space<vmem>>, vector<16xf32>,
    %get3A_267 = arith.constant 10 : i32
    %get3A_268 = arith.index_cast %get3A_267 : i32 to index
    %get3A_269 = arith.constant 16 : index
    %get3A_270 = tpu.vector_load %arg5[%get3A_268, %get3A_269] {strides = array<i32>} : memref<21x128xf32, #tpu.memory_space<vmem>>, vector<16xf32>,
    %add3A_271 = arith.addf %get3A_266, %get3A_270 : vector<16xf32>
    %slice3A_272 = vector.extract_strided_slice %get3A_112 {offsets = [0], sizes = [1], strides = [1]} : vector<16xf32> to vector<1xf32>
    %squeeze3A_273 = vector.extract %slice3A_272[0] : f32 from vector<1xf32>
    %mul3A_274 = vector.broadcast %squeeze3A_273 : f32 to vector<16xf32>
    %mul3A_275 = arith.mulf %add3A_271, %mul3A_274 : vector<16xf32>
    %add3A_276 = arith.addf %add3A_262, %mul3A_275 : vector<16xf32>
    %get3A_277 = arith.constant 1 : i32
    %get3A_278 = arith.index_cast %get3A_277 : i32 to index
    %get3A_279 = arith.constant 16 : index
    %get3A_280 = tpu.vector_load %arg5[%get3A_278, %get3A_279] {strides = array<i32>} : memref<21x128xf32, #tpu.memory_space<vmem>>, vector<16xf32>,
    %get3A_281 = arith.constant 11 : i32
    %get3A_282 = arith.index_cast %get3A_281 : i32 to index
    %get3A_283 = arith.constant 16 : index
    %get3A_284 = tpu.vector_load %arg5[%get3A_282, %get3A_283] {strides = array<i32>} : memref<21x128xf32, #tpu.memory_space<vmem>>, vector<16xf32>,
    %add3A_285 = arith.addf %get3A_280, %get3A_284 : vector<16xf32>
    %slice3A_286 = vector.extract_strided_slice %get3A_112 {offsets = [1], sizes = [1], strides = [1]} : vector<16xf32> to vector<1xf32>
    %squeeze3A_287 = vector.extract %slice3A_286[0] : f32 from vector<1xf32>
    %mul3A_288 = vector.broadcast %squeeze3A_287 : f32 to vector<16xf32>
    %mul3A_289 = arith.mulf %add3A_285, %mul3A_288 : vector<16xf32>
    %add3A_290 = arith.addf %add3A_276, %mul3A_289 : vector<16xf32>
    %get3A_291 = arith.constant 2 : i32
    %get3A_292 = arith.index_cast %get3A_291 : i32 to index
    %get3A_293 = arith.constant 16 : index
    %get3A_294 = tpu.vector_load %arg5[%get3A_292, %get3A_293] {strides = array<i32>} : memref<21x128xf32, #tpu.memory_space<vmem>>, vector<16xf32>,
    %get3A_295 = arith.constant 12 : i32
    %get3A_296 = arith.index_cast %get3A_295 : i32 to index
    %get3A_297 = arith.constant 16 : index
    %get3A_298 = tpu.vector_load %arg5[%get3A_296, %get3A_297] {strides = array<i32>} : memref<21x128xf32, #tpu.memory_space<vmem>>, vector<16xf32>,
    %add3A_299 = arith.addf %get3A_294, %get3A_298 : vector<16xf32>
    %slice3A_300 = vector.extract_strided_slice %get3A_112 {offsets = [2], sizes = [1], strides = [1]} : vector<16xf32> to vector<1xf32>
    %squeeze3A_301 = vector.extract %slice3A_300[0] : f32 from vector<1xf32>
    %mul3A_302 = vector.broadcast %squeeze3A_301 : f32 to vector<16xf32>
    %mul3A_303 = arith.mulf %add3A_299, %mul3A_302 : vector<16xf32>
    %add3A_304 = arith.addf %add3A_290, %mul3A_303 : vector<16xf32>
    %get3A_305 = arith.constant 3 : i32
    %get3A_306 = arith.index_cast %get3A_305 : i32 to index
    %get3A_307 = arith.constant 16 : index
    %get3A_308 = tpu.vector_load %arg5[%get3A_306, %get3A_307] {strides = array<i32>} : memref<21x128xf32, #tpu.memory_space<vmem>>, vector<16xf32>,
    %get3A_309 = arith.constant 13 : i32
    %get3A_310 = arith.index_cast %get3A_309 : i32 to index
    %get3A_311 = arith.constant 16 : index
    %get3A_312 = tpu.vector_load %arg5[%get3A_310, %get3A_311] {strides = array<i32>} : memref<21x128xf32, #tpu.memory_space<vmem>>, vector<16xf32>,
    %add3A_313 = arith.addf %get3A_308, %get3A_312 : vector<16xf32>
    %slice3A_314 = vector.extract_strided_slice %get3A_112 {offsets = [3], sizes = [1], strides = [1]} : vector<16xf32> to vector<1xf32>
    %squeeze3A_315 = vector.extract %slice3A_314[0] : f32 from vector<1xf32>
    %mul3A_316 = vector.broadcast %squeeze3A_315 : f32 to vector<16xf32>
    %mul3A_317 = arith.mulf %add3A_313, %mul3A_316 : vector<16xf32>
    %add3A_318 = arith.addf %add3A_304, %mul3A_317 : vector<16xf32>
    %get3A_319 = arith.constant 4 : i32
    %get3A_320 = arith.index_cast %get3A_319 : i32 to index
    %get3A_321 = arith.constant 16 : index
    %get3A_322 = tpu.vector_load %arg5[%get3A_320, %get3A_321] {strides = array<i32>} : memref<21x128xf32, #tpu.memory_space<vmem>>, vector<16xf32>,
    %get3A_323 = arith.constant 14 : i32
    %get3A_324 = arith.index_cast %get3A_323 : i32 to index
    %get3A_325 = arith.constant 16 : index
    %get3A_326 = tpu.vector_load %arg5[%get3A_324, %get3A_325] {strides = array<i32>} : memref<21x128xf32, #tpu.memory_space<vmem>>, vector<16xf32>,
    %add3A_327 = arith.addf %get3A_322, %get3A_326 : vector<16xf32>
    %slice3A_328 = vector.extract_strided_slice %get3A_112 {offsets = [4], sizes = [1], strides = [1]} : vector<16xf32> to vector<1xf32>
    %squeeze3A_329 = vector.extract %slice3A_328[0] : f32 from vector<1xf32>
    %mul3A_330 = vector.broadcast %squeeze3A_329 : f32 to vector<16xf32>
    %mul3A_331 = arith.mulf %add3A_327, %mul3A_330 : vector<16xf32>
    %add3A_332 = arith.addf %add3A_318, %mul3A_331 : vector<16xf32>
    %get3A_333 = arith.constant 5 : i32
    %get3A_334 = arith.index_cast %get3A_333 : i32 to index
    %get3A_335 = arith.constant 16 : index
    %get3A_336 = tpu.vector_load %arg5[%get3A_334, %get3A_335] {strides = array<i32>} : memref<21x128xf32, #tpu.memory_space<vmem>>, vector<16xf32>,
    %get3A_337 = arith.constant 15 : i32
    %get3A_338 = arith.index_cast %get3A_337 : i32 to index
    %get3A_339 = arith.constant 16 : index
    %get3A_340 = tpu.vector_load %arg5[%get3A_338, %get3A_339] {strides = array<i32>} : memref<21x128xf32, #tpu.memory_space<vmem>>, vector<16xf32>,
    %add3A_341 = arith.addf %get3A_336, %get3A_340 : vector<16xf32>
    %slice3A_342 = vector.extract_strided_slice %get3A_112 {offsets = [5], sizes = [1], strides = [1]} : vector<16xf32> to vector<1xf32>
    %squeeze3A_343 = vector.extract %slice3A_342[0] : f32 from vector<1xf32>
    %mul3A_344 = vector.broadcast %squeeze3A_343 : f32 to vector<16xf32>
    %mul3A_345 = arith.mulf %add3A_341, %mul3A_344 : vector<16xf32>
    %add3A_346 = arith.addf %add3A_332, %mul3A_345 : vector<16xf32>
    %get3A_347 = arith.constant 6 : i32
    %get3A_348 = arith.index_cast %get3A_347 : i32 to index
    %get3A_349 = arith.constant 16 : index
    %get3A_350 = tpu.vector_load %arg5[%get3A_348, %get3A_349] {strides = array<i32>} : memref<21x128xf32, #tpu.memory_space<vmem>>, vector<16xf32>,
    %get3A_351 = arith.constant 16 : i32
    %get3A_352 = arith.index_cast %get3A_351 : i32 to index
    %get3A_353 = arith.constant 16 : index
    %get3A_354 = tpu.vector_load %arg5[%get3A_352, %get3A_353] {strides = array<i32>} : memref<21x128xf32, #tpu.memory_space<vmem>>, vector<16xf32>,
    %add3A_355 = arith.addf %get3A_350, %get3A_354 : vector<16xf32>
    %slice3A_356 = vector.extract_strided_slice %get3A_112 {offsets = [6], sizes = [1], strides = [1]} : vector<16xf32> to vector<1xf32>
    %squeeze3A_357 = vector.extract %slice3A_356[0] : f32 from vector<1xf32>
    %mul3A_358 = vector.broadcast %squeeze3A_357 : f32 to vector<16xf32>
    %mul3A_359 = arith.mulf %add3A_355, %mul3A_358 : vector<16xf32>
    %add3A_360 = arith.addf %add3A_346, %mul3A_359 : vector<16xf32>
    %get3A_361 = arith.constant 7 : i32
    %get3A_362 = arith.index_cast %get3A_361 : i32 to index
    %get3A_363 = arith.constant 16 : index
    %get3A_364 = tpu.vector_load %arg5[%get3A_362, %get3A_363] {strides = array<i32>} : memref<21x128xf32, #tpu.memory_space<vmem>>, vector<16xf32>,
    %get3A_365 = arith.constant 17 : i32
    %get3A_366 = arith.index_cast %get3A_365 : i32 to index
    %get3A_367 = arith.constant 16 : index
    %get3A_368 = tpu.vector_load %arg5[%get3A_366, %get3A_367] {strides = array<i32>} : memref<21x128xf32, #tpu.memory_space<vmem>>, vector<16xf32>,
    %add3A_369 = arith.addf %get3A_364, %get3A_368 : vector<16xf32>
    %slice3A_370 = vector.extract_strided_slice %get3A_112 {offsets = [7], sizes = [1], strides = [1]} : vector<16xf32> to vector<1xf32>
    %squeeze3A_371 = vector.extract %slice3A_370[0] : f32 from vector<1xf32>
    %mul3A_372 = vector.broadcast %squeeze3A_371 : f32 to vector<16xf32>
    %mul3A_373 = arith.mulf %add3A_369, %mul3A_372 : vector<16xf32>
    %add3A_374 = arith.addf %add3A_360, %mul3A_373 : vector<16xf32>
    %get3A_375 = arith.constant 8 : i32
    %get3A_376 = arith.index_cast %get3A_375 : i32 to index
    %get3A_377 = arith.constant 16 : index
    %get3A_378 = tpu.vector_load %arg5[%get3A_376, %get3A_377] {strides = array<i32>} : memref<21x128xf32, #tpu.memory_space<vmem>>, vector<16xf32>,
    %get3A_379 = arith.constant 18 : i32
    %get3A_380 = arith.index_cast %get3A_379 : i32 to index
    %get3A_381 = arith.constant 16 : index
    %get3A_382 = tpu.vector_load %arg5[%get3A_380, %get3A_381] {strides = array<i32>} : memref<21x128xf32, #tpu.memory_space<vmem>>, vector<16xf32>,
    %add3A_383 = arith.addf %get3A_378, %get3A_382 : vector<16xf32>
    %slice3A_384 = vector.extract_strided_slice %get3A_112 {offsets = [8], sizes = [1], strides = [1]} : vector<16xf32> to vector<1xf32>
    %squeeze3A_385 = vector.extract %slice3A_384[0] : f32 from vector<1xf32>
    %mul3A_386 = vector.broadcast %squeeze3A_385 : f32 to vector<16xf32>
    %mul3A_387 = arith.mulf %add3A_383, %mul3A_386 : vector<16xf32>
    %add3A_388 = arith.addf %add3A_374, %mul3A_387 : vector<16xf32>
    %get3A_389 = arith.constant 9 : i32
    %get3A_390 = arith.index_cast %get3A_389 : i32 to index
    %get3A_391 = arith.constant 16 : index
    %get3A_392 = tpu.vector_load %arg5[%get3A_390, %get3A_391] {strides = array<i32>} : memref<21x128xf32, #tpu.memory_space<vmem>>, vector<16xf32>,
    %get3A_393 = arith.constant 19 : i32
    %get3A_394 = arith.index_cast %get3A_393 : i32 to index
    %get3A_395 = arith.constant 16 : index
    %get3A_396 = tpu.vector_load %arg5[%get3A_394, %get3A_395] {strides = array<i32>} : memref<21x128xf32, #tpu.memory_space<vmem>>, vector<16xf32>,
    %add3A_397 = arith.addf %get3A_392, %get3A_396 : vector<16xf32>
    %slice3A_398 = vector.extract_strided_slice %get3A_112 {offsets = [9], sizes = [1], strides = [1]} : vector<16xf32> to vector<1xf32>
    %squeeze3A_399 = vector.extract %slice3A_398[0] : f32 from vector<1xf32>
    %mul3A_400 = vector.broadcast %squeeze3A_399 : f32 to vector<16xf32>
    %mul3A_401 = arith.mulf %add3A_397, %mul3A_400 : vector<16xf32>
    %add3A_402 = arith.addf %add3A_388, %mul3A_401 : vector<16xf32>
    %swap3A_403 = arith.constant 16 : index
    %swap3A_404 = tpu.vector_load %arg6[%swap3A_403] {strides = array<i32>} : memref<128xf32, #tpu.memory_space<vmem>>, vector<16xf32>,
    tpu.vector_store %arg6[%swap3A_403], %add3A_402 {strides = array<i32>} : memref<128xf32, #tpu.memory_space<vmem>>, vector<16xf32>,
    %broadcast_in_dim3A_405 = arith.constant 0.000000e+00 : f32
    %broadcast_in_dim3A_406 = vector.broadcast %broadcast_in_dim3A_405 : f32 to vector<16xf32>
    %slice3A_407 = vector.extract_strided_slice %get3A_112 {offsets = [10], sizes = [1], strides = [1]} : vector<16xf32> to vector<1xf32>
    %squeeze3A_408 = vector.extract %slice3A_407[0] : f32 from vector<1xf32>
    %add3A_409 = vector.broadcast %squeeze3A_408 : f32 to vector<16xf32>
    %add3A_410 = arith.addf %broadcast_in_dim3A_406, %add3A_409 : vector<16xf32>
    %get3A_411 = arith.constant 0 : i32
    %get3A_412 = arith.index_cast %get3A_411 : i32 to index
    %get3A_413 = arith.constant 32 : index
    %get3A_414 = tpu.vector_load %arg5[%get3A_412, %get3A_413] {strides = array<i32>} : memref<21x128xf32, #tpu.memory_space<vmem>>, vector<16xf32>,
    %get3A_415 = arith.constant 10 : i32
    %get3A_416 = arith.index_cast %get3A_415 : i32 to index
    %get3A_417 = arith.constant 32 : index
    %get3A_418 = tpu.vector_load %arg5[%get3A_416, %get3A_417] {strides = array<i32>} : memref<21x128xf32, #tpu.memory_space<vmem>>, vector<16xf32>,
    %add3A_419 = arith.addf %get3A_414, %get3A_418 : vector<16xf32>
    %slice3A_420 = vector.extract_strided_slice %get3A_112 {offsets = [0], sizes = [1], strides = [1]} : vector<16xf32> to vector<1xf32>
    %squeeze3A_421 = vector.extract %slice3A_420[0] : f32 from vector<1xf32>
    %mul3A_422 = vector.broadcast %squeeze3A_421 : f32 to vector<16xf32>
    %mul3A_423 = arith.mulf %add3A_419, %mul3A_422 : vector<16xf32>
    %add3A_424 = arith.addf %add3A_410, %mul3A_423 : vector<16xf32>
    %get3A_425 = arith.constant 1 : i32
    %get3A_426 = arith.index_cast %get3A_425 : i32 to index
    %get3A_427 = arith.constant 32 : index
    %get3A_428 = tpu.vector_load %arg5[%get3A_426, %get3A_427] {strides = array<i32>} : memref<21x128xf32, #tpu.memory_space<vmem>>, vector<16xf32>,
    %get3A_429 = arith.constant 11 : i32
    %get3A_430 = arith.index_cast %get3A_429 : i32 to index
    %get3A_431 = arith.constant 32 : index
    %get3A_432 = tpu.vector_load %arg5[%get3A_430, %get3A_431] {strides = array<i32>} : memref<21x128xf32, #tpu.memory_space<vmem>>, vector<16xf32>,
    %add3A_433 = arith.addf %get3A_428, %get3A_432 : vector<16xf32>
    %slice3A_434 = vector.extract_strided_slice %get3A_112 {offsets = [1], sizes = [1], strides = [1]} : vector<16xf32> to vector<1xf32>
    %squeeze3A_435 = vector.extract %slice3A_434[0] : f32 from vector<1xf32>
    %mul3A_436 = vector.broadcast %squeeze3A_435 : f32 to vector<16xf32>
    %mul3A_437 = arith.mulf %add3A_433, %mul3A_436 : vector<16xf32>
    %add3A_438 = arith.addf %add3A_424, %mul3A_437 : vector<16xf32>
    %get3A_439 = arith.constant 2 : i32
    %get3A_440 = arith.index_cast %get3A_439 : i32 to index
    %get3A_441 = arith.constant 32 : index
    %get3A_442 = tpu.vector_load %arg5[%get3A_440, %get3A_441] {strides = array<i32>} : memref<21x128xf32, #tpu.memory_space<vmem>>, vector<16xf32>,
    %get3A_443 = arith.constant 12 : i32
    %get3A_444 = arith.index_cast %get3A_443 : i32 to index
    %get3A_445 = arith.constant 32 : index
    %get3A_446 = tpu.vector_load %arg5[%get3A_444, %get3A_445] {strides = array<i32>} : memref<21x128xf32, #tpu.memory_space<vmem>>, vector<16xf32>,
    %add3A_447 = arith.addf %get3A_442, %get3A_446 : vector<16xf32>
    %slice3A_448 = vector.extract_strided_slice %get3A_112 {offsets = [2], sizes = [1], strides = [1]} : vector<16xf32> to vector<1xf32>
    %squeeze3A_449 = vector.extract %slice3A_448[0] : f32 from vector<1xf32>
    %mul3A_450 = vector.broadcast %squeeze3A_449 : f32 to vector<16xf32>
    %mul3A_451 = arith.mulf %add3A_447, %mul3A_450 : vector<16xf32>
    %add3A_452 = arith.addf %add3A_438, %mul3A_451 : vector<16xf32>
    %get3A_453 = arith.constant 3 : i32
    %get3A_454 = arith.index_cast %get3A_453 : i32 to index
    %get3A_455 = arith.constant 32 : index
    %get3A_456 = tpu.vector_load %arg5[%get3A_454, %get3A_455] {strides = array<i32>} : memref<21x128xf32, #tpu.memory_space<vmem>>, vector<16xf32>,
    %get3A_457 = arith.constant 13 : i32
    %get3A_458 = arith.index_cast %get3A_457 : i32 to index
    %get3A_459 = arith.constant 32 : index
    %get3A_460 = tpu.vector_load %arg5[%get3A_458, %get3A_459] {strides = array<i32>} : memref<21x128xf32, #tpu.memory_space<vmem>>, vector<16xf32>,
    %add3A_461 = arith.addf %get3A_456, %get3A_460 : vector<16xf32>
    %slice3A_462 = vector.extract_strided_slice %get3A_112 {offsets = [3], sizes = [1], strides = [1]} : vector<16xf32> to vector<1xf32>
    %squeeze3A_463 = vector.extract %slice3A_462[0] : f32 from vector<1xf32>
    %mul3A_464 = vector.broadcast %squeeze3A_463 : f32 to vector<16xf32>
    %mul3A_465 = arith.mulf %add3A_461, %mul3A_464 : vector<16xf32>
    %add3A_466 = arith.addf %add3A_452, %mul3A_465 : vector<16xf32>
    %get3A_467 = arith.constant 4 : i32
    %get3A_468 = arith.index_cast %get3A_467 : i32 to index
    %get3A_469 = arith.constant 32 : index
    %get3A_470 = tpu.vector_load %arg5[%get3A_468, %get3A_469] {strides = array<i32>} : memref<21x128xf32, #tpu.memory_space<vmem>>, vector<16xf32>,
    %get3A_471 = arith.constant 14 : i32
    %get3A_472 = arith.index_cast %get3A_471 : i32 to index
    %get3A_473 = arith.constant 32 : index
    %get3A_474 = tpu.vector_load %arg5[%get3A_472, %get3A_473] {strides = array<i32>} : memref<21x128xf32, #tpu.memory_space<vmem>>, vector<16xf32>,
    %add3A_475 = arith.addf %get3A_470, %get3A_474 : vector<16xf32>
    %slice3A_476 = vector.extract_strided_slice %get3A_112 {offsets = [4], sizes = [1], strides = [1]} : vector<16xf32> to vector<1xf32>
    %squeeze3A_477 = vector.extract %slice3A_476[0] : f32 from vector<1xf32>
    %mul3A_478 = vector.broadcast %squeeze3A_477 : f32 to vector<16xf32>
    %mul3A_479 = arith.mulf %add3A_475, %mul3A_478 : vector<16xf32>
    %add3A_480 = arith.addf %add3A_466, %mul3A_479 : vector<16xf32>
    %get3A_481 = arith.constant 5 : i32
    %get3A_482 = arith.index_cast %get3A_481 : i32 to index
    %get3A_483 = arith.constant 32 : index
    %get3A_484 = tpu.vector_load %arg5[%get3A_482, %get3A_483] {strides = array<i32>} : memref<21x128xf32, #tpu.memory_space<vmem>>, vector<16xf32>,
    %get3A_485 = arith.constant 15 : i32
    %get3A_486 = arith.index_cast %get3A_485 : i32 to index
    %get3A_487 = arith.constant 32 : index
    %get3A_488 = tpu.vector_load %arg5[%get3A_486, %get3A_487] {strides = array<i32>} : memref<21x128xf32, #tpu.memory_space<vmem>>, vector<16xf32>,
    %add3A_489 = arith.addf %get3A_484, %get3A_488 : vector<16xf32>
    %slice3A_490 = vector.extract_strided_slice %get3A_112 {offsets = [5], sizes = [1], strides = [1]} : vector<16xf32> to vector<1xf32>
    %squeeze3A_491 = vector.extract %slice3A_490[0] : f32 from vector<1xf32>
    %mul3A_492 = vector.broadcast %squeeze3A_491 : f32 to vector<16xf32>
    %mul3A_493 = arith.mulf %add3A_489, %mul3A_492 : vector<16xf32>
    %add3A_494 = arith.addf %add3A_480, %mul3A_493 : vector<16xf32>
    %get3A_495 = arith.constant 6 : i32
    %get3A_496 = arith.index_cast %get3A_495 : i32 to index
    %get3A_497 = arith.constant 32 : index
    %get3A_498 = tpu.vector_load %arg5[%get3A_496, %get3A_497] {strides = array<i32>} : memref<21x128xf32, #tpu.memory_space<vmem>>, vector<16xf32>,
    %get3A_499 = arith.constant 16 : i32
    %get3A_500 = arith.index_cast %get3A_499 : i32 to index
    %get3A_501 = arith.constant 32 : index
    %get3A_502 = tpu.vector_load %arg5[%get3A_500, %get3A_501] {strides = array<i32>} : memref<21x128xf32, #tpu.memory_space<vmem>>, vector<16xf32>,
    %add3A_503 = arith.addf %get3A_498, %get3A_502 : vector<16xf32>
    %slice3A_504 = vector.extract_strided_slice %get3A_112 {offsets = [6], sizes = [1], strides = [1]} : vector<16xf32> to vector<1xf32>
    %squeeze3A_505 = vector.extract %slice3A_504[0] : f32 from vector<1xf32>
    %mul3A_506 = vector.broadcast %squeeze3A_505 : f32 to vector<16xf32>
    %mul3A_507 = arith.mulf %add3A_503, %mul3A_506 : vector<16xf32>
    %add3A_508 = arith.addf %add3A_494, %mul3A_507 : vector<16xf32>
    %get3A_509 = arith.constant 7 : i32
    %get3A_510 = arith.index_cast %get3A_509 : i32 to index
    %get3A_511 = arith.constant 32 : index
    %get3A_512 = tpu.vector_load %arg5[%get3A_510, %get3A_511] {strides = array<i32>} : memref<21x128xf32, #tpu.memory_space<vmem>>, vector<16xf32>,
    %get3A_513 = arith.constant 17 : i32
    %get3A_514 = arith.index_cast %get3A_513 : i32 to index
    %get3A_515 = arith.constant 32 : index
    %get3A_516 = tpu.vector_load %arg5[%get3A_514, %get3A_515] {strides = array<i32>} : memref<21x128xf32, #tpu.memory_space<vmem>>, vector<16xf32>,
    %add3A_517 = arith.addf %get3A_512, %get3A_516 : vector<16xf32>
    %slice3A_518 = vector.extract_strided_slice %get3A_112 {offsets = [7], sizes = [1], strides = [1]} : vector<16xf32> to vector<1xf32>
    %squeeze3A_519 = vector.extract %slice3A_518[0] : f32 from vector<1xf32>
    %mul3A_520 = vector.broadcast %squeeze3A_519 : f32 to vector<16xf32>
    %mul3A_521 = arith.mulf %add3A_517, %mul3A_520 : vector<16xf32>
    %add3A_522 = arith.addf %add3A_508, %mul3A_521 : vector<16xf32>
    %get3A_523 = arith.constant 8 : i32
    %get3A_524 = arith.index_cast %get3A_523 : i32 to index
    %get3A_525 = arith.constant 32 : index
    %get3A_526 = tpu.vector_load %arg5[%get3A_524, %get3A_525] {strides = array<i32>} : memref<21x128xf32, #tpu.memory_space<vmem>>, vector<16xf32>,
    %get3A_527 = arith.constant 18 : i32
    %get3A_528 = arith.index_cast %get3A_527 : i32 to index
    %get3A_529 = arith.constant 32 : index
    %get3A_530 = tpu.vector_load %arg5[%get3A_528, %get3A_529] {strides = array<i32>} : memref<21x128xf32, #tpu.memory_space<vmem>>, vector<16xf32>,
    %add3A_531 = arith.addf %get3A_526, %get3A_530 : vector<16xf32>
    %slice3A_532 = vector.extract_strided_slice %get3A_112 {offsets = [8], sizes = [1], strides = [1]} : vector<16xf32> to vector<1xf32>
    %squeeze3A_533 = vector.extract %slice3A_532[0] : f32 from vector<1xf32>
    %mul3A_534 = vector.broadcast %squeeze3A_533 : f32 to vector<16xf32>
    %mul3A_535 = arith.mulf %add3A_531, %mul3A_534 : vector<16xf32>
    %add3A_536 = arith.addf %add3A_522, %mul3A_535 : vector<16xf32>
    %get3A_537 = arith.constant 9 : i32
    %get3A_538 = arith.index_cast %get3A_537 : i32 to index
    %get3A_539 = arith.constant 32 : index
    %get3A_540 = tpu.vector_load %arg5[%get3A_538, %get3A_539] {strides = array<i32>} : memref<21x128xf32, #tpu.memory_space<vmem>>, vector<16xf32>,
    %get3A_541 = arith.constant 19 : i32
    %get3A_542 = arith.index_cast %get3A_541 : i32 to index
    %get3A_543 = arith.constant 32 : index
    %get3A_544 = tpu.vector_load %arg5[%get3A_542, %get3A_543] {strides = array<i32>} : memref<21x128xf32, #tpu.memory_space<vmem>>, vector<16xf32>,
    %add3A_545 = arith.addf %get3A_540, %get3A_544 : vector<16xf32>
    %slice3A_546 = vector.extract_strided_slice %get3A_112 {offsets = [9], sizes = [1], strides = [1]} : vector<16xf32> to vector<1xf32>
    %squeeze3A_547 = vector.extract %slice3A_546[0] : f32 from vector<1xf32>
    %mul3A_548 = vector.broadcast %squeeze3A_547 : f32 to vector<16xf32>
    %mul3A_549 = arith.mulf %add3A_545, %mul3A_548 : vector<16xf32>
    %add3A_550 = arith.addf %add3A_536, %mul3A_549 : vector<16xf32>
    %swap3A_551 = arith.constant 32 : index
    %swap3A_552 = tpu.vector_load %arg6[%swap3A_551] {strides = array<i32>} : memref<128xf32, #tpu.memory_space<vmem>>, vector<16xf32>,
    tpu.vector_store %arg6[%swap3A_551], %add3A_550 {strides = array<i32>} : memref<128xf32, #tpu.memory_space<vmem>>, vector<16xf32>,
    %broadcast_in_dim3A_553 = arith.constant 0.000000e+00 : f32
    %broadcast_in_dim3A_554 = vector.broadcast %broadcast_in_dim3A_553 : f32 to vector<16xf32>
    %slice3A_555 = vector.extract_strided_slice %get3A_112 {offsets = [10], sizes = [1], strides = [1]} : vector<16xf32> to vector<1xf32>
    %squeeze3A_556 = vector.extract %slice3A_555[0] : f32 from vector<1xf32>
    %add3A_557 = vector.broadcast %squeeze3A_556 : f32 to vector<16xf32>
    %add3A_558 = arith.addf %broadcast_in_dim3A_554, %add3A_557 : vector<16xf32>
    %get3A_559 = arith.constant 0 : i32
    %get3A_560 = arith.index_cast %get3A_559 : i32 to index
    %get3A_561 = arith.constant 48 : index
    %get3A_562 = tpu.vector_load %arg5[%get3A_560, %get3A_561] {strides = array<i32>} : memref<21x128xf32, #tpu.memory_space<vmem>>, vector<16xf32>,
    %get3A_563 = arith.constant 10 : i32
    %get3A_564 = arith.index_cast %get3A_563 : i32 to index
    %get3A_565 = arith.constant 48 : index
    %get3A_566 = tpu.vector_load %arg5[%get3A_564, %get3A_565] {strides = array<i32>} : memref<21x128xf32, #tpu.memory_space<vmem>>, vector<16xf32>,
    %add3A_567 = arith.addf %get3A_562, %get3A_566 : vector<16xf32>
    %slice3A_568 = vector.extract_strided_slice %get3A_112 {offsets = [0], sizes = [1], strides = [1]} : vector<16xf32> to vector<1xf32>
    %squeeze3A_569 = vector.extract %slice3A_568[0] : f32 from vector<1xf32>
    %mul3A_570 = vector.broadcast %squeeze3A_569 : f32 to vector<16xf32>
    %mul3A_571 = arith.mulf %add3A_567, %mul3A_570 : vector<16xf32>
    %add3A_572 = arith.addf %add3A_558, %mul3A_571 : vector<16xf32>
    %get3A_573 = arith.constant 1 : i32
    %get3A_574 = arith.index_cast %get3A_573 : i32 to index
    %get3A_575 = arith.constant 48 : index
    %get3A_576 = tpu.vector_load %arg5[%get3A_574, %get3A_575] {strides = array<i32>} : memref<21x128xf32, #tpu.memory_space<vmem>>, vector<16xf32>,
    %get3A_577 = arith.constant 11 : i32
    %get3A_578 = arith.index_cast %get3A_577 : i32 to index
    %get3A_579 = arith.constant 48 : index
    %get3A_580 = tpu.vector_load %arg5[%get3A_578, %get3A_579] {strides = array<i32>} : memref<21x128xf32, #tpu.memory_space<vmem>>, vector<16xf32>,
    %add3A_581 = arith.addf %get3A_576, %get3A_580 : vector<16xf32>
    %slice3A_582 = vector.extract_strided_slice %get3A_112 {offsets = [1], sizes = [1], strides = [1]} : vector<16xf32> to vector<1xf32>
    %squeeze3A_583 = vector.extract %slice3A_582[0] : f32 from vector<1xf32>
    %mul3A_584 = vector.broadcast %squeeze3A_583 : f32 to vector<16xf32>
    %mul3A_585 = arith.mulf %add3A_581, %mul3A_584 : vector<16xf32>
    %add3A_586 = arith.addf %add3A_572, %mul3A_585 : vector<16xf32>
    %get3A_587 = arith.constant 2 : i32
    %get3A_588 = arith.index_cast %get3A_587 : i32 to index
    %get3A_589 = arith.constant 48 : index
    %get3A_590 = tpu.vector_load %arg5[%get3A_588, %get3A_589] {strides = array<i32>} : memref<21x128xf32, #tpu.memory_space<vmem>>, vector<16xf32>,
    %get3A_591 = arith.constant 12 : i32
    %get3A_592 = arith.index_cast %get3A_591 : i32 to index
    %get3A_593 = arith.constant 48 : index
    %get3A_594 = tpu.vector_load %arg5[%get3A_592, %get3A_593] {strides = array<i32>} : memref<21x128xf32, #tpu.memory_space<vmem>>, vector<16xf32>,
    %add3A_595 = arith.addf %get3A_590, %get3A_594 : vector<16xf32>
    %slice3A_596 = vector.extract_strided_slice %get3A_112 {offsets = [2], sizes = [1], strides = [1]} : vector<16xf32> to vector<1xf32>
    %squeeze3A_597 = vector.extract %slice3A_596[0] : f32 from vector<1xf32>
    %mul3A_598 = vector.broadcast %squeeze3A_597 : f32 to vector<16xf32>
    %mul3A_599 = arith.mulf %add3A_595, %mul3A_598 : vector<16xf32>
    %add3A_600 = arith.addf %add3A_586, %mul3A_599 : vector<16xf32>
    %get3A_601 = arith.constant 3 : i32
    %get3A_602 = arith.index_cast %get3A_601 : i32 to index
    %get3A_603 = arith.constant 48 : index
    %get3A_604 = tpu.vector_load %arg5[%get3A_602, %get3A_603] {strides = array<i32>} : memref<21x128xf32, #tpu.memory_space<vmem>>, vector<16xf32>,
    %get3A_605 = arith.constant 13 : i32
    %get3A_606 = arith.index_cast %get3A_605 : i32 to index
    %get3A_607 = arith.constant 48 : index
    %get3A_608 = tpu.vector_load %arg5[%get3A_606, %get3A_607] {strides = array<i32>} : memref<21x128xf32, #tpu.memory_space<vmem>>, vector<16xf32>,
    %add3A_609 = arith.addf %get3A_604, %get3A_608 : vector<16xf32>
    %slice3A_610 = vector.extract_strided_slice %get3A_112 {offsets = [3], sizes = [1], strides = [1]} : vector<16xf32> to vector<1xf32>
    %squeeze3A_611 = vector.extract %slice3A_610[0] : f32 from vector<1xf32>
    %mul3A_612 = vector.broadcast %squeeze3A_611 : f32 to vector<16xf32>
    %mul3A_613 = arith.mulf %add3A_609, %mul3A_612 : vector<16xf32>
    %add3A_614 = arith.addf %add3A_600, %mul3A_613 : vector<16xf32>
    %get3A_615 = arith.constant 4 : i32
    %get3A_616 = arith.index_cast %get3A_615 : i32 to index
    %get3A_617 = arith.constant 48 : index
    %get3A_618 = tpu.vector_load %arg5[%get3A_616, %get3A_617] {strides = array<i32>} : memref<21x128xf32, #tpu.memory_space<vmem>>, vector<16xf32>,
    %get3A_619 = arith.constant 14 : i32
    %get3A_620 = arith.index_cast %get3A_619 : i32 to index
    %get3A_621 = arith.constant 48 : index
    %get3A_622 = tpu.vector_load %arg5[%get3A_620, %get3A_621] {strides = array<i32>} : memref<21x128xf32, #tpu.memory_space<vmem>>, vector<16xf32>,
    %add3A_623 = arith.addf %get3A_618, %get3A_622 : vector<16xf32>
    %slice3A_624 = vector.extract_strided_slice %get3A_112 {offsets = [4], sizes = [1], strides = [1]} : vector<16xf32> to vector<1xf32>
    %squeeze3A_625 = vector.extract %slice3A_624[0] : f32 from vector<1xf32>
    %mul3A_626 = vector.broadcast %squeeze3A_625 : f32 to vector<16xf32>
    %mul3A_627 = arith.mulf %add3A_623, %mul3A_626 : vector<16xf32>
    %add3A_628 = arith.addf %add3A_614, %mul3A_627 : vector<16xf32>
    %get3A_629 = arith.constant 5 : i32
    %get3A_630 = arith.index_cast %get3A_629 : i32 to index
    %get3A_631 = arith.constant 48 : index
    %get3A_632 = tpu.vector_load %arg5[%get3A_630, %get3A_631] {strides = array<i32>} : memref<21x128xf32, #tpu.memory_space<vmem>>, vector<16xf32>,
    %get3A_633 = arith.constant 15 : i32
    %get3A_634 = arith.index_cast %get3A_633 : i32 to index
    %get3A_635 = arith.constant 48 : index
    %get3A_636 = tpu.vector_load %arg5[%get3A_634, %get3A_635] {strides = array<i32>} : memref<21x128xf32, #tpu.memory_space<vmem>>, vector<16xf32>,
    %add3A_637 = arith.addf %get3A_632, %get3A_636 : vector<16xf32>
    %slice3A_638 = vector.extract_strided_slice %get3A_112 {offsets = [5], sizes = [1], strides = [1]} : vector<16xf32> to vector<1xf32>
    %squeeze3A_639 = vector.extract %slice3A_638[0] : f32 from vector<1xf32>
    %mul3A_640 = vector.broadcast %squeeze3A_639 : f32 to vector<16xf32>
    %mul3A_641 = arith.mulf %add3A_637, %mul3A_640 : vector<16xf32>
    %add3A_642 = arith.addf %add3A_628, %mul3A_641 : vector<16xf32>
    %get3A_643 = arith.constant 6 : i32
    %get3A_644 = arith.index_cast %get3A_643 : i32 to index
    %get3A_645 = arith.constant 48 : index
    %get3A_646 = tpu.vector_load %arg5[%get3A_644, %get3A_645] {strides = array<i32>} : memref<21x128xf32, #tpu.memory_space<vmem>>, vector<16xf32>,
    %get3A_647 = arith.constant 16 : i32
    %get3A_648 = arith.index_cast %get3A_647 : i32 to index
    %get3A_649 = arith.constant 48 : index
    %get3A_650 = tpu.vector_load %arg5[%get3A_648, %get3A_649] {strides = array<i32>} : memref<21x128xf32, #tpu.memory_space<vmem>>, vector<16xf32>,
    %add3A_651 = arith.addf %get3A_646, %get3A_650 : vector<16xf32>
    %slice3A_652 = vector.extract_strided_slice %get3A_112 {offsets = [6], sizes = [1], strides = [1]} : vector<16xf32> to vector<1xf32>
    %squeeze3A_653 = vector.extract %slice3A_652[0] : f32 from vector<1xf32>
    %mul3A_654 = vector.broadcast %squeeze3A_653 : f32 to vector<16xf32>
    %mul3A_655 = arith.mulf %add3A_651, %mul3A_654 : vector<16xf32>
    %add3A_656 = arith.addf %add3A_642, %mul3A_655 : vector<16xf32>
    %get3A_657 = arith.constant 7 : i32
    %get3A_658 = arith.index_cast %get3A_657 : i32 to index
    %get3A_659 = arith.constant 48 : index
    %get3A_660 = tpu.vector_load %arg5[%get3A_658, %get3A_659] {strides = array<i32>} : memref<21x128xf32, #tpu.memory_space<vmem>>, vector<16xf32>,
    %get3A_661 = arith.constant 17 : i32
    %get3A_662 = arith.index_cast %get3A_661 : i32 to index
    %get3A_663 = arith.constant 48 : index
    %get3A_664 = tpu.vector_load %arg5[%get3A_662, %get3A_663] {strides = array<i32>} : memref<21x128xf32, #tpu.memory_space<vmem>>, vector<16xf32>,
    %add3A_665 = arith.addf %get3A_660, %get3A_664 : vector<16xf32>
    %slice3A_666 = vector.extract_strided_slice %get3A_112 {offsets = [7], sizes = [1], strides = [1]} : vector<16xf32> to vector<1xf32>
    %squeeze3A_667 = vector.extract %slice3A_666[0] : f32 from vector<1xf32>
    %mul3A_668 = vector.broadcast %squeeze3A_667 : f32 to vector<16xf32>
    %mul3A_669 = arith.mulf %add3A_665, %mul3A_668 : vector<16xf32>
    %add3A_670 = arith.addf %add3A_656, %mul3A_669 : vector<16xf32>
    %get3A_671 = arith.constant 8 : i32
    %get3A_672 = arith.index_cast %get3A_671 : i32 to index
    %get3A_673 = arith.constant 48 : index
    %get3A_674 = tpu.vector_load %arg5[%get3A_672, %get3A_673] {strides = array<i32>} : memref<21x128xf32, #tpu.memory_space<vmem>>, vector<16xf32>,
    %get3A_675 = arith.constant 18 : i32
    %get3A_676 = arith.index_cast %get3A_675 : i32 to index
    %get3A_677 = arith.constant 48 : index
    %get3A_678 = tpu.vector_load %arg5[%get3A_676, %get3A_677] {strides = array<i32>} : memref<21x128xf32, #tpu.memory_space<vmem>>, vector<16xf32>,
    %add3A_679 = arith.addf %get3A_674, %get3A_678 : vector<16xf32>
    %slice3A_680 = vector.extract_strided_slice %get3A_112 {offsets = [8], sizes = [1], strides = [1]} : vector<16xf32> to vector<1xf32>
    %squeeze3A_681 = vector.extract %slice3A_680[0] : f32 from vector<1xf32>
    %mul3A_682 = vector.broadcast %squeeze3A_681 : f32 to vector<16xf32>
    %mul3A_683 = arith.mulf %add3A_679, %mul3A_682 : vector<16xf32>
    %add3A_684 = arith.addf %add3A_670, %mul3A_683 : vector<16xf32>
    %get3A_685 = arith.constant 9 : i32
    %get3A_686 = arith.index_cast %get3A_685 : i32 to index
    %get3A_687 = arith.constant 48 : index
    %get3A_688 = tpu.vector_load %arg5[%get3A_686, %get3A_687] {strides = array<i32>} : memref<21x128xf32, #tpu.memory_space<vmem>>, vector<16xf32>,
    %get3A_689 = arith.constant 19 : i32
    %get3A_690 = arith.index_cast %get3A_689 : i32 to index
    %get3A_691 = arith.constant 48 : index
    %get3A_692 = tpu.vector_load %arg5[%get3A_690, %get3A_691] {strides = array<i32>} : memref<21x128xf32, #tpu.memory_space<vmem>>, vector<16xf32>,
    %add3A_693 = arith.addf %get3A_688, %get3A_692 : vector<16xf32>
    %slice3A_694 = vector.extract_strided_slice %get3A_112 {offsets = [9], sizes = [1], strides = [1]} : vector<16xf32> to vector<1xf32>
    %squeeze3A_695 = vector.extract %slice3A_694[0] : f32 from vector<1xf32>
    %mul3A_696 = vector.broadcast %squeeze3A_695 : f32 to vector<16xf32>
    %mul3A_697 = arith.mulf %add3A_693, %mul3A_696 : vector<16xf32>
    %add3A_698 = arith.addf %add3A_684, %mul3A_697 : vector<16xf32>
    %swap3A_699 = arith.constant 48 : index
    %swap3A_700 = tpu.vector_load %arg6[%swap3A_699] {strides = array<i32>} : memref<128xf32, #tpu.memory_space<vmem>>, vector<16xf32>,
    tpu.vector_store %arg6[%swap3A_699], %add3A_698 {strides = array<i32>} : memref<128xf32, #tpu.memory_space<vmem>>, vector<16xf32>,
    %broadcast_in_dim3A_701 = arith.constant 0.000000e+00 : f32
    %broadcast_in_dim3A_702 = vector.broadcast %broadcast_in_dim3A_701 : f32 to vector<16xf32>
    %slice3A_703 = vector.extract_strided_slice %get3A_112 {offsets = [10], sizes = [1], strides = [1]} : vector<16xf32> to vector<1xf32>
    %squeeze3A_704 = vector.extract %slice3A_703[0] : f32 from vector<1xf32>
    %add3A_705 = vector.broadcast %squeeze3A_704 : f32 to vector<16xf32>
    %add3A_706 = arith.addf %broadcast_in_dim3A_702, %add3A_705 : vector<16xf32>
    %get3A_707 = arith.constant 0 : i32
    %get3A_708 = arith.index_cast %get3A_707 : i32 to index
    %get3A_709 = arith.constant 64 : index
    %get3A_710 = tpu.vector_load %arg5[%get3A_708, %get3A_709] {strides = array<i32>} : memref<21x128xf32, #tpu.memory_space<vmem>>, vector<16xf32>,
    %get3A_711 = arith.constant 10 : i32
    %get3A_712 = arith.index_cast %get3A_711 : i32 to index
    %get3A_713 = arith.constant 64 : index
    %get3A_714 = tpu.vector_load %arg5[%get3A_712, %get3A_713] {strides = array<i32>} : memref<21x128xf32, #tpu.memory_space<vmem>>, vector<16xf32>,
    %add3A_715 = arith.addf %get3A_710, %get3A_714 : vector<16xf32>
    %slice3A_716 = vector.extract_strided_slice %get3A_112 {offsets = [0], sizes = [1], strides = [1]} : vector<16xf32> to vector<1xf32>
    %squeeze3A_717 = vector.extract %slice3A_716[0] : f32 from vector<1xf32>
    %mul3A_718 = vector.broadcast %squeeze3A_717 : f32 to vector<16xf32>
    %mul3A_719 = arith.mulf %add3A_715, %mul3A_718 : vector<16xf32>
    %add3A_720 = arith.addf %add3A_706, %mul3A_719 : vector<16xf32>
    %get3A_721 = arith.constant 1 : i32
    %get3A_722 = arith.index_cast %get3A_721 : i32 to index
    %get3A_723 = arith.constant 64 : index
    %get3A_724 = tpu.vector_load %arg5[%get3A_722, %get3A_723] {strides = array<i32>} : memref<21x128xf32, #tpu.memory_space<vmem>>, vector<16xf32>,
    %get3A_725 = arith.constant 11 : i32
    %get3A_726 = arith.index_cast %get3A_725 : i32 to index
    %get3A_727 = arith.constant 64 : index
    %get3A_728 = tpu.vector_load %arg5[%get3A_726, %get3A_727] {strides = array<i32>} : memref<21x128xf32, #tpu.memory_space<vmem>>, vector<16xf32>,
    %add3A_729 = arith.addf %get3A_724, %get3A_728 : vector<16xf32>
    %slice3A_730 = vector.extract_strided_slice %get3A_112 {offsets = [1], sizes = [1], strides = [1]} : vector<16xf32> to vector<1xf32>
    %squeeze3A_731 = vector.extract %slice3A_730[0] : f32 from vector<1xf32>
    %mul3A_732 = vector.broadcast %squeeze3A_731 : f32 to vector<16xf32>
    %mul3A_733 = arith.mulf %add3A_729, %mul3A_732 : vector<16xf32>
    %add3A_734 = arith.addf %add3A_720, %mul3A_733 : vector<16xf32>
    %get3A_735 = arith.constant 2 : i32
    %get3A_736 = arith.index_cast %get3A_735 : i32 to index
    %get3A_737 = arith.constant 64 : index
    %get3A_738 = tpu.vector_load %arg5[%get3A_736, %get3A_737] {strides = array<i32>} : memref<21x128xf32, #tpu.memory_space<vmem>>, vector<16xf32>,
    %get3A_739 = arith.constant 12 : i32
    %get3A_740 = arith.index_cast %get3A_739 : i32 to index
    %get3A_741 = arith.constant 64 : index
    %get3A_742 = tpu.vector_load %arg5[%get3A_740, %get3A_741] {strides = array<i32>} : memref<21x128xf32, #tpu.memory_space<vmem>>, vector<16xf32>,
    %add3A_743 = arith.addf %get3A_738, %get3A_742 : vector<16xf32>
    %slice3A_744 = vector.extract_strided_slice %get3A_112 {offsets = [2], sizes = [1], strides = [1]} : vector<16xf32> to vector<1xf32>
    %squeeze3A_745 = vector.extract %slice3A_744[0] : f32 from vector<1xf32>
    %mul3A_746 = vector.broadcast %squeeze3A_745 : f32 to vector<16xf32>
    %mul3A_747 = arith.mulf %add3A_743, %mul3A_746 : vector<16xf32>
    %add3A_748 = arith.addf %add3A_734, %mul3A_747 : vector<16xf32>
    %get3A_749 = arith.constant 3 : i32
    %get3A_750 = arith.index_cast %get3A_749 : i32 to index
    %get3A_751 = arith.constant 64 : index
    %get3A_752 = tpu.vector_load %arg5[%get3A_750, %get3A_751] {strides = array<i32>} : memref<21x128xf32, #tpu.memory_space<vmem>>, vector<16xf32>,
    %get3A_753 = arith.constant 13 : i32
    %get3A_754 = arith.index_cast %get3A_753 : i32 to index
    %get3A_755 = arith.constant 64 : index
    %get3A_756 = tpu.vector_load %arg5[%get3A_754, %get3A_755] {strides = array<i32>} : memref<21x128xf32, #tpu.memory_space<vmem>>, vector<16xf32>,
    %add3A_757 = arith.addf %get3A_752, %get3A_756 : vector<16xf32>
    %slice3A_758 = vector.extract_strided_slice %get3A_112 {offsets = [3], sizes = [1], strides = [1]} : vector<16xf32> to vector<1xf32>
    %squeeze3A_759 = vector.extract %slice3A_758[0] : f32 from vector<1xf32>
    %mul3A_760 = vector.broadcast %squeeze3A_759 : f32 to vector<16xf32>
    %mul3A_761 = arith.mulf %add3A_757, %mul3A_760 : vector<16xf32>
    %add3A_762 = arith.addf %add3A_748, %mul3A_761 : vector<16xf32>
    %get3A_763 = arith.constant 4 : i32
    %get3A_764 = arith.index_cast %get3A_763 : i32 to index
    %get3A_765 = arith.constant 64 : index
    %get3A_766 = tpu.vector_load %arg5[%get3A_764, %get3A_765] {strides = array<i32>} : memref<21x128xf32, #tpu.memory_space<vmem>>, vector<16xf32>,
    %get3A_767 = arith.constant 14 : i32
    %get3A_768 = arith.index_cast %get3A_767 : i32 to index
    %get3A_769 = arith.constant 64 : index
    %get3A_770 = tpu.vector_load %arg5[%get3A_768, %get3A_769] {strides = array<i32>} : memref<21x128xf32, #tpu.memory_space<vmem>>, vector<16xf32>,
    %add3A_771 = arith.addf %get3A_766, %get3A_770 : vector<16xf32>
    %slice3A_772 = vector.extract_strided_slice %get3A_112 {offsets = [4], sizes = [1], strides = [1]} : vector<16xf32> to vector<1xf32>
    %squeeze3A_773 = vector.extract %slice3A_772[0] : f32 from vector<1xf32>
    %mul3A_774 = vector.broadcast %squeeze3A_773 : f32 to vector<16xf32>
    %mul3A_775 = arith.mulf %add3A_771, %mul3A_774 : vector<16xf32>
    %add3A_776 = arith.addf %add3A_762, %mul3A_775 : vector<16xf32>
    %get3A_777 = arith.constant 5 : i32
    %get3A_778 = arith.index_cast %get3A_777 : i32 to index
    %get3A_779 = arith.constant 64 : index
    %get3A_780 = tpu.vector_load %arg5[%get3A_778, %get3A_779] {strides = array<i32>} : memref<21x128xf32, #tpu.memory_space<vmem>>, vector<16xf32>,
    %get3A_781 = arith.constant 15 : i32
    %get3A_782 = arith.index_cast %get3A_781 : i32 to index
    %get3A_783 = arith.constant 64 : index
    %get3A_784 = tpu.vector_load %arg5[%get3A_782, %get3A_783] {strides = array<i32>} : memref<21x128xf32, #tpu.memory_space<vmem>>, vector<16xf32>,
    %add3A_785 = arith.addf %get3A_780, %get3A_784 : vector<16xf32>
    %slice3A_786 = vector.extract_strided_slice %get3A_112 {offsets = [5], sizes = [1], strides = [1]} : vector<16xf32> to vector<1xf32>
    %squeeze3A_787 = vector.extract %slice3A_786[0] : f32 from vector<1xf32>
    %mul3A_788 = vector.broadcast %squeeze3A_787 : f32 to vector<16xf32>
    %mul3A_789 = arith.mulf %add3A_785, %mul3A_788 : vector<16xf32>
    %add3A_790 = arith.addf %add3A_776, %mul3A_789 : vector<16xf32>
    %get3A_791 = arith.constant 6 : i32
    %get3A_792 = arith.index_cast %get3A_791 : i32 to index
    %get3A_793 = arith.constant 64 : index
    %get3A_794 = tpu.vector_load %arg5[%get3A_792, %get3A_793] {strides = array<i32>} : memref<21x128xf32, #tpu.memory_space<vmem>>, vector<16xf32>,
    %get3A_795 = arith.constant 16 : i32
    %get3A_796 = arith.index_cast %get3A_795 : i32 to index
    %get3A_797 = arith.constant 64 : index
    %get3A_798 = tpu.vector_load %arg5[%get3A_796, %get3A_797] {strides = array<i32>} : memref<21x128xf32, #tpu.memory_space<vmem>>, vector<16xf32>,
    %add3A_799 = arith.addf %get3A_794, %get3A_798 : vector<16xf32>
    %slice3A_800 = vector.extract_strided_slice %get3A_112 {offsets = [6], sizes = [1], strides = [1]} : vector<16xf32> to vector<1xf32>
    %squeeze3A_801 = vector.extract %slice3A_800[0] : f32 from vector<1xf32>
    %mul3A_802 = vector.broadcast %squeeze3A_801 : f32 to vector<16xf32>
    %mul3A_803 = arith.mulf %add3A_799, %mul3A_802 : vector<16xf32>
    %add3A_804 = arith.addf %add3A_790, %mul3A_803 : vector<16xf32>
    %get3A_805 = arith.constant 7 : i32
    %get3A_806 = arith.index_cast %get3A_805 : i32 to index
    %get3A_807 = arith.constant 64 : index
    %get3A_808 = tpu.vector_load %arg5[%get3A_806, %get3A_807] {strides = array<i32>} : memref<21x128xf32, #tpu.memory_space<vmem>>, vector<16xf32>,
    %get3A_809 = arith.constant 17 : i32
    %get3A_810 = arith.index_cast %get3A_809 : i32 to index
    %get3A_811 = arith.constant 64 : index
    %get3A_812 = tpu.vector_load %arg5[%get3A_810, %get3A_811] {strides = array<i32>} : memref<21x128xf32, #tpu.memory_space<vmem>>, vector<16xf32>,
    %add3A_813 = arith.addf %get3A_808, %get3A_812 : vector<16xf32>
    %slice3A_814 = vector.extract_strided_slice %get3A_112 {offsets = [7], sizes = [1], strides = [1]} : vector<16xf32> to vector<1xf32>
    %squeeze3A_815 = vector.extract %slice3A_814[0] : f32 from vector<1xf32>
    %mul3A_816 = vector.broadcast %squeeze3A_815 : f32 to vector<16xf32>
    %mul3A_817 = arith.mulf %add3A_813, %mul3A_816 : vector<16xf32>
    %add3A_818 = arith.addf %add3A_804, %mul3A_817 : vector<16xf32>
    %get3A_819 = arith.constant 8 : i32
    %get3A_820 = arith.index_cast %get3A_819 : i32 to index
    %get3A_821 = arith.constant 64 : index
    %get3A_822 = tpu.vector_load %arg5[%get3A_820, %get3A_821] {strides = array<i32>} : memref<21x128xf32, #tpu.memory_space<vmem>>, vector<16xf32>,
    %get3A_823 = arith.constant 18 : i32
    %get3A_824 = arith.index_cast %get3A_823 : i32 to index
    %get3A_825 = arith.constant 64 : index
    %get3A_826 = tpu.vector_load %arg5[%get3A_824, %get3A_825] {strides = array<i32>} : memref<21x128xf32, #tpu.memory_space<vmem>>, vector<16xf32>,
    %add3A_827 = arith.addf %get3A_822, %get3A_826 : vector<16xf32>
    %slice3A_828 = vector.extract_strided_slice %get3A_112 {offsets = [8], sizes = [1], strides = [1]} : vector<16xf32> to vector<1xf32>
    %squeeze3A_829 = vector.extract %slice3A_828[0] : f32 from vector<1xf32>
    %mul3A_830 = vector.broadcast %squeeze3A_829 : f32 to vector<16xf32>
    %mul3A_831 = arith.mulf %add3A_827, %mul3A_830 : vector<16xf32>
    %add3A_832 = arith.addf %add3A_818, %mul3A_831 : vector<16xf32>
    %get3A_833 = arith.constant 9 : i32
    %get3A_834 = arith.index_cast %get3A_833 : i32 to index
    %get3A_835 = arith.constant 64 : index
    %get3A_836 = tpu.vector_load %arg5[%get3A_834, %get3A_835] {strides = array<i32>} : memref<21x128xf32, #tpu.memory_space<vmem>>, vector<16xf32>,
    %get3A_837 = arith.constant 19 : i32
    %get3A_838 = arith.index_cast %get3A_837 : i32 to index
    %get3A_839 = arith.constant 64 : index
    %get3A_840 = tpu.vector_load %arg5[%get3A_838, %get3A_839] {strides = array<i32>} : memref<21x128xf32, #tpu.memory_space<vmem>>, vector<16xf32>,
    %add3A_841 = arith.addf %get3A_836, %get3A_840 : vector<16xf32>
    %slice3A_842 = vector.extract_strided_slice %get3A_112 {offsets = [9], sizes = [1], strides = [1]} : vector<16xf32> to vector<1xf32>
    %squeeze3A_843 = vector.extract %slice3A_842[0] : f32 from vector<1xf32>
    %mul3A_844 = vector.broadcast %squeeze3A_843 : f32 to vector<16xf32>
    %mul3A_845 = arith.mulf %add3A_841, %mul3A_844 : vector<16xf32>
    %add3A_846 = arith.addf %add3A_832, %mul3A_845 : vector<16xf32>
    %swap3A_847 = arith.constant 64 : index
    %swap3A_848 = tpu.vector_load %arg6[%swap3A_847] {strides = array<i32>} : memref<128xf32, #tpu.memory_space<vmem>>, vector<16xf32>,
    tpu.vector_store %arg6[%swap3A_847], %add3A_846 {strides = array<i32>} : memref<128xf32, #tpu.memory_space<vmem>>, vector<16xf32>,
    %broadcast_in_dim3A_849 = arith.constant 0.000000e+00 : f32
    %broadcast_in_dim3A_850 = vector.broadcast %broadcast_in_dim3A_849 : f32 to vector<16xf32>
    %slice3A_851 = vector.extract_strided_slice %get3A_112 {offsets = [10], sizes = [1], strides = [1]} : vector<16xf32> to vector<1xf32>
    %squeeze3A_852 = vector.extract %slice3A_851[0] : f32 from vector<1xf32>
    %add3A_853 = vector.broadcast %squeeze3A_852 : f32 to vector<16xf32>
    %add3A_854 = arith.addf %broadcast_in_dim3A_850, %add3A_853 : vector<16xf32>
    %get3A_855 = arith.constant 0 : i32
    %get3A_856 = arith.index_cast %get3A_855 : i32 to index
    %get3A_857 = arith.constant 80 : index
    %get3A_858 = tpu.vector_load %arg5[%get3A_856, %get3A_857] {strides = array<i32>} : memref<21x128xf32, #tpu.memory_space<vmem>>, vector<16xf32>,
    %get3A_859 = arith.constant 10 : i32
    %get3A_860 = arith.index_cast %get3A_859 : i32 to index
    %get3A_861 = arith.constant 80 : index
    %get3A_862 = tpu.vector_load %arg5[%get3A_860, %get3A_861] {strides = array<i32>} : memref<21x128xf32, #tpu.memory_space<vmem>>, vector<16xf32>,
    %add3A_863 = arith.addf %get3A_858, %get3A_862 : vector<16xf32>
    %slice3A_864 = vector.extract_strided_slice %get3A_112 {offsets = [0], sizes = [1], strides = [1]} : vector<16xf32> to vector<1xf32>
    %squeeze3A_865 = vector.extract %slice3A_864[0] : f32 from vector<1xf32>
    %mul3A_866 = vector.broadcast %squeeze3A_865 : f32 to vector<16xf32>
    %mul3A_867 = arith.mulf %add3A_863, %mul3A_866 : vector<16xf32>
    %add3A_868 = arith.addf %add3A_854, %mul3A_867 : vector<16xf32>
    %get3A_869 = arith.constant 1 : i32
    %get3A_870 = arith.index_cast %get3A_869 : i32 to index
    %get3A_871 = arith.constant 80 : index
    %get3A_872 = tpu.vector_load %arg5[%get3A_870, %get3A_871] {strides = array<i32>} : memref<21x128xf32, #tpu.memory_space<vmem>>, vector<16xf32>,
    %get3A_873 = arith.constant 11 : i32
    %get3A_874 = arith.index_cast %get3A_873 : i32 to index
    %get3A_875 = arith.constant 80 : index
    %get3A_876 = tpu.vector_load %arg5[%get3A_874, %get3A_875] {strides = array<i32>} : memref<21x128xf32, #tpu.memory_space<vmem>>, vector<16xf32>,
    %add3A_877 = arith.addf %get3A_872, %get3A_876 : vector<16xf32>
    %slice3A_878 = vector.extract_strided_slice %get3A_112 {offsets = [1], sizes = [1], strides = [1]} : vector<16xf32> to vector<1xf32>
    %squeeze3A_879 = vector.extract %slice3A_878[0] : f32 from vector<1xf32>
    %mul3A_880 = vector.broadcast %squeeze3A_879 : f32 to vector<16xf32>
    %mul3A_881 = arith.mulf %add3A_877, %mul3A_880 : vector<16xf32>
    %add3A_882 = arith.addf %add3A_868, %mul3A_881 : vector<16xf32>
    %get3A_883 = arith.constant 2 : i32
    %get3A_884 = arith.index_cast %get3A_883 : i32 to index
    %get3A_885 = arith.constant 80 : index
    %get3A_886 = tpu.vector_load %arg5[%get3A_884, %get3A_885] {strides = array<i32>} : memref<21x128xf32, #tpu.memory_space<vmem>>, vector<16xf32>,
    %get3A_887 = arith.constant 12 : i32
    %get3A_888 = arith.index_cast %get3A_887 : i32 to index
    %get3A_889 = arith.constant 80 : index
    %get3A_890 = tpu.vector_load %arg5[%get3A_888, %get3A_889] {strides = array<i32>} : memref<21x128xf32, #tpu.memory_space<vmem>>, vector<16xf32>,
    %add3A_891 = arith.addf %get3A_886, %get3A_890 : vector<16xf32>
    %slice3A_892 = vector.extract_strided_slice %get3A_112 {offsets = [2], sizes = [1], strides = [1]} : vector<16xf32> to vector<1xf32>
    %squeeze3A_893 = vector.extract %slice3A_892[0] : f32 from vector<1xf32>
    %mul3A_894 = vector.broadcast %squeeze3A_893 : f32 to vector<16xf32>
    %mul3A_895 = arith.mulf %add3A_891, %mul3A_894 : vector<16xf32>
    %add3A_896 = arith.addf %add3A_882, %mul3A_895 : vector<16xf32>
    %get3A_897 = arith.constant 3 : i32
    %get3A_898 = arith.index_cast %get3A_897 : i32 to index
    %get3A_899 = arith.constant 80 : index
    %get3A_900 = tpu.vector_load %arg5[%get3A_898, %get3A_899] {strides = array<i32>} : memref<21x128xf32, #tpu.memory_space<vmem>>, vector<16xf32>,
    %get3A_901 = arith.constant 13 : i32
    %get3A_902 = arith.index_cast %get3A_901 : i32 to index
    %get3A_903 = arith.constant 80 : index
    %get3A_904 = tpu.vector_load %arg5[%get3A_902, %get3A_903] {strides = array<i32>} : memref<21x128xf32, #tpu.memory_space<vmem>>, vector<16xf32>,
    %add3A_905 = arith.addf %get3A_900, %get3A_904 : vector<16xf32>
    %slice3A_906 = vector.extract_strided_slice %get3A_112 {offsets = [3], sizes = [1], strides = [1]} : vector<16xf32> to vector<1xf32>
    %squeeze3A_907 = vector.extract %slice3A_906[0] : f32 from vector<1xf32>
    %mul3A_908 = vector.broadcast %squeeze3A_907 : f32 to vector<16xf32>
    %mul3A_909 = arith.mulf %add3A_905, %mul3A_908 : vector<16xf32>
    %add3A_910 = arith.addf %add3A_896, %mul3A_909 : vector<16xf32>
    %get3A_911 = arith.constant 4 : i32
    %get3A_912 = arith.index_cast %get3A_911 : i32 to index
    %get3A_913 = arith.constant 80 : index
    %get3A_914 = tpu.vector_load %arg5[%get3A_912, %get3A_913] {strides = array<i32>} : memref<21x128xf32, #tpu.memory_space<vmem>>, vector<16xf32>,
    %get3A_915 = arith.constant 14 : i32
    %get3A_916 = arith.index_cast %get3A_915 : i32 to index
    %get3A_917 = arith.constant 80 : index
    %get3A_918 = tpu.vector_load %arg5[%get3A_916, %get3A_917] {strides = array<i32>} : memref<21x128xf32, #tpu.memory_space<vmem>>, vector<16xf32>,
    %add3A_919 = arith.addf %get3A_914, %get3A_918 : vector<16xf32>
    %slice3A_920 = vector.extract_strided_slice %get3A_112 {offsets = [4], sizes = [1], strides = [1]} : vector<16xf32> to vector<1xf32>
    %squeeze3A_921 = vector.extract %slice3A_920[0] : f32 from vector<1xf32>
    %mul3A_922 = vector.broadcast %squeeze3A_921 : f32 to vector<16xf32>
    %mul3A_923 = arith.mulf %add3A_919, %mul3A_922 : vector<16xf32>
    %add3A_924 = arith.addf %add3A_910, %mul3A_923 : vector<16xf32>
    %get3A_925 = arith.constant 5 : i32
    %get3A_926 = arith.index_cast %get3A_925 : i32 to index
    %get3A_927 = arith.constant 80 : index
    %get3A_928 = tpu.vector_load %arg5[%get3A_926, %get3A_927] {strides = array<i32>} : memref<21x128xf32, #tpu.memory_space<vmem>>, vector<16xf32>,
    %get3A_929 = arith.constant 15 : i32
    %get3A_930 = arith.index_cast %get3A_929 : i32 to index
    %get3A_931 = arith.constant 80 : index
    %get3A_932 = tpu.vector_load %arg5[%get3A_930, %get3A_931] {strides = array<i32>} : memref<21x128xf32, #tpu.memory_space<vmem>>, vector<16xf32>,
    %add3A_933 = arith.addf %get3A_928, %get3A_932 : vector<16xf32>
    %slice3A_934 = vector.extract_strided_slice %get3A_112 {offsets = [5], sizes = [1], strides = [1]} : vector<16xf32> to vector<1xf32>
    %squeeze3A_935 = vector.extract %slice3A_934[0] : f32 from vector<1xf32>
    %mul3A_936 = vector.broadcast %squeeze3A_935 : f32 to vector<16xf32>
    %mul3A_937 = arith.mulf %add3A_933, %mul3A_936 : vector<16xf32>
    %add3A_938 = arith.addf %add3A_924, %mul3A_937 : vector<16xf32>
    %get3A_939 = arith.constant 6 : i32
    %get3A_940 = arith.index_cast %get3A_939 : i32 to index
    %get3A_941 = arith.constant 80 : index
    %get3A_942 = tpu.vector_load %arg5[%get3A_940, %get3A_941] {strides = array<i32>} : memref<21x128xf32, #tpu.memory_space<vmem>>, vector<16xf32>,
    %get3A_943 = arith.constant 16 : i32
    %get3A_944 = arith.index_cast %get3A_943 : i32 to index
    %get3A_945 = arith.constant 80 : index
    %get3A_946 = tpu.vector_load %arg5[%get3A_944, %get3A_945] {strides = array<i32>} : memref<21x128xf32, #tpu.memory_space<vmem>>, vector<16xf32>,
    %add3A_947 = arith.addf %get3A_942, %get3A_946 : vector<16xf32>
    %slice3A_948 = vector.extract_strided_slice %get3A_112 {offsets = [6], sizes = [1], strides = [1]} : vector<16xf32> to vector<1xf32>
    %squeeze3A_949 = vector.extract %slice3A_948[0] : f32 from vector<1xf32>
    %mul3A_950 = vector.broadcast %squeeze3A_949 : f32 to vector<16xf32>
    %mul3A_951 = arith.mulf %add3A_947, %mul3A_950 : vector<16xf32>
    %add3A_952 = arith.addf %add3A_938, %mul3A_951 : vector<16xf32>
    %get3A_953 = arith.constant 7 : i32
    %get3A_954 = arith.index_cast %get3A_953 : i32 to index
    %get3A_955 = arith.constant 80 : index
    %get3A_956 = tpu.vector_load %arg5[%get3A_954, %get3A_955] {strides = array<i32>} : memref<21x128xf32, #tpu.memory_space<vmem>>, vector<16xf32>,
    %get3A_957 = arith.constant 17 : i32
    %get3A_958 = arith.index_cast %get3A_957 : i32 to index
    %get3A_959 = arith.constant 80 : index
    %get3A_960 = tpu.vector_load %arg5[%get3A_958, %get3A_959] {strides = array<i32>} : memref<21x128xf32, #tpu.memory_space<vmem>>, vector<16xf32>,
    %add3A_961 = arith.addf %get3A_956, %get3A_960 : vector<16xf32>
    %slice3A_962 = vector.extract_strided_slice %get3A_112 {offsets = [7], sizes = [1], strides = [1]} : vector<16xf32> to vector<1xf32>
    %squeeze3A_963 = vector.extract %slice3A_962[0] : f32 from vector<1xf32>
    %mul3A_964 = vector.broadcast %squeeze3A_963 : f32 to vector<16xf32>
    %mul3A_965 = arith.mulf %add3A_961, %mul3A_964 : vector<16xf32>
    %add3A_966 = arith.addf %add3A_952, %mul3A_965 : vector<16xf32>
    %get3A_967 = arith.constant 8 : i32
    %get3A_968 = arith.index_cast %get3A_967 : i32 to index
    %get3A_969 = arith.constant 80 : index
    %get3A_970 = tpu.vector_load %arg5[%get3A_968, %get3A_969] {strides = array<i32>} : memref<21x128xf32, #tpu.memory_space<vmem>>, vector<16xf32>,
    %get3A_971 = arith.constant 18 : i32
    %get3A_972 = arith.index_cast %get3A_971 : i32 to index
    %get3A_973 = arith.constant 80 : index
    %get3A_974 = tpu.vector_load %arg5[%get3A_972, %get3A_973] {strides = array<i32>} : memref<21x128xf32, #tpu.memory_space<vmem>>, vector<16xf32>,
    %add3A_975 = arith.addf %get3A_970, %get3A_974 : vector<16xf32>
    %slice3A_976 = vector.extract_strided_slice %get3A_112 {offsets = [8], sizes = [1], strides = [1]} : vector<16xf32> to vector<1xf32>
    %squeeze3A_977 = vector.extract %slice3A_976[0] : f32 from vector<1xf32>
    %mul3A_978 = vector.broadcast %squeeze3A_977 : f32 to vector<16xf32>
    %mul3A_979 = arith.mulf %add3A_975, %mul3A_978 : vector<16xf32>
    %add3A_980 = arith.addf %add3A_966, %mul3A_979 : vector<16xf32>
    %get3A_981 = arith.constant 9 : i32
    %get3A_982 = arith.index_cast %get3A_981 : i32 to index
    %get3A_983 = arith.constant 80 : index
    %get3A_984 = tpu.vector_load %arg5[%get3A_982, %get3A_983] {strides = array<i32>} : memref<21x128xf32, #tpu.memory_space<vmem>>, vector<16xf32>,
    %get3A_985 = arith.constant 19 : i32
    %get3A_986 = arith.index_cast %get3A_985 : i32 to index
    %get3A_987 = arith.constant 80 : index
    %get3A_988 = tpu.vector_load %arg5[%get3A_986, %get3A_987] {strides = array<i32>} : memref<21x128xf32, #tpu.memory_space<vmem>>, vector<16xf32>,
    %add3A_989 = arith.addf %get3A_984, %get3A_988 : vector<16xf32>
    %slice3A_990 = vector.extract_strided_slice %get3A_112 {offsets = [9], sizes = [1], strides = [1]} : vector<16xf32> to vector<1xf32>
    %squeeze3A_991 = vector.extract %slice3A_990[0] : f32 from vector<1xf32>
    %mul3A_992 = vector.broadcast %squeeze3A_991 : f32 to vector<16xf32>
    %mul3A_993 = arith.mulf %add3A_989, %mul3A_992 : vector<16xf32>
    %add3A_994 = arith.addf %add3A_980, %mul3A_993 : vector<16xf32>
    %swap3A_995 = arith.constant 80 : index
    %swap3A_996 = tpu.vector_load %arg6[%swap3A_995] {strides = array<i32>} : memref<128xf32, #tpu.memory_space<vmem>>, vector<16xf32>,
    tpu.vector_store %arg6[%swap3A_995], %add3A_994 {strides = array<i32>} : memref<128xf32, #tpu.memory_space<vmem>>, vector<16xf32>,
    %broadcast_in_dim3A_997 = arith.constant 0.000000e+00 : f32
    %broadcast_in_dim3A_998 = vector.broadcast %broadcast_in_dim3A_997 : f32 to vector<16xf32>
    %slice3A_999 = vector.extract_strided_slice %get3A_112 {offsets = [10], sizes = [1], strides = [1]} : vector<16xf32> to vector<1xf32>
    %squeeze3A_1000 = vector.extract %slice3A_999[0] : f32 from vector<1xf32>
    %add3A_1001 = vector.broadcast %squeeze3A_1000 : f32 to vector<16xf32>
    %add3A_1002 = arith.addf %broadcast_in_dim3A_998, %add3A_1001 : vector<16xf32>
    %get3A_1003 = arith.constant 0 : i32
    %get3A_1004 = arith.index_cast %get3A_1003 : i32 to index
    %get3A_1005 = arith.constant 96 : index
    %get3A_1006 = tpu.vector_load %arg5[%get3A_1004, %get3A_1005] {strides = array<i32>} : memref<21x128xf32, #tpu.memory_space<vmem>>, vector<16xf32>,
    %get3A_1007 = arith.constant 10 : i32
    %get3A_1008 = arith.index_cast %get3A_1007 : i32 to index
    %get3A_1009 = arith.constant 96 : index
    %get3A_1010 = tpu.vector_load %arg5[%get3A_1008, %get3A_1009] {strides = array<i32>} : memref<21x128xf32, #tpu.memory_space<vmem>>, vector<16xf32>,
    %add3A_1011 = arith.addf %get3A_1006, %get3A_1010 : vector<16xf32>
    %slice3A_1012 = vector.extract_strided_slice %get3A_112 {offsets = [0], sizes = [1], strides = [1]} : vector<16xf32> to vector<1xf32>
    %squeeze3A_1013 = vector.extract %slice3A_1012[0] : f32 from vector<1xf32>
    %mul3A_1014 = vector.broadcast %squeeze3A_1013 : f32 to vector<16xf32>
    %mul3A_1015 = arith.mulf %add3A_1011, %mul3A_1014 : vector<16xf32>
    %add3A_1016 = arith.addf %add3A_1002, %mul3A_1015 : vector<16xf32>
    %get3A_1017 = arith.constant 1 : i32
    %get3A_1018 = arith.index_cast %get3A_1017 : i32 to index
    %get3A_1019 = arith.constant 96 : index
    %get3A_1020 = tpu.vector_load %arg5[%get3A_1018, %get3A_1019] {strides = array<i32>} : memref<21x128xf32, #tpu.memory_space<vmem>>, vector<16xf32>,
    %get3A_1021 = arith.constant 11 : i32
    %get3A_1022 = arith.index_cast %get3A_1021 : i32 to index
    %get3A_1023 = arith.constant 96 : index
    %get3A_1024 = tpu.vector_load %arg5[%get3A_1022, %get3A_1023] {strides = array<i32>} : memref<21x128xf32, #tpu.memory_space<vmem>>, vector<16xf32>,
    %add3A_1025 = arith.addf %get3A_1020, %get3A_1024 : vector<16xf32>
    %slice3A_1026 = vector.extract_strided_slice %get3A_112 {offsets = [1], sizes = [1], strides = [1]} : vector<16xf32> to vector<1xf32>
    %squeeze3A_1027 = vector.extract %slice3A_1026[0] : f32 from vector<1xf32>
    %mul3A_1028 = vector.broadcast %squeeze3A_1027 : f32 to vector<16xf32>
    %mul3A_1029 = arith.mulf %add3A_1025, %mul3A_1028 : vector<16xf32>
    %add3A_1030 = arith.addf %add3A_1016, %mul3A_1029 : vector<16xf32>
    %get3A_1031 = arith.constant 2 : i32
    %get3A_1032 = arith.index_cast %get3A_1031 : i32 to index
    %get3A_1033 = arith.constant 96 : index
    %get3A_1034 = tpu.vector_load %arg5[%get3A_1032, %get3A_1033] {strides = array<i32>} : memref<21x128xf32, #tpu.memory_space<vmem>>, vector<16xf32>,
    %get3A_1035 = arith.constant 12 : i32
    %get3A_1036 = arith.index_cast %get3A_1035 : i32 to index
    %get3A_1037 = arith.constant 96 : index
    %get3A_1038 = tpu.vector_load %arg5[%get3A_1036, %get3A_1037] {strides = array<i32>} : memref<21x128xf32, #tpu.memory_space<vmem>>, vector<16xf32>,
    %add3A_1039 = arith.addf %get3A_1034, %get3A_1038 : vector<16xf32>
    %slice3A_1040 = vector.extract_strided_slice %get3A_112 {offsets = [2], sizes = [1], strides = [1]} : vector<16xf32> to vector<1xf32>
    %squeeze3A_1041 = vector.extract %slice3A_1040[0] : f32 from vector<1xf32>
    %mul3A_1042 = vector.broadcast %squeeze3A_1041 : f32 to vector<16xf32>
    %mul3A_1043 = arith.mulf %add3A_1039, %mul3A_1042 : vector<16xf32>
    %add3A_1044 = arith.addf %add3A_1030, %mul3A_1043 : vector<16xf32>
    %get3A_1045 = arith.constant 3 : i32
    %get3A_1046 = arith.index_cast %get3A_1045 : i32 to index
    %get3A_1047 = arith.constant 96 : index
    %get3A_1048 = tpu.vector_load %arg5[%get3A_1046, %get3A_1047] {strides = array<i32>} : memref<21x128xf32, #tpu.memory_space<vmem>>, vector<16xf32>,
    %get3A_1049 = arith.constant 13 : i32
    %get3A_1050 = arith.index_cast %get3A_1049 : i32 to index
    %get3A_1051 = arith.constant 96 : index
    %get3A_1052 = tpu.vector_load %arg5[%get3A_1050, %get3A_1051] {strides = array<i32>} : memref<21x128xf32, #tpu.memory_space<vmem>>, vector<16xf32>,
    %add3A_1053 = arith.addf %get3A_1048, %get3A_1052 : vector<16xf32>
    %slice3A_1054 = vector.extract_strided_slice %get3A_112 {offsets = [3], sizes = [1], strides = [1]} : vector<16xf32> to vector<1xf32>
    %squeeze3A_1055 = vector.extract %slice3A_1054[0] : f32 from vector<1xf32>
    %mul3A_1056 = vector.broadcast %squeeze3A_1055 : f32 to vector<16xf32>
    %mul3A_1057 = arith.mulf %add3A_1053, %mul3A_1056 : vector<16xf32>
    %add3A_1058 = arith.addf %add3A_1044, %mul3A_1057 : vector<16xf32>
    %get3A_1059 = arith.constant 4 : i32
    %get3A_1060 = arith.index_cast %get3A_1059 : i32 to index
    %get3A_1061 = arith.constant 96 : index
    %get3A_1062 = tpu.vector_load %arg5[%get3A_1060, %get3A_1061] {strides = array<i32>} : memref<21x128xf32, #tpu.memory_space<vmem>>, vector<16xf32>,
    %get3A_1063 = arith.constant 14 : i32
    %get3A_1064 = arith.index_cast %get3A_1063 : i32 to index
    %get3A_1065 = arith.constant 96 : index
    %get3A_1066 = tpu.vector_load %arg5[%get3A_1064, %get3A_1065] {strides = array<i32>} : memref<21x128xf32, #tpu.memory_space<vmem>>, vector<16xf32>,
    %add3A_1067 = arith.addf %get3A_1062, %get3A_1066 : vector<16xf32>
    %slice3A_1068 = vector.extract_strided_slice %get3A_112 {offsets = [4], sizes = [1], strides = [1]} : vector<16xf32> to vector<1xf32>
    %squeeze3A_1069 = vector.extract %slice3A_1068[0] : f32 from vector<1xf32>
    %mul3A_1070 = vector.broadcast %squeeze3A_1069 : f32 to vector<16xf32>
    %mul3A_1071 = arith.mulf %add3A_1067, %mul3A_1070 : vector<16xf32>
    %add3A_1072 = arith.addf %add3A_1058, %mul3A_1071 : vector<16xf32>
    %get3A_1073 = arith.constant 5 : i32
    %get3A_1074 = arith.index_cast %get3A_1073 : i32 to index
    %get3A_1075 = arith.constant 96 : index
    %get3A_1076 = tpu.vector_load %arg5[%get3A_1074, %get3A_1075] {strides = array<i32>} : memref<21x128xf32, #tpu.memory_space<vmem>>, vector<16xf32>,
    %get3A_1077 = arith.constant 15 : i32
    %get3A_1078 = arith.index_cast %get3A_1077 : i32 to index
    %get3A_1079 = arith.constant 96 : index
    %get3A_1080 = tpu.vector_load %arg5[%get3A_1078, %get3A_1079] {strides = array<i32>} : memref<21x128xf32, #tpu.memory_space<vmem>>, vector<16xf32>,
    %add3A_1081 = arith.addf %get3A_1076, %get3A_1080 : vector<16xf32>
    %slice3A_1082 = vector.extract_strided_slice %get3A_112 {offsets = [5], sizes = [1], strides = [1]} : vector<16xf32> to vector<1xf32>
    %squeeze3A_1083 = vector.extract %slice3A_1082[0] : f32 from vector<1xf32>
    %mul3A_1084 = vector.broadcast %squeeze3A_1083 : f32 to vector<16xf32>
    %mul3A_1085 = arith.mulf %add3A_1081, %mul3A_1084 : vector<16xf32>
    %add3A_1086 = arith.addf %add3A_1072, %mul3A_1085 : vector<16xf32>
    %get3A_1087 = arith.constant 6 : i32
    %get3A_1088 = arith.index_cast %get3A_1087 : i32 to index
    %get3A_1089 = arith.constant 96 : index
    %get3A_1090 = tpu.vector_load %arg5[%get3A_1088, %get3A_1089] {strides = array<i32>} : memref<21x128xf32, #tpu.memory_space<vmem>>, vector<16xf32>,
    %get3A_1091 = arith.constant 16 : i32
    %get3A_1092 = arith.index_cast %get3A_1091 : i32 to index
    %get3A_1093 = arith.constant 96 : index
    %get3A_1094 = tpu.vector_load %arg5[%get3A_1092, %get3A_1093] {strides = array<i32>} : memref<21x128xf32, #tpu.memory_space<vmem>>, vector<16xf32>,
    %add3A_1095 = arith.addf %get3A_1090, %get3A_1094 : vector<16xf32>
    %slice3A_1096 = vector.extract_strided_slice %get3A_112 {offsets = [6], sizes = [1], strides = [1]} : vector<16xf32> to vector<1xf32>
    %squeeze3A_1097 = vector.extract %slice3A_1096[0] : f32 from vector<1xf32>
    %mul3A_1098 = vector.broadcast %squeeze3A_1097 : f32 to vector<16xf32>
    %mul3A_1099 = arith.mulf %add3A_1095, %mul3A_1098 : vector<16xf32>
    %add3A_1100 = arith.addf %add3A_1086, %mul3A_1099 : vector<16xf32>
    %get3A_1101 = arith.constant 7 : i32
    %get3A_1102 = arith.index_cast %get3A_1101 : i32 to index
    %get3A_1103 = arith.constant 96 : index
    %get3A_1104 = tpu.vector_load %arg5[%get3A_1102, %get3A_1103] {strides = array<i32>} : memref<21x128xf32, #tpu.memory_space<vmem>>, vector<16xf32>,
    %get3A_1105 = arith.constant 17 : i32
    %get3A_1106 = arith.index_cast %get3A_1105 : i32 to index
    %get3A_1107 = arith.constant 96 : index
    %get3A_1108 = tpu.vector_load %arg5[%get3A_1106, %get3A_1107] {strides = array<i32>} : memref<21x128xf32, #tpu.memory_space<vmem>>, vector<16xf32>,
    %add3A_1109 = arith.addf %get3A_1104, %get3A_1108 : vector<16xf32>
    %slice3A_1110 = vector.extract_strided_slice %get3A_112 {offsets = [7], sizes = [1], strides = [1]} : vector<16xf32> to vector<1xf32>
    %squeeze3A_1111 = vector.extract %slice3A_1110[0] : f32 from vector<1xf32>
    %mul3A_1112 = vector.broadcast %squeeze3A_1111 : f32 to vector<16xf32>
    %mul3A_1113 = arith.mulf %add3A_1109, %mul3A_1112 : vector<16xf32>
    %add3A_1114 = arith.addf %add3A_1100, %mul3A_1113 : vector<16xf32>
    %get3A_1115 = arith.constant 8 : i32
    %get3A_1116 = arith.index_cast %get3A_1115 : i32 to index
    %get3A_1117 = arith.constant 96 : index
    %get3A_1118 = tpu.vector_load %arg5[%get3A_1116, %get3A_1117] {strides = array<i32>} : memref<21x128xf32, #tpu.memory_space<vmem>>, vector<16xf32>,
    %get3A_1119 = arith.constant 18 : i32
    %get3A_1120 = arith.index_cast %get3A_1119 : i32 to index
    %get3A_1121 = arith.constant 96 : index
    %get3A_1122 = tpu.vector_load %arg5[%get3A_1120, %get3A_1121] {strides = array<i32>} : memref<21x128xf32, #tpu.memory_space<vmem>>, vector<16xf32>,
    %add3A_1123 = arith.addf %get3A_1118, %get3A_1122 : vector<16xf32>
    %slice3A_1124 = vector.extract_strided_slice %get3A_112 {offsets = [8], sizes = [1], strides = [1]} : vector<16xf32> to vector<1xf32>
    %squeeze3A_1125 = vector.extract %slice3A_1124[0] : f32 from vector<1xf32>
    %mul3A_1126 = vector.broadcast %squeeze3A_1125 : f32 to vector<16xf32>
    %mul3A_1127 = arith.mulf %add3A_1123, %mul3A_1126 : vector<16xf32>
    %add3A_1128 = arith.addf %add3A_1114, %mul3A_1127 : vector<16xf32>
    %get3A_1129 = arith.constant 9 : i32
    %get3A_1130 = arith.index_cast %get3A_1129 : i32 to index
    %get3A_1131 = arith.constant 96 : index
    %get3A_1132 = tpu.vector_load %arg5[%get3A_1130, %get3A_1131] {strides = array<i32>} : memref<21x128xf32, #tpu.memory_space<vmem>>, vector<16xf32>,
    %get3A_1133 = arith.constant 19 : i32
    %get3A_1134 = arith.index_cast %get3A_1133 : i32 to index
    %get3A_1135 = arith.constant 96 : index
    %get3A_1136 = tpu.vector_load %arg5[%get3A_1134, %get3A_1135] {strides = array<i32>} : memref<21x128xf32, #tpu.memory_space<vmem>>, vector<16xf32>,
    %add3A_1137 = arith.addf %get3A_1132, %get3A_1136 : vector<16xf32>
    %slice3A_1138 = vector.extract_strided_slice %get3A_112 {offsets = [9], sizes = [1], strides = [1]} : vector<16xf32> to vector<1xf32>
    %squeeze3A_1139 = vector.extract %slice3A_1138[0] : f32 from vector<1xf32>
    %mul3A_1140 = vector.broadcast %squeeze3A_1139 : f32 to vector<16xf32>
    %mul3A_1141 = arith.mulf %add3A_1137, %mul3A_1140 : vector<16xf32>
    %add3A_1142 = arith.addf %add3A_1128, %mul3A_1141 : vector<16xf32>
    %swap3A_1143 = arith.constant 96 : index
    %swap3A_1144 = tpu.vector_load %arg6[%swap3A_1143] {strides = array<i32>} : memref<128xf32, #tpu.memory_space<vmem>>, vector<16xf32>,
    tpu.vector_store %arg6[%swap3A_1143], %add3A_1142 {strides = array<i32>} : memref<128xf32, #tpu.memory_space<vmem>>, vector<16xf32>,
    %broadcast_in_dim3A_1145 = arith.constant 0.000000e+00 : f32
    %broadcast_in_dim3A_1146 = vector.broadcast %broadcast_in_dim3A_1145 : f32 to vector<16xf32>
    %slice3A_1147 = vector.extract_strided_slice %get3A_112 {offsets = [10], sizes = [1], strides = [1]} : vector<16xf32> to vector<1xf32>
    %squeeze3A_1148 = vector.extract %slice3A_1147[0] : f32 from vector<1xf32>
    %add3A_1149 = vector.broadcast %squeeze3A_1148 : f32 to vector<16xf32>
    %add3A_1150 = arith.addf %broadcast_in_dim3A_1146, %add3A_1149 : vector<16xf32>
    %get3A_1151 = arith.constant 0 : i32
    %get3A_1152 = arith.index_cast %get3A_1151 : i32 to index
    %get3A_1153 = arith.constant 112 : index
    %get3A_1154 = tpu.vector_load %arg5[%get3A_1152, %get3A_1153] {strides = array<i32>} : memref<21x128xf32, #tpu.memory_space<vmem>>, vector<16xf32>,
    %get3A_1155 = arith.constant 10 : i32
    %get3A_1156 = arith.index_cast %get3A_1155 : i32 to index
    %get3A_1157 = arith.constant 112 : index
    %get3A_1158 = tpu.vector_load %arg5[%get3A_1156, %get3A_1157] {strides = array<i32>} : memref<21x128xf32, #tpu.memory_space<vmem>>, vector<16xf32>,
    %add3A_1159 = arith.addf %get3A_1154, %get3A_1158 : vector<16xf32>
    %slice3A_1160 = vector.extract_strided_slice %get3A_112 {offsets = [0], sizes = [1], strides = [1]} : vector<16xf32> to vector<1xf32>
    %squeeze3A_1161 = vector.extract %slice3A_1160[0] : f32 from vector<1xf32>
    %mul3A_1162 = vector.broadcast %squeeze3A_1161 : f32 to vector<16xf32>
    %mul3A_1163 = arith.mulf %add3A_1159, %mul3A_1162 : vector<16xf32>
    %add3A_1164 = arith.addf %add3A_1150, %mul3A_1163 : vector<16xf32>
    %get3A_1165 = arith.constant 1 : i32
    %get3A_1166 = arith.index_cast %get3A_1165 : i32 to index
    %get3A_1167 = arith.constant 112 : index
    %get3A_1168 = tpu.vector_load %arg5[%get3A_1166, %get3A_1167] {strides = array<i32>} : memref<21x128xf32, #tpu.memory_space<vmem>>, vector<16xf32>,
    %get3A_1169 = arith.constant 11 : i32
    %get3A_1170 = arith.index_cast %get3A_1169 : i32 to index
    %get3A_1171 = arith.constant 112 : index
    %get3A_1172 = tpu.vector_load %arg5[%get3A_1170, %get3A_1171] {strides = array<i32>} : memref<21x128xf32, #tpu.memory_space<vmem>>, vector<16xf32>,
    %add3A_1173 = arith.addf %get3A_1168, %get3A_1172 : vector<16xf32>
    %slice3A_1174 = vector.extract_strided_slice %get3A_112 {offsets = [1], sizes = [1], strides = [1]} : vector<16xf32> to vector<1xf32>
    %squeeze3A_1175 = vector.extract %slice3A_1174[0] : f32 from vector<1xf32>
    %mul3A_1176 = vector.broadcast %squeeze3A_1175 : f32 to vector<16xf32>
    %mul3A_1177 = arith.mulf %add3A_1173, %mul3A_1176 : vector<16xf32>
    %add3A_1178 = arith.addf %add3A_1164, %mul3A_1177 : vector<16xf32>
    %get3A_1179 = arith.constant 2 : i32
    %get3A_1180 = arith.index_cast %get3A_1179 : i32 to index
    %get3A_1181 = arith.constant 112 : index
    %get3A_1182 = tpu.vector_load %arg5[%get3A_1180, %get3A_1181] {strides = array<i32>} : memref<21x128xf32, #tpu.memory_space<vmem>>, vector<16xf32>,
    %get3A_1183 = arith.constant 12 : i32
    %get3A_1184 = arith.index_cast %get3A_1183 : i32 to index
    %get3A_1185 = arith.constant 112 : index
    %get3A_1186 = tpu.vector_load %arg5[%get3A_1184, %get3A_1185] {strides = array<i32>} : memref<21x128xf32, #tpu.memory_space<vmem>>, vector<16xf32>,
    %add3A_1187 = arith.addf %get3A_1182, %get3A_1186 : vector<16xf32>
    %slice3A_1188 = vector.extract_strided_slice %get3A_112 {offsets = [2], sizes = [1], strides = [1]} : vector<16xf32> to vector<1xf32>
    %squeeze3A_1189 = vector.extract %slice3A_1188[0] : f32 from vector<1xf32>
    %mul3A_1190 = vector.broadcast %squeeze3A_1189 : f32 to vector<16xf32>
    %mul3A_1191 = arith.mulf %add3A_1187, %mul3A_1190 : vector<16xf32>
    %add3A_1192 = arith.addf %add3A_1178, %mul3A_1191 : vector<16xf32>
    %get3A_1193 = arith.constant 3 : i32
    %get3A_1194 = arith.index_cast %get3A_1193 : i32 to index
    %get3A_1195 = arith.constant 112 : index
    %get3A_1196 = tpu.vector_load %arg5[%get3A_1194, %get3A_1195] {strides = array<i32>} : memref<21x128xf32, #tpu.memory_space<vmem>>, vector<16xf32>,
    %get3A_1197 = arith.constant 13 : i32
    %get3A_1198 = arith.index_cast %get3A_1197 : i32 to index
    %get3A_1199 = arith.constant 112 : index
    %get3A_1200 = tpu.vector_load %arg5[%get3A_1198, %get3A_1199] {strides = array<i32>} : memref<21x128xf32, #tpu.memory_space<vmem>>, vector<16xf32>,
    %add3A_1201 = arith.addf %get3A_1196, %get3A_1200 : vector<16xf32>
    %slice3A_1202 = vector.extract_strided_slice %get3A_112 {offsets = [3], sizes = [1], strides = [1]} : vector<16xf32> to vector<1xf32>
    %squeeze3A_1203 = vector.extract %slice3A_1202[0] : f32 from vector<1xf32>
    %mul3A_1204 = vector.broadcast %squeeze3A_1203 : f32 to vector<16xf32>
    %mul3A_1205 = arith.mulf %add3A_1201, %mul3A_1204 : vector<16xf32>
    %add3A_1206 = arith.addf %add3A_1192, %mul3A_1205 : vector<16xf32>
    %get3A_1207 = arith.constant 4 : i32
    %get3A_1208 = arith.index_cast %get3A_1207 : i32 to index
    %get3A_1209 = arith.constant 112 : index
    %get3A_1210 = tpu.vector_load %arg5[%get3A_1208, %get3A_1209] {strides = array<i32>} : memref<21x128xf32, #tpu.memory_space<vmem>>, vector<16xf32>,
    %get3A_1211 = arith.constant 14 : i32
    %get3A_1212 = arith.index_cast %get3A_1211 : i32 to index
    %get3A_1213 = arith.constant 112 : index
    %get3A_1214 = tpu.vector_load %arg5[%get3A_1212, %get3A_1213] {strides = array<i32>} : memref<21x128xf32, #tpu.memory_space<vmem>>, vector<16xf32>,
    %add3A_1215 = arith.addf %get3A_1210, %get3A_1214 : vector<16xf32>
    %slice3A_1216 = vector.extract_strided_slice %get3A_112 {offsets = [4], sizes = [1], strides = [1]} : vector<16xf32> to vector<1xf32>
    %squeeze3A_1217 = vector.extract %slice3A_1216[0] : f32 from vector<1xf32>
    %mul3A_1218 = vector.broadcast %squeeze3A_1217 : f32 to vector<16xf32>
    %mul3A_1219 = arith.mulf %add3A_1215, %mul3A_1218 : vector<16xf32>
    %add3A_1220 = arith.addf %add3A_1206, %mul3A_1219 : vector<16xf32>
    %get3A_1221 = arith.constant 5 : i32
    %get3A_1222 = arith.index_cast %get3A_1221 : i32 to index
    %get3A_1223 = arith.constant 112 : index
    %get3A_1224 = tpu.vector_load %arg5[%get3A_1222, %get3A_1223] {strides = array<i32>} : memref<21x128xf32, #tpu.memory_space<vmem>>, vector<16xf32>,
    %get3A_1225 = arith.constant 15 : i32
    %get3A_1226 = arith.index_cast %get3A_1225 : i32 to index
    %get3A_1227 = arith.constant 112 : index
    %get3A_1228 = tpu.vector_load %arg5[%get3A_1226, %get3A_1227] {strides = array<i32>} : memref<21x128xf32, #tpu.memory_space<vmem>>, vector<16xf32>,
    %add3A_1229 = arith.addf %get3A_1224, %get3A_1228 : vector<16xf32>
    %slice3A_1230 = vector.extract_strided_slice %get3A_112 {offsets = [5], sizes = [1], strides = [1]} : vector<16xf32> to vector<1xf32>
    %squeeze3A_1231 = vector.extract %slice3A_1230[0] : f32 from vector<1xf32>
    %mul3A_1232 = vector.broadcast %squeeze3A_1231 : f32 to vector<16xf32>
    %mul3A_1233 = arith.mulf %add3A_1229, %mul3A_1232 : vector<16xf32>
    %add3A_1234 = arith.addf %add3A_1220, %mul3A_1233 : vector<16xf32>
    %get3A_1235 = arith.constant 6 : i32
    %get3A_1236 = arith.index_cast %get3A_1235 : i32 to index
    %get3A_1237 = arith.constant 112 : index
    %get3A_1238 = tpu.vector_load %arg5[%get3A_1236, %get3A_1237] {strides = array<i32>} : memref<21x128xf32, #tpu.memory_space<vmem>>, vector<16xf32>,
    %get3A_1239 = arith.constant 16 : i32
    %get3A_1240 = arith.index_cast %get3A_1239 : i32 to index
    %get3A_1241 = arith.constant 112 : index
    %get3A_1242 = tpu.vector_load %arg5[%get3A_1240, %get3A_1241] {strides = array<i32>} : memref<21x128xf32, #tpu.memory_space<vmem>>, vector<16xf32>,
    %add3A_1243 = arith.addf %get3A_1238, %get3A_1242 : vector<16xf32>
    %slice3A_1244 = vector.extract_strided_slice %get3A_112 {offsets = [6], sizes = [1], strides = [1]} : vector<16xf32> to vector<1xf32>
    %squeeze3A_1245 = vector.extract %slice3A_1244[0] : f32 from vector<1xf32>
    %mul3A_1246 = vector.broadcast %squeeze3A_1245 : f32 to vector<16xf32>
    %mul3A_1247 = arith.mulf %add3A_1243, %mul3A_1246 : vector<16xf32>
    %add3A_1248 = arith.addf %add3A_1234, %mul3A_1247 : vector<16xf32>
    %get3A_1249 = arith.constant 7 : i32
    %get3A_1250 = arith.index_cast %get3A_1249 : i32 to index
    %get3A_1251 = arith.constant 112 : index
    %get3A_1252 = tpu.vector_load %arg5[%get3A_1250, %get3A_1251] {strides = array<i32>} : memref<21x128xf32, #tpu.memory_space<vmem>>, vector<16xf32>,
    %get3A_1253 = arith.constant 17 : i32
    %get3A_1254 = arith.index_cast %get3A_1253 : i32 to index
    %get3A_1255 = arith.constant 112 : index
    %get3A_1256 = tpu.vector_load %arg5[%get3A_1254, %get3A_1255] {strides = array<i32>} : memref<21x128xf32, #tpu.memory_space<vmem>>, vector<16xf32>,
    %add3A_1257 = arith.addf %get3A_1252, %get3A_1256 : vector<16xf32>
    %slice3A_1258 = vector.extract_strided_slice %get3A_112 {offsets = [7], sizes = [1], strides = [1]} : vector<16xf32> to vector<1xf32>
    %squeeze3A_1259 = vector.extract %slice3A_1258[0] : f32 from vector<1xf32>
    %mul3A_1260 = vector.broadcast %squeeze3A_1259 : f32 to vector<16xf32>
    %mul3A_1261 = arith.mulf %add3A_1257, %mul3A_1260 : vector<16xf32>
    %add3A_1262 = arith.addf %add3A_1248, %mul3A_1261 : vector<16xf32>
    %get3A_1263 = arith.constant 8 : i32
    %get3A_1264 = arith.index_cast %get3A_1263 : i32 to index
    %get3A_1265 = arith.constant 112 : index
    %get3A_1266 = tpu.vector_load %arg5[%get3A_1264, %get3A_1265] {strides = array<i32>} : memref<21x128xf32, #tpu.memory_space<vmem>>, vector<16xf32>,
    %get3A_1267 = arith.constant 18 : i32
    %get3A_1268 = arith.index_cast %get3A_1267 : i32 to index
    %get3A_1269 = arith.constant 112 : index
    %get3A_1270 = tpu.vector_load %arg5[%get3A_1268, %get3A_1269] {strides = array<i32>} : memref<21x128xf32, #tpu.memory_space<vmem>>, vector<16xf32>,
    %add3A_1271 = arith.addf %get3A_1266, %get3A_1270 : vector<16xf32>
    %slice3A_1272 = vector.extract_strided_slice %get3A_112 {offsets = [8], sizes = [1], strides = [1]} : vector<16xf32> to vector<1xf32>
    %squeeze3A_1273 = vector.extract %slice3A_1272[0] : f32 from vector<1xf32>
    %mul3A_1274 = vector.broadcast %squeeze3A_1273 : f32 to vector<16xf32>
    %mul3A_1275 = arith.mulf %add3A_1271, %mul3A_1274 : vector<16xf32>
    %add3A_1276 = arith.addf %add3A_1262, %mul3A_1275 : vector<16xf32>
    %get3A_1277 = arith.constant 9 : i32
    %get3A_1278 = arith.index_cast %get3A_1277 : i32 to index
    %get3A_1279 = arith.constant 112 : index
    %get3A_1280 = tpu.vector_load %arg5[%get3A_1278, %get3A_1279] {strides = array<i32>} : memref<21x128xf32, #tpu.memory_space<vmem>>, vector<16xf32>,
    %get3A_1281 = arith.constant 19 : i32
    %get3A_1282 = arith.index_cast %get3A_1281 : i32 to index
    %get3A_1283 = arith.constant 112 : index
    %get3A_1284 = tpu.vector_load %arg5[%get3A_1282, %get3A_1283] {strides = array<i32>} : memref<21x128xf32, #tpu.memory_space<vmem>>, vector<16xf32>,
    %add3A_1285 = arith.addf %get3A_1280, %get3A_1284 : vector<16xf32>
    %slice3A_1286 = vector.extract_strided_slice %get3A_112 {offsets = [9], sizes = [1], strides = [1]} : vector<16xf32> to vector<1xf32>
    %squeeze3A_1287 = vector.extract %slice3A_1286[0] : f32 from vector<1xf32>
    %mul3A_1288 = vector.broadcast %squeeze3A_1287 : f32 to vector<16xf32>
    %mul3A_1289 = arith.mulf %add3A_1285, %mul3A_1288 : vector<16xf32>
    %add3A_1290 = arith.addf %add3A_1276, %mul3A_1289 : vector<16xf32>
    %swap3A_1291 = arith.constant 112 : index
    %swap3A_1292 = tpu.vector_load %arg6[%swap3A_1291] {strides = array<i32>} : memref<128xf32, #tpu.memory_space<vmem>>, vector<16xf32>,
    tpu.vector_store %arg6[%swap3A_1291], %add3A_1290 {strides = array<i32>} : memref<128xf32, #tpu.memory_space<vmem>>, vector<16xf32>,
    %scan3A = arith.constant 0 : i32
    %scan3A_1293 = arith.constant 0 : i32
    %scan3A_1294 = arith.constant 4 : i32
    %scan3A_1295 = arith.addi %scan3A_1293, %scan3A_1294 : i32
    %scan3A_1296 = arith.constant 1 : i32
    scf.for %scan3A_1350 = %scan3A_1293 to %scan3A_1295 step %scan3A_1296  : i32 {
      %mul3A_1351 = arith.constant 4 : i32
      %mul3A_1352 = arith.muli %scan3A_1350, %mul3A_1351 : i32
      %add3A_1353 = arith.constant 0 : i32
      %add3A_1354 = arith.addi %mul3A_1352, %add3A_1353 : i32
      %mul3A_1355 = arith.constant 32 : i32
      %mul3A_1356 = arith.muli %add3A_1354, %mul3A_1355 : i32
      %add3A_1357 = arith.addi %add3A, %mul3A_1356 : i32
      %lt3A_1358 = arith.constant 400 : i32
      %lt3A_1359 = arith.cmpi slt, %add3A_1357, %lt3A_1358 : i32
      %convert_element_type3A_1360 = arith.extui %lt3A_1359 : i1 to i32
      %cond3A_1361 = arith.constant 0 : i32
      %cond3A_1362 = arith.cmpi ne, %convert_element_type3A_1360, %cond3A_1361 : i32
      scf.if %cond3A_1362 {
        %mul3A_1399 = arith.constant 32 : i32
        %mul3A_1400 = arith.muli %add3A_1354, %mul3A_1399 : i32
        %add3A_1401 = arith.addi %add3A, %mul3A_1400 : i32
        %shift_right_arithmetic3A_1402 = arith.constant 4 : i32
        %shift_right_arithmetic3A_1403 = arith.shrsi %add3A_1401, %shift_right_arithmetic3A_1402 : i32
        %mul3A_1404 = arith.constant 128 : i32
        %mul3A_1405 = arith.muli %shift_right_arithmetic3A_1403, %mul3A_1404 : i32
        %and3A_1406 = arith.constant 15 : i32
        %and3A_1407 = arith.andi %add3A_1401, %and3A_1406 : i32
        %mul3A_1408 = arith.constant 8 : i32
        %mul3A_1409 = arith.muli %and3A_1407, %mul3A_1408 : i32
        %add3A_1410 = arith.addi %mul3A_1405, %mul3A_1409 : i32
        %dma_wait3A = arith.constant 0 : i32
        %dma_wait3A_1411 = arith.constant 0 : i32
        %dma_wait3A_1412 = arith.constant 0 : i32
        %dma_wait3A_1413 = arith.constant 0 : i32
        %dma_wait3A_1414 = tpu.memref_slice %arg7[%dma_wait3A, %dma_wait3A_1411, %dma_wait3A_1412, %dma_wait3A_1413] : memref<4x8x8x128xi32, #tpu.memory_space<vmem>> -> memref<1x8x8x128xi32, #tpu.memory_space<vmem>>
        %dma_wait3A_1415 = tpu.memref_squeeze %dma_wait3A_1414 : memref<1x8x8x128xi32, #tpu.memory_space<vmem>> -> memref<8x8x128xi32, #tpu.memory_space<vmem>>
        %dma_wait3A_1416 = arith.constant 0 : i32
        %dma_wait3A_1417 = arith.constant 0 : i32
        %dma_wait3A_1418 = tpu.memref_slice %arg3[%add3A_1410, %dma_wait3A_1416, %dma_wait3A_1417] : memref<3200x8x128xi32, #tpu.memory_space<hbm>> -> memref<8x8x128xi32, #tpu.memory_space<hbm>>
        %dma_wait3A_1419 = arith.constant 0 : i32
        %dma_wait3A_1420 = arith.constant 0 : i32
        %dma_wait3A_1421 = arith.constant 0 : i32
        %dma_wait3A_1422 = tpu.memref_slice %arg7[%dma_wait3A, %dma_wait3A_1419, %dma_wait3A_1420, %dma_wait3A_1421] : memref<4x8x8x128xi32, #tpu.memory_space<vmem>> -> memref<1x8x8x128xi32, #tpu.memory_space<vmem>>
        %dma_wait3A_1423 = tpu.memref_squeeze %dma_wait3A_1422 : memref<1x8x8x128xi32, #tpu.memory_space<vmem>> -> memref<8x8x128xi32, #tpu.memory_space<vmem>>
        %dma_wait3A_1424 = arith.constant 0 : i32
        %dma_wait3A_1425 = arith.constant 0 : i32
        %dma_wait3A_1426 = tpu.memref_slice %arg3[%add3A_1410, %dma_wait3A_1424, %dma_wait3A_1425] : memref<3200x8x128xi32, #tpu.memory_space<hbm>> -> memref<8x8x128xi32, #tpu.memory_space<hbm>>
        tpu.wait_dma2 semaphore(%arg9 : memref<!tpu.dma_semaphore, #tpu.memory_space<semaphore_mem>>) src(%dma_wait3A_1426 : memref<8x8x128xi32, #tpu.memory_space<hbm>>) dst(%dma_wait3A_1423 : memref<8x8x128xi32, #tpu.memory_space<vmem>>)
        %ge3A_1427 = arith.constant 4 : i32
        %ge3A_1428 = arith.cmpi sge, %add3A_1354, %ge3A_1427 : i32
        %convert_element_type3A_1429 = arith.extui %ge3A_1428 : i1 to i32
        %cond3A_1430 = arith.constant 0 : i32
        %cond3A_1431 = arith.cmpi ne, %convert_element_type3A_1429, %cond3A_1430 : i32
        scf.if %cond3A_1431 {
          %sub3A = arith.constant 4 : i32
          %sub3A_1470 = arith.subi %add3A_1354, %sub3A : i32
          %mul3A_1471 = arith.constant 32 : i32
          %mul3A_1472 = arith.muli %sub3A_1470, %mul3A_1471 : i32
          %add3A_1473 = arith.addi %add3A, %mul3A_1472 : i32
          %shift_right_arithmetic3A_1474 = arith.constant 4 : i32
          %shift_right_arithmetic3A_1475 = arith.shrsi %add3A_1473, %shift_right_arithmetic3A_1474 : i32
          %mul3A_1476 = arith.constant 8 : i32
          %mul3A_1477 = arith.muli %shift_right_arithmetic3A_1475, %mul3A_1476 : i32
          %and3A_1478 = arith.constant 15 : i32
          %and3A_1479 = arith.andi %add3A_1473, %and3A_1478 : i32
          %mul3A_1480 = arith.constant 1024 : i32
          %mul3A_1481 = arith.muli %and3A_1479, %mul3A_1480 : i32
          %dma_wait3A_1482 = arith.constant 0 : i32
          %dma_wait3A_1483 = arith.constant 0 : i32
          %dma_wait3A_1484 = arith.constant 0 : i32
          %dma_wait3A_1485 = arith.constant 0 : i32
          %dma_wait3A_1486 = tpu.memref_slice %arg8[%dma_wait3A_1482, %dma_wait3A_1483, %dma_wait3A_1484, %dma_wait3A_1485] : memref<4x8x1x1024xf32, #tpu.memory_space<vmem>> -> memref<1x8x1x1024xf32, #tpu.memory_space<vmem>>
          %dma_wait3A_1487 = tpu.memref_squeeze %dma_wait3A_1486 : memref<1x8x1x1024xf32, #tpu.memory_space<vmem>> -> memref<8x1x1024xf32, #tpu.memory_space<vmem>>
          %dma_wait3A_1488 = arith.constant 0 : i32
          %dma_wait3A_1489 = tpu.memref_slice %arg4[%mul3A_1477, %dma_wait3A_1488, %mul3A_1481] : memref<200x1x16384xf32, #tpu.memory_space<hbm>> -> memref<8x1x1024xf32, #tpu.memory_space<hbm>>
          %dma_wait3A_1490 = arith.constant 0 : i32
          %dma_wait3A_1491 = tpu.memref_slice %arg4[%mul3A_1477, %dma_wait3A_1490, %mul3A_1481] : memref<200x1x16384xf32, #tpu.memory_space<hbm>> -> memref<8x1x1024xf32, #tpu.memory_space<hbm>>
          %dma_wait3A_1492 = arith.constant 0 : i32
          %dma_wait3A_1493 = arith.constant 0 : i32
          %dma_wait3A_1494 = arith.constant 0 : i32
          %dma_wait3A_1495 = tpu.memref_slice %arg8[%dma_wait3A_1482, %dma_wait3A_1492, %dma_wait3A_1493, %dma_wait3A_1494] : memref<4x8x1x1024xf32, #tpu.memory_space<vmem>> -> memref<1x8x1x1024xf32, #tpu.memory_space<vmem>>
          %dma_wait3A_1496 = tpu.memref_squeeze %dma_wait3A_1495 : memref<1x8x1x1024xf32, #tpu.memory_space<vmem>> -> memref<8x1x1024xf32, #tpu.memory_space<vmem>>
          tpu.wait_dma2 semaphore(%arg13 : memref<!tpu.dma_semaphore, #tpu.memory_space<semaphore_mem>>) src(%dma_wait3A_1496 : memref<8x1x1024xf32, #tpu.memory_space<vmem>>) dst(%dma_wait3A_1491 : memref<8x1x1024xf32, #tpu.memory_space<hbm>>)
        } else {
        }
        %parallel_loop3A = arith.constant 0 : i32
        %parallel_loop3A_1432 = arith.constant 8192 : i32
        %parallel_loop3A_1433 = arith.constant 16 : i32
        scf.for %parallel_loop3A_1470 = %parallel_loop3A to %parallel_loop3A_1432 step %parallel_loop3A_1433  : i32 {
          %parallel_loop3A_1471 = arith.constant 10 : i32
          %parallel_loop3A_1472 = arith.shrsi %parallel_loop3A_1470, %parallel_loop3A_1471 : i32
          %parallel_loop3A_1473 = arith.constant 7 : i32
          %parallel_loop3A_1474 = arith.shrsi %parallel_loop3A_1470, %parallel_loop3A_1473 : i32
          %parallel_loop3A_1475 = arith.constant 7 : i32
          %parallel_loop3A_1476 = arith.andi %parallel_loop3A_1474, %parallel_loop3A_1475 : i32
          %parallel_loop3A_1477 = arith.constant 127 : i32
          %parallel_loop3A_1478 = arith.andi %parallel_loop3A_1470, %parallel_loop3A_1477 : i32
          %parallel_loop3A_1479 = arith.constant 0 : i32
          %parallel_loop3A_1480 = arith.index_cast %parallel_loop3A_1479 : i32 to index
          %parallel_loop3A_1481 = arith.index_cast %parallel_loop3A_1472 : i32 to index
          %parallel_loop3A_1482 = arith.index_cast %parallel_loop3A_1476 : i32 to index
          %parallel_loop3A_1483 = arith.index_cast %parallel_loop3A_1478 : i32 to index
          %parallel_loop3A_1484 = tpu.vector_load %arg7[%parallel_loop3A_1480, %parallel_loop3A_1481, %parallel_loop3A_1482, %parallel_loop3A_1483] {strides = array<i32>} : memref<4x8x8x128xi32, #tpu.memory_space<vmem>>, vector<16xi32>,
          %parallel_loop3A_1485 = tpu.vector_load_idx %arg6[%parallel_loop3A_1484] : memref<128xf32, #tpu.memory_space<vmem>>[vector<16xi32>], vector<16xf32>,
          %parallel_loop3A_1486 = arith.constant 7 : i32
          %parallel_loop3A_1487 = arith.shrsi %parallel_loop3A_1470, %parallel_loop3A_1486 : i32
          %parallel_loop3A_1488 = arith.constant 7 : i32
          %parallel_loop3A_1489 = arith.andi %parallel_loop3A_1487, %parallel_loop3A_1488 : i32
          %parallel_loop3A_1490 = arith.constant 10 : i32
          %parallel_loop3A_1491 = arith.shrsi %parallel_loop3A_1470, %parallel_loop3A_1490 : i32
          %parallel_loop3A_1492 = arith.constant 7 : i32
          %parallel_loop3A_1493 = arith.shli %parallel_loop3A_1491, %parallel_loop3A_1492 : i32
          %parallel_loop3A_1494 = arith.constant 127 : i32
          %parallel_loop3A_1495 = arith.andi %parallel_loop3A_1470, %parallel_loop3A_1494 : i32
          %parallel_loop3A_1496 = arith.ori %parallel_loop3A_1493, %parallel_loop3A_1495 : i32
          %parallel_loop3A_1497 = arith.constant 0 : i32
          %parallel_loop3A_1498 = arith.constant 0 : i32
          %parallel_loop3A_1499 = arith.index_cast %parallel_loop3A_1497 : i32 to index
          %parallel_loop3A_1500 = arith.index_cast %parallel_loop3A_1489 : i32 to index
          %parallel_loop3A_1501 = arith.index_cast %parallel_loop3A_1498 : i32 to index
          %parallel_loop3A_1502 = arith.index_cast %parallel_loop3A_1496 : i32 to index
          %parallel_loop3A_1503 = tpu.vector_load %arg8[%parallel_loop3A_1499, %parallel_loop3A_1500, %parallel_loop3A_1501, %parallel_loop3A_1502] {strides = array<i32>} : memref<4x8x1x1024xf32, #tpu.memory_space<vmem>>, vector<16xf32>,
          tpu.vector_store %arg8[%parallel_loop3A_1499, %parallel_loop3A_1500, %parallel_loop3A_1501, %parallel_loop3A_1502], %parallel_loop3A_1485 {strides = array<i32>} : memref<4x8x1x1024xf32, #tpu.memory_space<vmem>>, vector<16xf32>,
        } {sc.loop_unroll_factor = 8 : i64, sc.parallel_access}
        %mul3A_1434 = arith.constant 32 : i32
        %mul3A_1435 = arith.muli %add3A_1354, %mul3A_1434 : i32
        %add3A_1436 = arith.addi %add3A, %mul3A_1435 : i32
        %shift_right_arithmetic3A_1437 = arith.constant 4 : i32
        %shift_right_arithmetic3A_1438 = arith.shrsi %add3A_1436, %shift_right_arithmetic3A_1437 : i32
        %mul3A_1439 = arith.constant 8 : i32
        %mul3A_1440 = arith.muli %shift_right_arithmetic3A_1438, %mul3A_1439 : i32
        %and3A_1441 = arith.constant 15 : i32
        %and3A_1442 = arith.andi %add3A_1436, %and3A_1441 : i32
        %mul3A_1443 = arith.constant 1024 : i32
        %mul3A_1444 = arith.muli %and3A_1442, %mul3A_1443 : i32
        %dma_start3A_1445 = arith.constant 0 : i32
        %dma_start3A_1446 = arith.constant 0 : i32
        %dma_start3A_1447 = arith.constant 0 : i32
        %dma_start3A_1448 = arith.constant 0 : i32
        %dma_start3A_1449 = tpu.memref_slice %arg8[%dma_start3A_1445, %dma_start3A_1446, %dma_start3A_1447, %dma_start3A_1448] : memref<4x8x1x1024xf32, #tpu.memory_space<vmem>> -> memref<1x8x1x1024xf32, #tpu.memory_space<vmem>>
        %dma_start3A_1450 = tpu.memref_squeeze %dma_start3A_1449 : memref<1x8x1x1024xf32, #tpu.memory_space<vmem>> -> memref<8x1x1024xf32, #tpu.memory_space<vmem>>
        %dma_start3A_1451 = arith.constant 0 : i32
        %dma_start3A_1452 = tpu.memref_slice %arg4[%mul3A_1440, %dma_start3A_1451, %mul3A_1444] : memref<200x1x16384xf32, #tpu.memory_space<hbm>> -> memref<8x1x1024xf32, #tpu.memory_space<hbm>>
        %dma_start3A_1453 = arith.constant 0 : i32
        %dma_start3A_1454 = tpu.memref_slice %arg4[%mul3A_1440, %dma_start3A_1453, %mul3A_1444] : memref<200x1x16384xf32, #tpu.memory_space<hbm>> -> memref<8x1x1024xf32, #tpu.memory_space<hbm>>
        %dma_start3A_1455 = arith.constant 0 : i32
        %dma_start3A_1456 = arith.constant 0 : i32
        %dma_start3A_1457 = arith.constant 0 : i32
        %dma_start3A_1458 = tpu.memref_slice %arg8[%dma_start3A_1445, %dma_start3A_1455, %dma_start3A_1456, %dma_start3A_1457] : memref<4x8x1x1024xf32, #tpu.memory_space<vmem>> -> memref<1x8x1x1024xf32, #tpu.memory_space<vmem>>
        %dma_start3A_1459 = tpu.memref_squeeze %dma_start3A_1458 : memref<1x8x1x1024xf32, #tpu.memory_space<vmem>> -> memref<8x1x1024xf32, #tpu.memory_space<vmem>>
        tpu.enqueue_dma source(%dma_start3A_1459 : memref<8x1x1024xf32, #tpu.memory_space<vmem>>) target(%dma_start3A_1454 : memref<8x1x1024xf32, #tpu.memory_space<hbm>>) target_semaphore(%arg13 : memref<!tpu.dma_semaphore, #tpu.memory_space<semaphore_mem>>)
        %add3A_1460 = arith.constant 4 : i32
        %add3A_1461 = arith.addi %add3A_1354, %add3A_1460 : i32
        %mul3A_1462 = arith.constant 32 : i32
        %mul3A_1463 = arith.muli %add3A_1461, %mul3A_1462 : i32
        %add3A_1464 = arith.addi %add3A, %mul3A_1463 : i32
        %lt3A_1465 = arith.constant 400 : i32
        %lt3A_1466 = arith.cmpi slt, %add3A_1464, %lt3A_1465 : i32
        %convert_element_type3A_1467 = arith.extui %lt3A_1466 : i1 to i32
        %cond3A_1468 = arith.constant 0 : i32
        %cond3A_1469 = arith.cmpi ne, %convert_element_type3A_1467, %cond3A_1468 : i32
        scf.if %cond3A_1469 {
          %add3A_1470 = arith.constant 4 : i32
          %add3A_1471 = arith.addi %add3A_1354, %add3A_1470 : i32
          %mul3A_1472 = arith.constant 32 : i32
          %mul3A_1473 = arith.muli %add3A_1471, %mul3A_1472 : i32
          %add3A_1474 = arith.addi %add3A, %mul3A_1473 : i32
          %shift_right_arithmetic3A_1475 = arith.constant 4 : i32
          %shift_right_arithmetic3A_1476 = arith.shrsi %add3A_1474, %shift_right_arithmetic3A_1475 : i32
          %mul3A_1477 = arith.constant 128 : i32
          %mul3A_1478 = arith.muli %shift_right_arithmetic3A_1476, %mul3A_1477 : i32
          %and3A_1479 = arith.constant 15 : i32
          %and3A_1480 = arith.andi %add3A_1474, %and3A_1479 : i32
          %mul3A_1481 = arith.constant 8 : i32
          %mul3A_1482 = arith.muli %and3A_1480, %mul3A_1481 : i32
          %add3A_1483 = arith.addi %mul3A_1478, %mul3A_1482 : i32
          %dma_start3A_1484 = arith.constant 0 : i32
          %dma_start3A_1485 = arith.constant 0 : i32
          %dma_start3A_1486 = arith.constant 0 : i32
          %dma_start3A_1487 = arith.constant 0 : i32
          %dma_start3A_1488 = tpu.memref_slice %arg7[%dma_start3A_1484, %dma_start3A_1485, %dma_start3A_1486, %dma_start3A_1487] : memref<4x8x8x128xi32, #tpu.memory_space<vmem>> -> memref<1x8x8x128xi32, #tpu.memory_space<vmem>>
          %dma_start3A_1489 = tpu.memref_squeeze %dma_start3A_1488 : memref<1x8x8x128xi32, #tpu.memory_space<vmem>> -> memref<8x8x128xi32, #tpu.memory_space<vmem>>
          %dma_start3A_1490 = arith.constant 0 : i32
          %dma_start3A_1491 = arith.constant 0 : i32
          %dma_start3A_1492 = tpu.memref_slice %arg3[%add3A_1483, %dma_start3A_1490, %dma_start3A_1491] : memref<3200x8x128xi32, #tpu.memory_space<hbm>> -> memref<8x8x128xi32, #tpu.memory_space<hbm>>
          %dma_start3A_1493 = arith.constant 0 : i32
          %dma_start3A_1494 = arith.constant 0 : i32
          %dma_start3A_1495 = arith.constant 0 : i32
          %dma_start3A_1496 = tpu.memref_slice %arg7[%dma_start3A_1484, %dma_start3A_1493, %dma_start3A_1494, %dma_start3A_1495] : memref<4x8x8x128xi32, #tpu.memory_space<vmem>> -> memref<1x8x8x128xi32, #tpu.memory_space<vmem>>
          %dma_start3A_1497 = tpu.memref_squeeze %dma_start3A_1496 : memref<1x8x8x128xi32, #tpu.memory_space<vmem>> -> memref<8x8x128xi32, #tpu.memory_space<vmem>>
          %dma_start3A_1498 = arith.constant 0 : i32
          %dma_start3A_1499 = arith.constant 0 : i32
          %dma_start3A_1500 = tpu.memref_slice %arg3[%add3A_1483, %dma_start3A_1498, %dma_start3A_1499] : memref<3200x8x128xi32, #tpu.memory_space<hbm>> -> memref<8x8x128xi32, #tpu.memory_space<hbm>>
          tpu.enqueue_dma source(%dma_start3A_1500 : memref<8x8x128xi32, #tpu.memory_space<hbm>>) target(%dma_start3A_1497 : memref<8x8x128xi32, #tpu.memory_space<vmem>>) target_semaphore(%arg9 : memref<!tpu.dma_semaphore, #tpu.memory_space<semaphore_mem>>)
        } else {
        }
      } else {
      }
      %mul3A_1363 = arith.constant 4 : i32
      %mul3A_1364 = arith.muli %scan3A_1350, %mul3A_1363 : i32
      %add3A_1365 = arith.constant 1 : i32
      %add3A_1366 = arith.addi %mul3A_1364, %add3A_1365 : i32
      %mul3A_1367 = arith.constant 32 : i32
      %mul3A_1368 = arith.muli %add3A_1366, %mul3A_1367 : i32
      %add3A_1369 = arith.addi %add3A, %mul3A_1368 : i32
      %lt3A_1370 = arith.constant 400 : i32
      %lt3A_1371 = arith.cmpi slt, %add3A_1369, %lt3A_1370 : i32
      %convert_element_type3A_1372 = arith.extui %lt3A_1371 : i1 to i32
      %cond3A_1373 = arith.constant 0 : i32
      %cond3A_1374 = arith.cmpi ne, %convert_element_type3A_1372, %cond3A_1373 : i32
      scf.if %cond3A_1374 {
        %mul3A_1399 = arith.constant 32 : i32
        %mul3A_1400 = arith.muli %add3A_1366, %mul3A_1399 : i32
        %add3A_1401 = arith.addi %add3A, %mul3A_1400 : i32
        %shift_right_arithmetic3A_1402 = arith.constant 4 : i32
        %shift_right_arithmetic3A_1403 = arith.shrsi %add3A_1401, %shift_right_arithmetic3A_1402 : i32
        %mul3A_1404 = arith.constant 128 : i32
        %mul3A_1405 = arith.muli %shift_right_arithmetic3A_1403, %mul3A_1404 : i32
        %and3A_1406 = arith.constant 15 : i32
        %and3A_1407 = arith.andi %add3A_1401, %and3A_1406 : i32
        %mul3A_1408 = arith.constant 8 : i32
        %mul3A_1409 = arith.muli %and3A_1407, %mul3A_1408 : i32
        %add3A_1410 = arith.addi %mul3A_1405, %mul3A_1409 : i32
        %dma_wait3A = arith.constant 1 : i32
        %dma_wait3A_1411 = arith.constant 0 : i32
        %dma_wait3A_1412 = arith.constant 0 : i32
        %dma_wait3A_1413 = arith.constant 0 : i32
        %dma_wait3A_1414 = tpu.memref_slice %arg7[%dma_wait3A, %dma_wait3A_1411, %dma_wait3A_1412, %dma_wait3A_1413] : memref<4x8x8x128xi32, #tpu.memory_space<vmem>> -> memref<1x8x8x128xi32, #tpu.memory_space<vmem>>
        %dma_wait3A_1415 = tpu.memref_squeeze %dma_wait3A_1414 : memref<1x8x8x128xi32, #tpu.memory_space<vmem>> -> memref<8x8x128xi32, #tpu.memory_space<vmem>>
        %dma_wait3A_1416 = arith.constant 0 : i32
        %dma_wait3A_1417 = arith.constant 0 : i32
        %dma_wait3A_1418 = tpu.memref_slice %arg3[%add3A_1410, %dma_wait3A_1416, %dma_wait3A_1417] : memref<3200x8x128xi32, #tpu.memory_space<hbm>> -> memref<8x8x128xi32, #tpu.memory_space<hbm>>
        %dma_wait3A_1419 = arith.constant 0 : i32
        %dma_wait3A_1420 = arith.constant 0 : i32
        %dma_wait3A_1421 = arith.constant 0 : i32
        %dma_wait3A_1422 = tpu.memref_slice %arg7[%dma_wait3A, %dma_wait3A_1419, %dma_wait3A_1420, %dma_wait3A_1421] : memref<4x8x8x128xi32, #tpu.memory_space<vmem>> -> memref<1x8x8x128xi32, #tpu.memory_space<vmem>>
        %dma_wait3A_1423 = tpu.memref_squeeze %dma_wait3A_1422 : memref<1x8x8x128xi32, #tpu.memory_space<vmem>> -> memref<8x8x128xi32, #tpu.memory_space<vmem>>
        %dma_wait3A_1424 = arith.constant 0 : i32
        %dma_wait3A_1425 = arith.constant 0 : i32
        %dma_wait3A_1426 = tpu.memref_slice %arg3[%add3A_1410, %dma_wait3A_1424, %dma_wait3A_1425] : memref<3200x8x128xi32, #tpu.memory_space<hbm>> -> memref<8x8x128xi32, #tpu.memory_space<hbm>>
        tpu.wait_dma2 semaphore(%arg10 : memref<!tpu.dma_semaphore, #tpu.memory_space<semaphore_mem>>) src(%dma_wait3A_1426 : memref<8x8x128xi32, #tpu.memory_space<hbm>>) dst(%dma_wait3A_1423 : memref<8x8x128xi32, #tpu.memory_space<vmem>>)
        %ge3A_1427 = arith.constant 4 : i32
        %ge3A_1428 = arith.cmpi sge, %add3A_1366, %ge3A_1427 : i32
        %convert_element_type3A_1429 = arith.extui %ge3A_1428 : i1 to i32
        %cond3A_1430 = arith.constant 0 : i32
        %cond3A_1431 = arith.cmpi ne, %convert_element_type3A_1429, %cond3A_1430 : i32
        scf.if %cond3A_1431 {
          %sub3A = arith.constant 4 : i32
          %sub3A_1470 = arith.subi %add3A_1366, %sub3A : i32
          %mul3A_1471 = arith.constant 32 : i32
          %mul3A_1472 = arith.muli %sub3A_1470, %mul3A_1471 : i32
          %add3A_1473 = arith.addi %add3A, %mul3A_1472 : i32
          %shift_right_arithmetic3A_1474 = arith.constant 4 : i32
          %shift_right_arithmetic3A_1475 = arith.shrsi %add3A_1473, %shift_right_arithmetic3A_1474 : i32
          %mul3A_1476 = arith.constant 8 : i32
          %mul3A_1477 = arith.muli %shift_right_arithmetic3A_1475, %mul3A_1476 : i32
          %and3A_1478 = arith.constant 15 : i32
          %and3A_1479 = arith.andi %add3A_1473, %and3A_1478 : i32
          %mul3A_1480 = arith.constant 1024 : i32
          %mul3A_1481 = arith.muli %and3A_1479, %mul3A_1480 : i32
          %dma_wait3A_1482 = arith.constant 1 : i32
          %dma_wait3A_1483 = arith.constant 0 : i32
          %dma_wait3A_1484 = arith.constant 0 : i32
          %dma_wait3A_1485 = arith.constant 0 : i32
          %dma_wait3A_1486 = tpu.memref_slice %arg8[%dma_wait3A_1482, %dma_wait3A_1483, %dma_wait3A_1484, %dma_wait3A_1485] : memref<4x8x1x1024xf32, #tpu.memory_space<vmem>> -> memref<1x8x1x1024xf32, #tpu.memory_space<vmem>>
          %dma_wait3A_1487 = tpu.memref_squeeze %dma_wait3A_1486 : memref<1x8x1x1024xf32, #tpu.memory_space<vmem>> -> memref<8x1x1024xf32, #tpu.memory_space<vmem>>
          %dma_wait3A_1488 = arith.constant 0 : i32
          %dma_wait3A_1489 = tpu.memref_slice %arg4[%mul3A_1477, %dma_wait3A_1488, %mul3A_1481] : memref<200x1x16384xf32, #tpu.memory_space<hbm>> -> memref<8x1x1024xf32, #tpu.memory_space<hbm>>
          %dma_wait3A_1490 = arith.constant 0 : i32
          %dma_wait3A_1491 = tpu.memref_slice %arg4[%mul3A_1477, %dma_wait3A_1490, %mul3A_1481] : memref<200x1x16384xf32, #tpu.memory_space<hbm>> -> memref<8x1x1024xf32, #tpu.memory_space<hbm>>
          %dma_wait3A_1492 = arith.constant 0 : i32
          %dma_wait3A_1493 = arith.constant 0 : i32
          %dma_wait3A_1494 = arith.constant 0 : i32
          %dma_wait3A_1495 = tpu.memref_slice %arg8[%dma_wait3A_1482, %dma_wait3A_1492, %dma_wait3A_1493, %dma_wait3A_1494] : memref<4x8x1x1024xf32, #tpu.memory_space<vmem>> -> memref<1x8x1x1024xf32, #tpu.memory_space<vmem>>
          %dma_wait3A_1496 = tpu.memref_squeeze %dma_wait3A_1495 : memref<1x8x1x1024xf32, #tpu.memory_space<vmem>> -> memref<8x1x1024xf32, #tpu.memory_space<vmem>>
          tpu.wait_dma2 semaphore(%arg14 : memref<!tpu.dma_semaphore, #tpu.memory_space<semaphore_mem>>) src(%dma_wait3A_1496 : memref<8x1x1024xf32, #tpu.memory_space<vmem>>) dst(%dma_wait3A_1491 : memref<8x1x1024xf32, #tpu.memory_space<hbm>>)
        } else {
        }
        %parallel_loop3A = arith.constant 0 : i32
        %parallel_loop3A_1432 = arith.constant 8192 : i32
        %parallel_loop3A_1433 = arith.constant 16 : i32
        scf.for %parallel_loop3A_1470 = %parallel_loop3A to %parallel_loop3A_1432 step %parallel_loop3A_1433  : i32 {
          %parallel_loop3A_1471 = arith.constant 10 : i32
          %parallel_loop3A_1472 = arith.shrsi %parallel_loop3A_1470, %parallel_loop3A_1471 : i32
          %parallel_loop3A_1473 = arith.constant 7 : i32
          %parallel_loop3A_1474 = arith.shrsi %parallel_loop3A_1470, %parallel_loop3A_1473 : i32
          %parallel_loop3A_1475 = arith.constant 7 : i32
          %parallel_loop3A_1476 = arith.andi %parallel_loop3A_1474, %parallel_loop3A_1475 : i32
          %parallel_loop3A_1477 = arith.constant 127 : i32
          %parallel_loop3A_1478 = arith.andi %parallel_loop3A_1470, %parallel_loop3A_1477 : i32
          %parallel_loop3A_1479 = arith.constant 1 : i32
          %parallel_loop3A_1480 = arith.index_cast %parallel_loop3A_1479 : i32 to index
          %parallel_loop3A_1481 = arith.index_cast %parallel_loop3A_1472 : i32 to index
          %parallel_loop3A_1482 = arith.index_cast %parallel_loop3A_1476 : i32 to index
          %parallel_loop3A_1483 = arith.index_cast %parallel_loop3A_1478 : i32 to index
          %parallel_loop3A_1484 = tpu.vector_load %arg7[%parallel_loop3A_1480, %parallel_loop3A_1481, %parallel_loop3A_1482, %parallel_loop3A_1483] {strides = array<i32>} : memref<4x8x8x128xi32, #tpu.memory_space<vmem>>, vector<16xi32>,
          %parallel_loop3A_1485 = tpu.vector_load_idx %arg6[%parallel_loop3A_1484] : memref<128xf32, #tpu.memory_space<vmem>>[vector<16xi32>], vector<16xf32>,
          %parallel_loop3A_1486 = arith.constant 7 : i32
          %parallel_loop3A_1487 = arith.shrsi %parallel_loop3A_1470, %parallel_loop3A_1486 : i32
          %parallel_loop3A_1488 = arith.constant 7 : i32
          %parallel_loop3A_1489 = arith.andi %parallel_loop3A_1487, %parallel_loop3A_1488 : i32
          %parallel_loop3A_1490 = arith.constant 10 : i32
          %parallel_loop3A_1491 = arith.shrsi %parallel_loop3A_1470, %parallel_loop3A_1490 : i32
          %parallel_loop3A_1492 = arith.constant 7 : i32
          %parallel_loop3A_1493 = arith.shli %parallel_loop3A_1491, %parallel_loop3A_1492 : i32
          %parallel_loop3A_1494 = arith.constant 127 : i32
          %parallel_loop3A_1495 = arith.andi %parallel_loop3A_1470, %parallel_loop3A_1494 : i32
          %parallel_loop3A_1496 = arith.ori %parallel_loop3A_1493, %parallel_loop3A_1495 : i32
          %parallel_loop3A_1497 = arith.constant 1 : i32
          %parallel_loop3A_1498 = arith.constant 0 : i32
          %parallel_loop3A_1499 = arith.index_cast %parallel_loop3A_1497 : i32 to index
          %parallel_loop3A_1500 = arith.index_cast %parallel_loop3A_1489 : i32 to index
          %parallel_loop3A_1501 = arith.index_cast %parallel_loop3A_1498 : i32 to index
          %parallel_loop3A_1502 = arith.index_cast %parallel_loop3A_1496 : i32 to index
          %parallel_loop3A_1503 = tpu.vector_load %arg8[%parallel_loop3A_1499, %parallel_loop3A_1500, %parallel_loop3A_1501, %parallel_loop3A_1502] {strides = array<i32>} : memref<4x8x1x1024xf32, #tpu.memory_space<vmem>>, vector<16xf32>,
          tpu.vector_store %arg8[%parallel_loop3A_1499, %parallel_loop3A_1500, %parallel_loop3A_1501, %parallel_loop3A_1502], %parallel_loop3A_1485 {strides = array<i32>} : memref<4x8x1x1024xf32, #tpu.memory_space<vmem>>, vector<16xf32>,
        } {sc.loop_unroll_factor = 8 : i64, sc.parallel_access}
        %mul3A_1434 = arith.constant 32 : i32
        %mul3A_1435 = arith.muli %add3A_1366, %mul3A_1434 : i32
        %add3A_1436 = arith.addi %add3A, %mul3A_1435 : i32
        %shift_right_arithmetic3A_1437 = arith.constant 4 : i32
        %shift_right_arithmetic3A_1438 = arith.shrsi %add3A_1436, %shift_right_arithmetic3A_1437 : i32
        %mul3A_1439 = arith.constant 8 : i32
        %mul3A_1440 = arith.muli %shift_right_arithmetic3A_1438, %mul3A_1439 : i32
        %and3A_1441 = arith.constant 15 : i32
        %and3A_1442 = arith.andi %add3A_1436, %and3A_1441 : i32
        %mul3A_1443 = arith.constant 1024 : i32
        %mul3A_1444 = arith.muli %and3A_1442, %mul3A_1443 : i32
        %dma_start3A_1445 = arith.constant 1 : i32
        %dma_start3A_1446 = arith.constant 0 : i32
        %dma_start3A_1447 = arith.constant 0 : i32
        %dma_start3A_1448 = arith.constant 0 : i32
        %dma_start3A_1449 = tpu.memref_slice %arg8[%dma_start3A_1445, %dma_start3A_1446, %dma_start3A_1447, %dma_start3A_1448] : memref<4x8x1x1024xf32, #tpu.memory_space<vmem>> -> memref<1x8x1x1024xf32, #tpu.memory_space<vmem>>
        %dma_start3A_1450 = tpu.memref_squeeze %dma_start3A_1449 : memref<1x8x1x1024xf32, #tpu.memory_space<vmem>> -> memref<8x1x1024xf32, #tpu.memory_space<vmem>>
        %dma_start3A_1451 = arith.constant 0 : i32
        %dma_start3A_1452 = tpu.memref_slice %arg4[%mul3A_1440, %dma_start3A_1451, %mul3A_1444] : memref<200x1x16384xf32, #tpu.memory_space<hbm>> -> memref<8x1x1024xf32, #tpu.memory_space<hbm>>
        %dma_start3A_1453 = arith.constant 0 : i32
        %dma_start3A_1454 = tpu.memref_slice %arg4[%mul3A_1440, %dma_start3A_1453, %mul3A_1444] : memref<200x1x16384xf32, #tpu.memory_space<hbm>> -> memref<8x1x1024xf32, #tpu.memory_space<hbm>>
        %dma_start3A_1455 = arith.constant 0 : i32
        %dma_start3A_1456 = arith.constant 0 : i32
        %dma_start3A_1457 = arith.constant 0 : i32
        %dma_start3A_1458 = tpu.memref_slice %arg8[%dma_start3A_1445, %dma_start3A_1455, %dma_start3A_1456, %dma_start3A_1457] : memref<4x8x1x1024xf32, #tpu.memory_space<vmem>> -> memref<1x8x1x1024xf32, #tpu.memory_space<vmem>>
        %dma_start3A_1459 = tpu.memref_squeeze %dma_start3A_1458 : memref<1x8x1x1024xf32, #tpu.memory_space<vmem>> -> memref<8x1x1024xf32, #tpu.memory_space<vmem>>
        tpu.enqueue_dma source(%dma_start3A_1459 : memref<8x1x1024xf32, #tpu.memory_space<vmem>>) target(%dma_start3A_1454 : memref<8x1x1024xf32, #tpu.memory_space<hbm>>) target_semaphore(%arg14 : memref<!tpu.dma_semaphore, #tpu.memory_space<semaphore_mem>>)
        %add3A_1460 = arith.constant 4 : i32
        %add3A_1461 = arith.addi %add3A_1366, %add3A_1460 : i32
        %mul3A_1462 = arith.constant 32 : i32
        %mul3A_1463 = arith.muli %add3A_1461, %mul3A_1462 : i32
        %add3A_1464 = arith.addi %add3A, %mul3A_1463 : i32
        %lt3A_1465 = arith.constant 400 : i32
        %lt3A_1466 = arith.cmpi slt, %add3A_1464, %lt3A_1465 : i32
        %convert_element_type3A_1467 = arith.extui %lt3A_1466 : i1 to i32
        %cond3A_1468 = arith.constant 0 : i32
        %cond3A_1469 = arith.cmpi ne, %convert_element_type3A_1467, %cond3A_1468 : i32
        scf.if %cond3A_1469 {
          %add3A_1470 = arith.constant 4 : i32
          %add3A_1471 = arith.addi %add3A_1366, %add3A_1470 : i32
          %mul3A_1472 = arith.constant 32 : i32
          %mul3A_1473 = arith.muli %add3A_1471, %mul3A_1472 : i32
          %add3A_1474 = arith.addi %add3A, %mul3A_1473 : i32
          %shift_right_arithmetic3A_1475 = arith.constant 4 : i32
          %shift_right_arithmetic3A_1476 = arith.shrsi %add3A_1474, %shift_right_arithmetic3A_1475 : i32
          %mul3A_1477 = arith.constant 128 : i32
          %mul3A_1478 = arith.muli %shift_right_arithmetic3A_1476, %mul3A_1477 : i32
          %and3A_1479 = arith.constant 15 : i32
          %and3A_1480 = arith.andi %add3A_1474, %and3A_1479 : i32
          %mul3A_1481 = arith.constant 8 : i32
          %mul3A_1482 = arith.muli %and3A_1480, %mul3A_1481 : i32
          %add3A_1483 = arith.addi %mul3A_1478, %mul3A_1482 : i32
          %dma_start3A_1484 = arith.constant 1 : i32
          %dma_start3A_1485 = arith.constant 0 : i32
          %dma_start3A_1486 = arith.constant 0 : i32
          %dma_start3A_1487 = arith.constant 0 : i32
          %dma_start3A_1488 = tpu.memref_slice %arg7[%dma_start3A_1484, %dma_start3A_1485, %dma_start3A_1486, %dma_start3A_1487] : memref<4x8x8x128xi32, #tpu.memory_space<vmem>> -> memref<1x8x8x128xi32, #tpu.memory_space<vmem>>
          %dma_start3A_1489 = tpu.memref_squeeze %dma_start3A_1488 : memref<1x8x8x128xi32, #tpu.memory_space<vmem>> -> memref<8x8x128xi32, #tpu.memory_space<vmem>>
          %dma_start3A_1490 = arith.constant 0 : i32
          %dma_start3A_1491 = arith.constant 0 : i32
          %dma_start3A_1492 = tpu.memref_slice %arg3[%add3A_1483, %dma_start3A_1490, %dma_start3A_1491] : memref<3200x8x128xi32, #tpu.memory_space<hbm>> -> memref<8x8x128xi32, #tpu.memory_space<hbm>>
          %dma_start3A_1493 = arith.constant 0 : i32
          %dma_start3A_1494 = arith.constant 0 : i32
          %dma_start3A_1495 = arith.constant 0 : i32
          %dma_start3A_1496 = tpu.memref_slice %arg7[%dma_start3A_1484, %dma_start3A_1493, %dma_start3A_1494, %dma_start3A_1495] : memref<4x8x8x128xi32, #tpu.memory_space<vmem>> -> memref<1x8x8x128xi32, #tpu.memory_space<vmem>>
          %dma_start3A_1497 = tpu.memref_squeeze %dma_start3A_1496 : memref<1x8x8x128xi32, #tpu.memory_space<vmem>> -> memref<8x8x128xi32, #tpu.memory_space<vmem>>
          %dma_start3A_1498 = arith.constant 0 : i32
          %dma_start3A_1499 = arith.constant 0 : i32
          %dma_start3A_1500 = tpu.memref_slice %arg3[%add3A_1483, %dma_start3A_1498, %dma_start3A_1499] : memref<3200x8x128xi32, #tpu.memory_space<hbm>> -> memref<8x8x128xi32, #tpu.memory_space<hbm>>
          tpu.enqueue_dma source(%dma_start3A_1500 : memref<8x8x128xi32, #tpu.memory_space<hbm>>) target(%dma_start3A_1497 : memref<8x8x128xi32, #tpu.memory_space<vmem>>) target_semaphore(%arg10 : memref<!tpu.dma_semaphore, #tpu.memory_space<semaphore_mem>>)
        } else {
        }
      } else {
      }
      %mul3A_1375 = arith.constant 4 : i32
      %mul3A_1376 = arith.muli %scan3A_1350, %mul3A_1375 : i32
      %add3A_1377 = arith.constant 2 : i32
      %add3A_1378 = arith.addi %mul3A_1376, %add3A_1377 : i32
      %mul3A_1379 = arith.constant 32 : i32
      %mul3A_1380 = arith.muli %add3A_1378, %mul3A_1379 : i32
      %add3A_1381 = arith.addi %add3A, %mul3A_1380 : i32
      %lt3A_1382 = arith.constant 400 : i32
      %lt3A_1383 = arith.cmpi slt, %add3A_1381, %lt3A_1382 : i32
      %convert_element_type3A_1384 = arith.extui %lt3A_1383 : i1 to i32
      %cond3A_1385 = arith.constant 0 : i32
      %cond3A_1386 = arith.cmpi ne, %convert_element_type3A_1384, %cond3A_1385 : i32
      scf.if %cond3A_1386 {
        %mul3A_1399 = arith.constant 32 : i32
        %mul3A_1400 = arith.muli %add3A_1378, %mul3A_1399 : i32
        %add3A_1401 = arith.addi %add3A, %mul3A_1400 : i32
        %shift_right_arithmetic3A_1402 = arith.constant 4 : i32
        %shift_right_arithmetic3A_1403 = arith.shrsi %add3A_1401, %shift_right_arithmetic3A_1402 : i32
        %mul3A_1404 = arith.constant 128 : i32
        %mul3A_1405 = arith.muli %shift_right_arithmetic3A_1403, %mul3A_1404 : i32
        %and3A_1406 = arith.constant 15 : i32
        %and3A_1407 = arith.andi %add3A_1401, %and3A_1406 : i32
        %mul3A_1408 = arith.constant 8 : i32
        %mul3A_1409 = arith.muli %and3A_1407, %mul3A_1408 : i32
        %add3A_1410 = arith.addi %mul3A_1405, %mul3A_1409 : i32
        %dma_wait3A = arith.constant 2 : i32
        %dma_wait3A_1411 = arith.constant 0 : i32
        %dma_wait3A_1412 = arith.constant 0 : i32
        %dma_wait3A_1413 = arith.constant 0 : i32
        %dma_wait3A_1414 = tpu.memref_slice %arg7[%dma_wait3A, %dma_wait3A_1411, %dma_wait3A_1412, %dma_wait3A_1413] : memref<4x8x8x128xi32, #tpu.memory_space<vmem>> -> memref<1x8x8x128xi32, #tpu.memory_space<vmem>>
        %dma_wait3A_1415 = tpu.memref_squeeze %dma_wait3A_1414 : memref<1x8x8x128xi32, #tpu.memory_space<vmem>> -> memref<8x8x128xi32, #tpu.memory_space<vmem>>
        %dma_wait3A_1416 = arith.constant 0 : i32
        %dma_wait3A_1417 = arith.constant 0 : i32
        %dma_wait3A_1418 = tpu.memref_slice %arg3[%add3A_1410, %dma_wait3A_1416, %dma_wait3A_1417] : memref<3200x8x128xi32, #tpu.memory_space<hbm>> -> memref<8x8x128xi32, #tpu.memory_space<hbm>>
        %dma_wait3A_1419 = arith.constant 0 : i32
        %dma_wait3A_1420 = arith.constant 0 : i32
        %dma_wait3A_1421 = arith.constant 0 : i32
        %dma_wait3A_1422 = tpu.memref_slice %arg7[%dma_wait3A, %dma_wait3A_1419, %dma_wait3A_1420, %dma_wait3A_1421] : memref<4x8x8x128xi32, #tpu.memory_space<vmem>> -> memref<1x8x8x128xi32, #tpu.memory_space<vmem>>
        %dma_wait3A_1423 = tpu.memref_squeeze %dma_wait3A_1422 : memref<1x8x8x128xi32, #tpu.memory_space<vmem>> -> memref<8x8x128xi32, #tpu.memory_space<vmem>>
        %dma_wait3A_1424 = arith.constant 0 : i32
        %dma_wait3A_1425 = arith.constant 0 : i32
        %dma_wait3A_1426 = tpu.memref_slice %arg3[%add3A_1410, %dma_wait3A_1424, %dma_wait3A_1425] : memref<3200x8x128xi32, #tpu.memory_space<hbm>> -> memref<8x8x128xi32, #tpu.memory_space<hbm>>
        tpu.wait_dma2 semaphore(%arg11 : memref<!tpu.dma_semaphore, #tpu.memory_space<semaphore_mem>>) src(%dma_wait3A_1426 : memref<8x8x128xi32, #tpu.memory_space<hbm>>) dst(%dma_wait3A_1423 : memref<8x8x128xi32, #tpu.memory_space<vmem>>)
        %ge3A_1427 = arith.constant 4 : i32
        %ge3A_1428 = arith.cmpi sge, %add3A_1378, %ge3A_1427 : i32
        %convert_element_type3A_1429 = arith.extui %ge3A_1428 : i1 to i32
        %cond3A_1430 = arith.constant 0 : i32
        %cond3A_1431 = arith.cmpi ne, %convert_element_type3A_1429, %cond3A_1430 : i32
        scf.if %cond3A_1431 {
          %sub3A = arith.constant 4 : i32
          %sub3A_1470 = arith.subi %add3A_1378, %sub3A : i32
          %mul3A_1471 = arith.constant 32 : i32
          %mul3A_1472 = arith.muli %sub3A_1470, %mul3A_1471 : i32
          %add3A_1473 = arith.addi %add3A, %mul3A_1472 : i32
          %shift_right_arithmetic3A_1474 = arith.constant 4 : i32
          %shift_right_arithmetic3A_1475 = arith.shrsi %add3A_1473, %shift_right_arithmetic3A_1474 : i32
          %mul3A_1476 = arith.constant 8 : i32
          %mul3A_1477 = arith.muli %shift_right_arithmetic3A_1475, %mul3A_1476 : i32
          %and3A_1478 = arith.constant 15 : i32
          %and3A_1479 = arith.andi %add3A_1473, %and3A_1478 : i32
          %mul3A_1480 = arith.constant 1024 : i32
          %mul3A_1481 = arith.muli %and3A_1479, %mul3A_1480 : i32
          %dma_wait3A_1482 = arith.constant 2 : i32
          %dma_wait3A_1483 = arith.constant 0 : i32
          %dma_wait3A_1484 = arith.constant 0 : i32
          %dma_wait3A_1485 = arith.constant 0 : i32
          %dma_wait3A_1486 = tpu.memref_slice %arg8[%dma_wait3A_1482, %dma_wait3A_1483, %dma_wait3A_1484, %dma_wait3A_1485] : memref<4x8x1x1024xf32, #tpu.memory_space<vmem>> -> memref<1x8x1x1024xf32, #tpu.memory_space<vmem>>
          %dma_wait3A_1487 = tpu.memref_squeeze %dma_wait3A_1486 : memref<1x8x1x1024xf32, #tpu.memory_space<vmem>> -> memref<8x1x1024xf32, #tpu.memory_space<vmem>>
          %dma_wait3A_1488 = arith.constant 0 : i32
          %dma_wait3A_1489 = tpu.memref_slice %arg4[%mul3A_1477, %dma_wait3A_1488, %mul3A_1481] : memref<200x1x16384xf32, #tpu.memory_space<hbm>> -> memref<8x1x1024xf32, #tpu.memory_space<hbm>>
          %dma_wait3A_1490 = arith.constant 0 : i32
          %dma_wait3A_1491 = tpu.memref_slice %arg4[%mul3A_1477, %dma_wait3A_1490, %mul3A_1481] : memref<200x1x16384xf32, #tpu.memory_space<hbm>> -> memref<8x1x1024xf32, #tpu.memory_space<hbm>>
          %dma_wait3A_1492 = arith.constant 0 : i32
          %dma_wait3A_1493 = arith.constant 0 : i32
          %dma_wait3A_1494 = arith.constant 0 : i32
          %dma_wait3A_1495 = tpu.memref_slice %arg8[%dma_wait3A_1482, %dma_wait3A_1492, %dma_wait3A_1493, %dma_wait3A_1494] : memref<4x8x1x1024xf32, #tpu.memory_space<vmem>> -> memref<1x8x1x1024xf32, #tpu.memory_space<vmem>>
          %dma_wait3A_1496 = tpu.memref_squeeze %dma_wait3A_1495 : memref<1x8x1x1024xf32, #tpu.memory_space<vmem>> -> memref<8x1x1024xf32, #tpu.memory_space<vmem>>
          tpu.wait_dma2 semaphore(%arg15 : memref<!tpu.dma_semaphore, #tpu.memory_space<semaphore_mem>>) src(%dma_wait3A_1496 : memref<8x1x1024xf32, #tpu.memory_space<vmem>>) dst(%dma_wait3A_1491 : memref<8x1x1024xf32, #tpu.memory_space<hbm>>)
        } else {
        }
        %parallel_loop3A = arith.constant 0 : i32
        %parallel_loop3A_1432 = arith.constant 8192 : i32
        %parallel_loop3A_1433 = arith.constant 16 : i32
        scf.for %parallel_loop3A_1470 = %parallel_loop3A to %parallel_loop3A_1432 step %parallel_loop3A_1433  : i32 {
          %parallel_loop3A_1471 = arith.constant 10 : i32
          %parallel_loop3A_1472 = arith.shrsi %parallel_loop3A_1470, %parallel_loop3A_1471 : i32
          %parallel_loop3A_1473 = arith.constant 7 : i32
          %parallel_loop3A_1474 = arith.shrsi %parallel_loop3A_1470, %parallel_loop3A_1473 : i32
          %parallel_loop3A_1475 = arith.constant 7 : i32
          %parallel_loop3A_1476 = arith.andi %parallel_loop3A_1474, %parallel_loop3A_1475 : i32
          %parallel_loop3A_1477 = arith.constant 127 : i32
          %parallel_loop3A_1478 = arith.andi %parallel_loop3A_1470, %parallel_loop3A_1477 : i32
          %parallel_loop3A_1479 = arith.constant 2 : i32
          %parallel_loop3A_1480 = arith.index_cast %parallel_loop3A_1479 : i32 to index
          %parallel_loop3A_1481 = arith.index_cast %parallel_loop3A_1472 : i32 to index
          %parallel_loop3A_1482 = arith.index_cast %parallel_loop3A_1476 : i32 to index
          %parallel_loop3A_1483 = arith.index_cast %parallel_loop3A_1478 : i32 to index
          %parallel_loop3A_1484 = tpu.vector_load %arg7[%parallel_loop3A_1480, %parallel_loop3A_1481, %parallel_loop3A_1482, %parallel_loop3A_1483] {strides = array<i32>} : memref<4x8x8x128xi32, #tpu.memory_space<vmem>>, vector<16xi32>,
          %parallel_loop3A_1485 = tpu.vector_load_idx %arg6[%parallel_loop3A_1484] : memref<128xf32, #tpu.memory_space<vmem>>[vector<16xi32>], vector<16xf32>,
          %parallel_loop3A_1486 = arith.constant 7 : i32
          %parallel_loop3A_1487 = arith.shrsi %parallel_loop3A_1470, %parallel_loop3A_1486 : i32
          %parallel_loop3A_1488 = arith.constant 7 : i32
          %parallel_loop3A_1489 = arith.andi %parallel_loop3A_1487, %parallel_loop3A_1488 : i32
          %parallel_loop3A_1490 = arith.constant 10 : i32
          %parallel_loop3A_1491 = arith.shrsi %parallel_loop3A_1470, %parallel_loop3A_1490 : i32
          %parallel_loop3A_1492 = arith.constant 7 : i32
          %parallel_loop3A_1493 = arith.shli %parallel_loop3A_1491, %parallel_loop3A_1492 : i32
          %parallel_loop3A_1494 = arith.constant 127 : i32
          %parallel_loop3A_1495 = arith.andi %parallel_loop3A_1470, %parallel_loop3A_1494 : i32
          %parallel_loop3A_1496 = arith.ori %parallel_loop3A_1493, %parallel_loop3A_1495 : i32
          %parallel_loop3A_1497 = arith.constant 2 : i32
          %parallel_loop3A_1498 = arith.constant 0 : i32
          %parallel_loop3A_1499 = arith.index_cast %parallel_loop3A_1497 : i32 to index
          %parallel_loop3A_1500 = arith.index_cast %parallel_loop3A_1489 : i32 to index
          %parallel_loop3A_1501 = arith.index_cast %parallel_loop3A_1498 : i32 to index
          %parallel_loop3A_1502 = arith.index_cast %parallel_loop3A_1496 : i32 to index
          %parallel_loop3A_1503 = tpu.vector_load %arg8[%parallel_loop3A_1499, %parallel_loop3A_1500, %parallel_loop3A_1501, %parallel_loop3A_1502] {strides = array<i32>} : memref<4x8x1x1024xf32, #tpu.memory_space<vmem>>, vector<16xf32>,
          tpu.vector_store %arg8[%parallel_loop3A_1499, %parallel_loop3A_1500, %parallel_loop3A_1501, %parallel_loop3A_1502], %parallel_loop3A_1485 {strides = array<i32>} : memref<4x8x1x1024xf32, #tpu.memory_space<vmem>>, vector<16xf32>,
        } {sc.loop_unroll_factor = 8 : i64, sc.parallel_access}
        %mul3A_1434 = arith.constant 32 : i32
        %mul3A_1435 = arith.muli %add3A_1378, %mul3A_1434 : i32
        %add3A_1436 = arith.addi %add3A, %mul3A_1435 : i32
        %shift_right_arithmetic3A_1437 = arith.constant 4 : i32
        %shift_right_arithmetic3A_1438 = arith.shrsi %add3A_1436, %shift_right_arithmetic3A_1437 : i32
        %mul3A_1439 = arith.constant 8 : i32
        %mul3A_1440 = arith.muli %shift_right_arithmetic3A_1438, %mul3A_1439 : i32
        %and3A_1441 = arith.constant 15 : i32
        %and3A_1442 = arith.andi %add3A_1436, %and3A_1441 : i32
        %mul3A_1443 = arith.constant 1024 : i32
        %mul3A_1444 = arith.muli %and3A_1442, %mul3A_1443 : i32
        %dma_start3A_1445 = arith.constant 2 : i32
        %dma_start3A_1446 = arith.constant 0 : i32
        %dma_start3A_1447 = arith.constant 0 : i32
        %dma_start3A_1448 = arith.constant 0 : i32
        %dma_start3A_1449 = tpu.memref_slice %arg8[%dma_start3A_1445, %dma_start3A_1446, %dma_start3A_1447, %dma_start3A_1448] : memref<4x8x1x1024xf32, #tpu.memory_space<vmem>> -> memref<1x8x1x1024xf32, #tpu.memory_space<vmem>>
        %dma_start3A_1450 = tpu.memref_squeeze %dma_start3A_1449 : memref<1x8x1x1024xf32, #tpu.memory_space<vmem>> -> memref<8x1x1024xf32, #tpu.memory_space<vmem>>
        %dma_start3A_1451 = arith.constant 0 : i32
        %dma_start3A_1452 = tpu.memref_slice %arg4[%mul3A_1440, %dma_start3A_1451, %mul3A_1444] : memref<200x1x16384xf32, #tpu.memory_space<hbm>> -> memref<8x1x1024xf32, #tpu.memory_space<hbm>>
        %dma_start3A_1453 = arith.constant 0 : i32
        %dma_start3A_1454 = tpu.memref_slice %arg4[%mul3A_1440, %dma_start3A_1453, %mul3A_1444] : memref<200x1x16384xf32, #tpu.memory_space<hbm>> -> memref<8x1x1024xf32, #tpu.memory_space<hbm>>
        %dma_start3A_1455 = arith.constant 0 : i32
        %dma_start3A_1456 = arith.constant 0 : i32
        %dma_start3A_1457 = arith.constant 0 : i32
        %dma_start3A_1458 = tpu.memref_slice %arg8[%dma_start3A_1445, %dma_start3A_1455, %dma_start3A_1456, %dma_start3A_1457] : memref<4x8x1x1024xf32, #tpu.memory_space<vmem>> -> memref<1x8x1x1024xf32, #tpu.memory_space<vmem>>
        %dma_start3A_1459 = tpu.memref_squeeze %dma_start3A_1458 : memref<1x8x1x1024xf32, #tpu.memory_space<vmem>> -> memref<8x1x1024xf32, #tpu.memory_space<vmem>>
        tpu.enqueue_dma source(%dma_start3A_1459 : memref<8x1x1024xf32, #tpu.memory_space<vmem>>) target(%dma_start3A_1454 : memref<8x1x1024xf32, #tpu.memory_space<hbm>>) target_semaphore(%arg15 : memref<!tpu.dma_semaphore, #tpu.memory_space<semaphore_mem>>)
        %add3A_1460 = arith.constant 4 : i32
        %add3A_1461 = arith.addi %add3A_1378, %add3A_1460 : i32
        %mul3A_1462 = arith.constant 32 : i32
        %mul3A_1463 = arith.muli %add3A_1461, %mul3A_1462 : i32
        %add3A_1464 = arith.addi %add3A, %mul3A_1463 : i32
        %lt3A_1465 = arith.constant 400 : i32
        %lt3A_1466 = arith.cmpi slt, %add3A_1464, %lt3A_1465 : i32
        %convert_element_type3A_1467 = arith.extui %lt3A_1466 : i1 to i32
        %cond3A_1468 = arith.constant 0 : i32
        %cond3A_1469 = arith.cmpi ne, %convert_element_type3A_1467, %cond3A_1468 : i32
        scf.if %cond3A_1469 {
          %add3A_1470 = arith.constant 4 : i32
          %add3A_1471 = arith.addi %add3A_1378, %add3A_1470 : i32
          %mul3A_1472 = arith.constant 32 : i32
          %mul3A_1473 = arith.muli %add3A_1471, %mul3A_1472 : i32
          %add3A_1474 = arith.addi %add3A, %mul3A_1473 : i32
          %shift_right_arithmetic3A_1475 = arith.constant 4 : i32
          %shift_right_arithmetic3A_1476 = arith.shrsi %add3A_1474, %shift_right_arithmetic3A_1475 : i32
          %mul3A_1477 = arith.constant 128 : i32
          %mul3A_1478 = arith.muli %shift_right_arithmetic3A_1476, %mul3A_1477 : i32
          %and3A_1479 = arith.constant 15 : i32
          %and3A_1480 = arith.andi %add3A_1474, %and3A_1479 : i32
          %mul3A_1481 = arith.constant 8 : i32
          %mul3A_1482 = arith.muli %and3A_1480, %mul3A_1481 : i32
          %add3A_1483 = arith.addi %mul3A_1478, %mul3A_1482 : i32
          %dma_start3A_1484 = arith.constant 2 : i32
          %dma_start3A_1485 = arith.constant 0 : i32
          %dma_start3A_1486 = arith.constant 0 : i32
          %dma_start3A_1487 = arith.constant 0 : i32
          %dma_start3A_1488 = tpu.memref_slice %arg7[%dma_start3A_1484, %dma_start3A_1485, %dma_start3A_1486, %dma_start3A_1487] : memref<4x8x8x128xi32, #tpu.memory_space<vmem>> -> memref<1x8x8x128xi32, #tpu.memory_space<vmem>>
          %dma_start3A_1489 = tpu.memref_squeeze %dma_start3A_1488 : memref<1x8x8x128xi32, #tpu.memory_space<vmem>> -> memref<8x8x128xi32, #tpu.memory_space<vmem>>
          %dma_start3A_1490 = arith.constant 0 : i32
          %dma_start3A_1491 = arith.constant 0 : i32
          %dma_start3A_1492 = tpu.memref_slice %arg3[%add3A_1483, %dma_start3A_1490, %dma_start3A_1491] : memref<3200x8x128xi32, #tpu.memory_space<hbm>> -> memref<8x8x128xi32, #tpu.memory_space<hbm>>
          %dma_start3A_1493 = arith.constant 0 : i32
          %dma_start3A_1494 = arith.constant 0 : i32
          %dma_start3A_1495 = arith.constant 0 : i32
          %dma_start3A_1496 = tpu.memref_slice %arg7[%dma_start3A_1484, %dma_start3A_1493, %dma_start3A_1494, %dma_start3A_1495] : memref<4x8x8x128xi32, #tpu.memory_space<vmem>> -> memref<1x8x8x128xi32, #tpu.memory_space<vmem>>
          %dma_start3A_1497 = tpu.memref_squeeze %dma_start3A_1496 : memref<1x8x8x128xi32, #tpu.memory_space<vmem>> -> memref<8x8x128xi32, #tpu.memory_space<vmem>>
          %dma_start3A_1498 = arith.constant 0 : i32
          %dma_start3A_1499 = arith.constant 0 : i32
          %dma_start3A_1500 = tpu.memref_slice %arg3[%add3A_1483, %dma_start3A_1498, %dma_start3A_1499] : memref<3200x8x128xi32, #tpu.memory_space<hbm>> -> memref<8x8x128xi32, #tpu.memory_space<hbm>>
          tpu.enqueue_dma source(%dma_start3A_1500 : memref<8x8x128xi32, #tpu.memory_space<hbm>>) target(%dma_start3A_1497 : memref<8x8x128xi32, #tpu.memory_space<vmem>>) target_semaphore(%arg11 : memref<!tpu.dma_semaphore, #tpu.memory_space<semaphore_mem>>)
        } else {
        }
      } else {
      }
      %mul3A_1387 = arith.constant 4 : i32
      %mul3A_1388 = arith.muli %scan3A_1350, %mul3A_1387 : i32
      %add3A_1389 = arith.constant 3 : i32
      %add3A_1390 = arith.addi %mul3A_1388, %add3A_1389 : i32
      %mul3A_1391 = arith.constant 32 : i32
      %mul3A_1392 = arith.muli %add3A_1390, %mul3A_1391 : i32
      %add3A_1393 = arith.addi %add3A, %mul3A_1392 : i32
      %lt3A_1394 = arith.constant 400 : i32
      %lt3A_1395 = arith.cmpi slt, %add3A_1393, %lt3A_1394 : i32
      %convert_element_type3A_1396 = arith.extui %lt3A_1395 : i1 to i32
      %cond3A_1397 = arith.constant 0 : i32
      %cond3A_1398 = arith.cmpi ne, %convert_element_type3A_1396, %cond3A_1397 : i32
      scf.if %cond3A_1398 {
        %mul3A_1399 = arith.constant 32 : i32
        %mul3A_1400 = arith.muli %add3A_1390, %mul3A_1399 : i32
        %add3A_1401 = arith.addi %add3A, %mul3A_1400 : i32
        %shift_right_arithmetic3A_1402 = arith.constant 4 : i32
        %shift_right_arithmetic3A_1403 = arith.shrsi %add3A_1401, %shift_right_arithmetic3A_1402 : i32
        %mul3A_1404 = arith.constant 128 : i32
        %mul3A_1405 = arith.muli %shift_right_arithmetic3A_1403, %mul3A_1404 : i32
        %and3A_1406 = arith.constant 15 : i32
        %and3A_1407 = arith.andi %add3A_1401, %and3A_1406 : i32
        %mul3A_1408 = arith.constant 8 : i32
        %mul3A_1409 = arith.muli %and3A_1407, %mul3A_1408 : i32
        %add3A_1410 = arith.addi %mul3A_1405, %mul3A_1409 : i32
        %dma_wait3A = arith.constant 3 : i32
        %dma_wait3A_1411 = arith.constant 0 : i32
        %dma_wait3A_1412 = arith.constant 0 : i32
        %dma_wait3A_1413 = arith.constant 0 : i32
        %dma_wait3A_1414 = tpu.memref_slice %arg7[%dma_wait3A, %dma_wait3A_1411, %dma_wait3A_1412, %dma_wait3A_1413] : memref<4x8x8x128xi32, #tpu.memory_space<vmem>> -> memref<1x8x8x128xi32, #tpu.memory_space<vmem>>
        %dma_wait3A_1415 = tpu.memref_squeeze %dma_wait3A_1414 : memref<1x8x8x128xi32, #tpu.memory_space<vmem>> -> memref<8x8x128xi32, #tpu.memory_space<vmem>>
        %dma_wait3A_1416 = arith.constant 0 : i32
        %dma_wait3A_1417 = arith.constant 0 : i32
        %dma_wait3A_1418 = tpu.memref_slice %arg3[%add3A_1410, %dma_wait3A_1416, %dma_wait3A_1417] : memref<3200x8x128xi32, #tpu.memory_space<hbm>> -> memref<8x8x128xi32, #tpu.memory_space<hbm>>
        %dma_wait3A_1419 = arith.constant 0 : i32
        %dma_wait3A_1420 = arith.constant 0 : i32
        %dma_wait3A_1421 = arith.constant 0 : i32
        %dma_wait3A_1422 = tpu.memref_slice %arg7[%dma_wait3A, %dma_wait3A_1419, %dma_wait3A_1420, %dma_wait3A_1421] : memref<4x8x8x128xi32, #tpu.memory_space<vmem>> -> memref<1x8x8x128xi32, #tpu.memory_space<vmem>>
        %dma_wait3A_1423 = tpu.memref_squeeze %dma_wait3A_1422 : memref<1x8x8x128xi32, #tpu.memory_space<vmem>> -> memref<8x8x128xi32, #tpu.memory_space<vmem>>
        %dma_wait3A_1424 = arith.constant 0 : i32
        %dma_wait3A_1425 = arith.constant 0 : i32
        %dma_wait3A_1426 = tpu.memref_slice %arg3[%add3A_1410, %dma_wait3A_1424, %dma_wait3A_1425] : memref<3200x8x128xi32, #tpu.memory_space<hbm>> -> memref<8x8x128xi32, #tpu.memory_space<hbm>>
        tpu.wait_dma2 semaphore(%arg12 : memref<!tpu.dma_semaphore, #tpu.memory_space<semaphore_mem>>) src(%dma_wait3A_1426 : memref<8x8x128xi32, #tpu.memory_space<hbm>>) dst(%dma_wait3A_1423 : memref<8x8x128xi32, #tpu.memory_space<vmem>>)
        %ge3A_1427 = arith.constant 4 : i32
        %ge3A_1428 = arith.cmpi sge, %add3A_1390, %ge3A_1427 : i32
        %convert_element_type3A_1429 = arith.extui %ge3A_1428 : i1 to i32
        %cond3A_1430 = arith.constant 0 : i32
        %cond3A_1431 = arith.cmpi ne, %convert_element_type3A_1429, %cond3A_1430 : i32
        scf.if %cond3A_1431 {
          %sub3A = arith.constant 4 : i32
          %sub3A_1470 = arith.subi %add3A_1390, %sub3A : i32
          %mul3A_1471 = arith.constant 32 : i32
          %mul3A_1472 = arith.muli %sub3A_1470, %mul3A_1471 : i32
          %add3A_1473 = arith.addi %add3A, %mul3A_1472 : i32
          %shift_right_arithmetic3A_1474 = arith.constant 4 : i32
          %shift_right_arithmetic3A_1475 = arith.shrsi %add3A_1473, %shift_right_arithmetic3A_1474 : i32
          %mul3A_1476 = arith.constant 8 : i32
          %mul3A_1477 = arith.muli %shift_right_arithmetic3A_1475, %mul3A_1476 : i32
          %and3A_1478 = arith.constant 15 : i32
          %and3A_1479 = arith.andi %add3A_1473, %and3A_1478 : i32
          %mul3A_1480 = arith.constant 1024 : i32
          %mul3A_1481 = arith.muli %and3A_1479, %mul3A_1480 : i32
          %dma_wait3A_1482 = arith.constant 3 : i32
          %dma_wait3A_1483 = arith.constant 0 : i32
          %dma_wait3A_1484 = arith.constant 0 : i32
          %dma_wait3A_1485 = arith.constant 0 : i32
          %dma_wait3A_1486 = tpu.memref_slice %arg8[%dma_wait3A_1482, %dma_wait3A_1483, %dma_wait3A_1484, %dma_wait3A_1485] : memref<4x8x1x1024xf32, #tpu.memory_space<vmem>> -> memref<1x8x1x1024xf32, #tpu.memory_space<vmem>>
          %dma_wait3A_1487 = tpu.memref_squeeze %dma_wait3A_1486 : memref<1x8x1x1024xf32, #tpu.memory_space<vmem>> -> memref<8x1x1024xf32, #tpu.memory_space<vmem>>
          %dma_wait3A_1488 = arith.constant 0 : i32
          %dma_wait3A_1489 = tpu.memref_slice %arg4[%mul3A_1477, %dma_wait3A_1488, %mul3A_1481] : memref<200x1x16384xf32, #tpu.memory_space<hbm>> -> memref<8x1x1024xf32, #tpu.memory_space<hbm>>
          %dma_wait3A_1490 = arith.constant 0 : i32
          %dma_wait3A_1491 = tpu.memref_slice %arg4[%mul3A_1477, %dma_wait3A_1490, %mul3A_1481] : memref<200x1x16384xf32, #tpu.memory_space<hbm>> -> memref<8x1x1024xf32, #tpu.memory_space<hbm>>
          %dma_wait3A_1492 = arith.constant 0 : i32
          %dma_wait3A_1493 = arith.constant 0 : i32
          %dma_wait3A_1494 = arith.constant 0 : i32
          %dma_wait3A_1495 = tpu.memref_slice %arg8[%dma_wait3A_1482, %dma_wait3A_1492, %dma_wait3A_1493, %dma_wait3A_1494] : memref<4x8x1x1024xf32, #tpu.memory_space<vmem>> -> memref<1x8x1x1024xf32, #tpu.memory_space<vmem>>
          %dma_wait3A_1496 = tpu.memref_squeeze %dma_wait3A_1495 : memref<1x8x1x1024xf32, #tpu.memory_space<vmem>> -> memref<8x1x1024xf32, #tpu.memory_space<vmem>>
          tpu.wait_dma2 semaphore(%arg16 : memref<!tpu.dma_semaphore, #tpu.memory_space<semaphore_mem>>) src(%dma_wait3A_1496 : memref<8x1x1024xf32, #tpu.memory_space<vmem>>) dst(%dma_wait3A_1491 : memref<8x1x1024xf32, #tpu.memory_space<hbm>>)
        } else {
        }
        %parallel_loop3A = arith.constant 0 : i32
        %parallel_loop3A_1432 = arith.constant 8192 : i32
        %parallel_loop3A_1433 = arith.constant 16 : i32
        scf.for %parallel_loop3A_1470 = %parallel_loop3A to %parallel_loop3A_1432 step %parallel_loop3A_1433  : i32 {
          %parallel_loop3A_1471 = arith.constant 10 : i32
          %parallel_loop3A_1472 = arith.shrsi %parallel_loop3A_1470, %parallel_loop3A_1471 : i32
          %parallel_loop3A_1473 = arith.constant 7 : i32
          %parallel_loop3A_1474 = arith.shrsi %parallel_loop3A_1470, %parallel_loop3A_1473 : i32
          %parallel_loop3A_1475 = arith.constant 7 : i32
          %parallel_loop3A_1476 = arith.andi %parallel_loop3A_1474, %parallel_loop3A_1475 : i32
          %parallel_loop3A_1477 = arith.constant 127 : i32
          %parallel_loop3A_1478 = arith.andi %parallel_loop3A_1470, %parallel_loop3A_1477 : i32
          %parallel_loop3A_1479 = arith.constant 3 : i32
          %parallel_loop3A_1480 = arith.index_cast %parallel_loop3A_1479 : i32 to index
          %parallel_loop3A_1481 = arith.index_cast %parallel_loop3A_1472 : i32 to index
          %parallel_loop3A_1482 = arith.index_cast %parallel_loop3A_1476 : i32 to index
          %parallel_loop3A_1483 = arith.index_cast %parallel_loop3A_1478 : i32 to index
          %parallel_loop3A_1484 = tpu.vector_load %arg7[%parallel_loop3A_1480, %parallel_loop3A_1481, %parallel_loop3A_1482, %parallel_loop3A_1483] {strides = array<i32>} : memref<4x8x8x128xi32, #tpu.memory_space<vmem>>, vector<16xi32>,
          %parallel_loop3A_1485 = tpu.vector_load_idx %arg6[%parallel_loop3A_1484] : memref<128xf32, #tpu.memory_space<vmem>>[vector<16xi32>], vector<16xf32>,
          %parallel_loop3A_1486 = arith.constant 7 : i32
          %parallel_loop3A_1487 = arith.shrsi %parallel_loop3A_1470, %parallel_loop3A_1486 : i32
          %parallel_loop3A_1488 = arith.constant 7 : i32
          %parallel_loop3A_1489 = arith.andi %parallel_loop3A_1487, %parallel_loop3A_1488 : i32
          %parallel_loop3A_1490 = arith.constant 10 : i32
          %parallel_loop3A_1491 = arith.shrsi %parallel_loop3A_1470, %parallel_loop3A_1490 : i32
          %parallel_loop3A_1492 = arith.constant 7 : i32
          %parallel_loop3A_1493 = arith.shli %parallel_loop3A_1491, %parallel_loop3A_1492 : i32
          %parallel_loop3A_1494 = arith.constant 127 : i32
          %parallel_loop3A_1495 = arith.andi %parallel_loop3A_1470, %parallel_loop3A_1494 : i32
          %parallel_loop3A_1496 = arith.ori %parallel_loop3A_1493, %parallel_loop3A_1495 : i32
          %parallel_loop3A_1497 = arith.constant 3 : i32
          %parallel_loop3A_1498 = arith.constant 0 : i32
          %parallel_loop3A_1499 = arith.index_cast %parallel_loop3A_1497 : i32 to index
          %parallel_loop3A_1500 = arith.index_cast %parallel_loop3A_1489 : i32 to index
          %parallel_loop3A_1501 = arith.index_cast %parallel_loop3A_1498 : i32 to index
          %parallel_loop3A_1502 = arith.index_cast %parallel_loop3A_1496 : i32 to index
          %parallel_loop3A_1503 = tpu.vector_load %arg8[%parallel_loop3A_1499, %parallel_loop3A_1500, %parallel_loop3A_1501, %parallel_loop3A_1502] {strides = array<i32>} : memref<4x8x1x1024xf32, #tpu.memory_space<vmem>>, vector<16xf32>,
          tpu.vector_store %arg8[%parallel_loop3A_1499, %parallel_loop3A_1500, %parallel_loop3A_1501, %parallel_loop3A_1502], %parallel_loop3A_1485 {strides = array<i32>} : memref<4x8x1x1024xf32, #tpu.memory_space<vmem>>, vector<16xf32>,
        } {sc.loop_unroll_factor = 8 : i64, sc.parallel_access}
        %mul3A_1434 = arith.constant 32 : i32
        %mul3A_1435 = arith.muli %add3A_1390, %mul3A_1434 : i32
        %add3A_1436 = arith.addi %add3A, %mul3A_1435 : i32
        %shift_right_arithmetic3A_1437 = arith.constant 4 : i32
        %shift_right_arithmetic3A_1438 = arith.shrsi %add3A_1436, %shift_right_arithmetic3A_1437 : i32
        %mul3A_1439 = arith.constant 8 : i32
        %mul3A_1440 = arith.muli %shift_right_arithmetic3A_1438, %mul3A_1439 : i32
        %and3A_1441 = arith.constant 15 : i32
        %and3A_1442 = arith.andi %add3A_1436, %and3A_1441 : i32
        %mul3A_1443 = arith.constant 1024 : i32
        %mul3A_1444 = arith.muli %and3A_1442, %mul3A_1443 : i32
        %dma_start3A_1445 = arith.constant 3 : i32
        %dma_start3A_1446 = arith.constant 0 : i32
        %dma_start3A_1447 = arith.constant 0 : i32
        %dma_start3A_1448 = arith.constant 0 : i32
        %dma_start3A_1449 = tpu.memref_slice %arg8[%dma_start3A_1445, %dma_start3A_1446, %dma_start3A_1447, %dma_start3A_1448] : memref<4x8x1x1024xf32, #tpu.memory_space<vmem>> -> memref<1x8x1x1024xf32, #tpu.memory_space<vmem>>
        %dma_start3A_1450 = tpu.memref_squeeze %dma_start3A_1449 : memref<1x8x1x1024xf32, #tpu.memory_space<vmem>> -> memref<8x1x1024xf32, #tpu.memory_space<vmem>>
        %dma_start3A_1451 = arith.constant 0 : i32
        %dma_start3A_1452 = tpu.memref_slice %arg4[%mul3A_1440, %dma_start3A_1451, %mul3A_1444] : memref<200x1x16384xf32, #tpu.memory_space<hbm>> -> memref<8x1x1024xf32, #tpu.memory_space<hbm>>
        %dma_start3A_1453 = arith.constant 0 : i32
        %dma_start3A_1454 = tpu.memref_slice %arg4[%mul3A_1440, %dma_start3A_1453, %mul3A_1444] : memref<200x1x16384xf32, #tpu.memory_space<hbm>> -> memref<8x1x1024xf32, #tpu.memory_space<hbm>>
        %dma_start3A_1455 = arith.constant 0 : i32
        %dma_start3A_1456 = arith.constant 0 : i32
        %dma_start3A_1457 = arith.constant 0 : i32
        %dma_start3A_1458 = tpu.memref_slice %arg8[%dma_start3A_1445, %dma_start3A_1455, %dma_start3A_1456, %dma_start3A_1457] : memref<4x8x1x1024xf32, #tpu.memory_space<vmem>> -> memref<1x8x1x1024xf32, #tpu.memory_space<vmem>>
        %dma_start3A_1459 = tpu.memref_squeeze %dma_start3A_1458 : memref<1x8x1x1024xf32, #tpu.memory_space<vmem>> -> memref<8x1x1024xf32, #tpu.memory_space<vmem>>
        tpu.enqueue_dma source(%dma_start3A_1459 : memref<8x1x1024xf32, #tpu.memory_space<vmem>>) target(%dma_start3A_1454 : memref<8x1x1024xf32, #tpu.memory_space<hbm>>) target_semaphore(%arg16 : memref<!tpu.dma_semaphore, #tpu.memory_space<semaphore_mem>>)
        %add3A_1460 = arith.constant 4 : i32
        %add3A_1461 = arith.addi %add3A_1390, %add3A_1460 : i32
        %mul3A_1462 = arith.constant 32 : i32
        %mul3A_1463 = arith.muli %add3A_1461, %mul3A_1462 : i32
        %add3A_1464 = arith.addi %add3A, %mul3A_1463 : i32
        %lt3A_1465 = arith.constant 400 : i32
        %lt3A_1466 = arith.cmpi slt, %add3A_1464, %lt3A_1465 : i32
        %convert_element_type3A_1467 = arith.extui %lt3A_1466 : i1 to i32
        %cond3A_1468 = arith.constant 0 : i32
        %cond3A_1469 = arith.cmpi ne, %convert_element_type3A_1467, %cond3A_1468 : i32
        scf.if %cond3A_1469 {
          %add3A_1470 = arith.constant 4 : i32
          %add3A_1471 = arith.addi %add3A_1390, %add3A_1470 : i32
          %mul3A_1472 = arith.constant 32 : i32
          %mul3A_1473 = arith.muli %add3A_1471, %mul3A_1472 : i32
          %add3A_1474 = arith.addi %add3A, %mul3A_1473 : i32
          %shift_right_arithmetic3A_1475 = arith.constant 4 : i32
          %shift_right_arithmetic3A_1476 = arith.shrsi %add3A_1474, %shift_right_arithmetic3A_1475 : i32
          %mul3A_1477 = arith.constant 128 : i32
          %mul3A_1478 = arith.muli %shift_right_arithmetic3A_1476, %mul3A_1477 : i32
          %and3A_1479 = arith.constant 15 : i32
          %and3A_1480 = arith.andi %add3A_1474, %and3A_1479 : i32
          %mul3A_1481 = arith.constant 8 : i32
          %mul3A_1482 = arith.muli %and3A_1480, %mul3A_1481 : i32
          %add3A_1483 = arith.addi %mul3A_1478, %mul3A_1482 : i32
          %dma_start3A_1484 = arith.constant 3 : i32
          %dma_start3A_1485 = arith.constant 0 : i32
          %dma_start3A_1486 = arith.constant 0 : i32
          %dma_start3A_1487 = arith.constant 0 : i32
          %dma_start3A_1488 = tpu.memref_slice %arg7[%dma_start3A_1484, %dma_start3A_1485, %dma_start3A_1486, %dma_start3A_1487] : memref<4x8x8x128xi32, #tpu.memory_space<vmem>> -> memref<1x8x8x128xi32, #tpu.memory_space<vmem>>
          %dma_start3A_1489 = tpu.memref_squeeze %dma_start3A_1488 : memref<1x8x8x128xi32, #tpu.memory_space<vmem>> -> memref<8x8x128xi32, #tpu.memory_space<vmem>>
          %dma_start3A_1490 = arith.constant 0 : i32
          %dma_start3A_1491 = arith.constant 0 : i32
          %dma_start3A_1492 = tpu.memref_slice %arg3[%add3A_1483, %dma_start3A_1490, %dma_start3A_1491] : memref<3200x8x128xi32, #tpu.memory_space<hbm>> -> memref<8x8x128xi32, #tpu.memory_space<hbm>>
          %dma_start3A_1493 = arith.constant 0 : i32
          %dma_start3A_1494 = arith.constant 0 : i32
          %dma_start3A_1495 = arith.constant 0 : i32
          %dma_start3A_1496 = tpu.memref_slice %arg7[%dma_start3A_1484, %dma_start3A_1493, %dma_start3A_1494, %dma_start3A_1495] : memref<4x8x8x128xi32, #tpu.memory_space<vmem>> -> memref<1x8x8x128xi32, #tpu.memory_space<vmem>>
          %dma_start3A_1497 = tpu.memref_squeeze %dma_start3A_1496 : memref<1x8x8x128xi32, #tpu.memory_space<vmem>> -> memref<8x8x128xi32, #tpu.memory_space<vmem>>
          %dma_start3A_1498 = arith.constant 0 : i32
          %dma_start3A_1499 = arith.constant 0 : i32
          %dma_start3A_1500 = tpu.memref_slice %arg3[%add3A_1483, %dma_start3A_1498, %dma_start3A_1499] : memref<3200x8x128xi32, #tpu.memory_space<hbm>> -> memref<8x8x128xi32, #tpu.memory_space<hbm>>
          tpu.enqueue_dma source(%dma_start3A_1500 : memref<8x8x128xi32, #tpu.memory_space<hbm>>) target(%dma_start3A_1497 : memref<8x8x128xi32, #tpu.memory_space<vmem>>) target_semaphore(%arg12 : memref<!tpu.dma_semaphore, #tpu.memory_space<semaphore_mem>>)
        } else {
        }
      } else {
      }
    }
    %scan3A_1297 = arith.constant 4 : i32
    %add3A_1298 = arith.constant 384 : i32
    %add3A_1299 = arith.addi %add3A, %add3A_1298 : i32
    %lt3A = arith.constant 400 : i32
    %lt3A_1300 = arith.cmpi slt, %add3A_1299, %lt3A : i32
    %convert_element_type3A = arith.extui %lt3A_1300 : i1 to i32
    %cond3A = arith.constant 0 : i32
    %cond3A_1301 = arith.cmpi ne, %convert_element_type3A, %cond3A : i32
    scf.if %cond3A_1301 {
      %add3A_1350 = arith.constant 384 : i32
      %add3A_1351 = arith.addi %add3A, %add3A_1350 : i32
      %shift_right_arithmetic3A_1352 = arith.constant 4 : i32
      %shift_right_arithmetic3A_1353 = arith.shrsi %add3A_1351, %shift_right_arithmetic3A_1352 : i32
      %mul3A_1354 = arith.constant 8 : i32
      %mul3A_1355 = arith.muli %shift_right_arithmetic3A_1353, %mul3A_1354 : i32
      %and3A_1356 = arith.constant 15 : i32
      %and3A_1357 = arith.andi %add3A_1351, %and3A_1356 : i32
      %mul3A_1358 = arith.constant 1024 : i32
      %mul3A_1359 = arith.muli %and3A_1357, %mul3A_1358 : i32
      %dma_wait3A = arith.constant 0 : i32
      %dma_wait3A_1360 = arith.constant 0 : i32
      %dma_wait3A_1361 = arith.constant 0 : i32
      %dma_wait3A_1362 = arith.constant 0 : i32
      %dma_wait3A_1363 = tpu.memref_slice %arg8[%dma_wait3A, %dma_wait3A_1360, %dma_wait3A_1361, %dma_wait3A_1362] : memref<4x8x1x1024xf32, #tpu.memory_space<vmem>> -> memref<1x8x1x1024xf32, #tpu.memory_space<vmem>>
      %dma_wait3A_1364 = tpu.memref_squeeze %dma_wait3A_1363 : memref<1x8x1x1024xf32, #tpu.memory_space<vmem>> -> memref<8x1x1024xf32, #tpu.memory_space<vmem>>
      %dma_wait3A_1365 = arith.constant 0 : i32
      %dma_wait3A_1366 = tpu.memref_slice %arg4[%mul3A_1355, %dma_wait3A_1365, %mul3A_1359] : memref<200x1x16384xf32, #tpu.memory_space<hbm>> -> memref<8x1x1024xf32, #tpu.memory_space<hbm>>
      %dma_wait3A_1367 = arith.constant 0 : i32
      %dma_wait3A_1368 = tpu.memref_slice %arg4[%mul3A_1355, %dma_wait3A_1367, %mul3A_1359] : memref<200x1x16384xf32, #tpu.memory_space<hbm>> -> memref<8x1x1024xf32, #tpu.memory_space<hbm>>
      %dma_wait3A_1369 = arith.constant 0 : i32
      %dma_wait3A_1370 = arith.constant 0 : i32
      %dma_wait3A_1371 = arith.constant 0 : i32
      %dma_wait3A_1372 = tpu.memref_slice %arg8[%dma_wait3A, %dma_wait3A_1369, %dma_wait3A_1370, %dma_wait3A_1371] : memref<4x8x1x1024xf32, #tpu.memory_space<vmem>> -> memref<1x8x1x1024xf32, #tpu.memory_space<vmem>>
      %dma_wait3A_1373 = tpu.memref_squeeze %dma_wait3A_1372 : memref<1x8x1x1024xf32, #tpu.memory_space<vmem>> -> memref<8x1x1024xf32, #tpu.memory_space<vmem>>
      tpu.wait_dma2 semaphore(%arg13 : memref<!tpu.dma_semaphore, #tpu.memory_space<semaphore_mem>>) src(%dma_wait3A_1373 : memref<8x1x1024xf32, #tpu.memory_space<vmem>>) dst(%dma_wait3A_1368 : memref<8x1x1024xf32, #tpu.memory_space<hbm>>)
    } else {
    }
    %add3A_1302 = arith.constant 384 : i32
    %add3A_1303 = arith.addi %add3A, %add3A_1302 : i32
    %ge3A = arith.constant 400 : i32
    %ge3A_1304 = arith.cmpi sge, %add3A_1303, %ge3A : i32
    %convert_element_type3A_1305 = arith.extui %ge3A_1304 : i1 to i32
    %cond3A_1306 = arith.constant 0 : i32
    %cond3A_1307 = arith.cmpi ne, %convert_element_type3A_1305, %cond3A_1306 : i32
    scf.if %cond3A_1307 {
      %add3A_1350 = arith.constant 256 : i32
      %add3A_1351 = arith.addi %add3A, %add3A_1350 : i32
      %shift_right_arithmetic3A_1352 = arith.constant 4 : i32
      %shift_right_arithmetic3A_1353 = arith.shrsi %add3A_1351, %shift_right_arithmetic3A_1352 : i32
      %mul3A_1354 = arith.constant 8 : i32
      %mul3A_1355 = arith.muli %shift_right_arithmetic3A_1353, %mul3A_1354 : i32
      %and3A_1356 = arith.constant 15 : i32
      %and3A_1357 = arith.andi %add3A_1351, %and3A_1356 : i32
      %mul3A_1358 = arith.constant 1024 : i32
      %mul3A_1359 = arith.muli %and3A_1357, %mul3A_1358 : i32
      %dma_wait3A = arith.constant 0 : i32
      %dma_wait3A_1360 = arith.constant 0 : i32
      %dma_wait3A_1361 = arith.constant 0 : i32
      %dma_wait3A_1362 = arith.constant 0 : i32
      %dma_wait3A_1363 = tpu.memref_slice %arg8[%dma_wait3A, %dma_wait3A_1360, %dma_wait3A_1361, %dma_wait3A_1362] : memref<4x8x1x1024xf32, #tpu.memory_space<vmem>> -> memref<1x8x1x1024xf32, #tpu.memory_space<vmem>>
      %dma_wait3A_1364 = tpu.memref_squeeze %dma_wait3A_1363 : memref<1x8x1x1024xf32, #tpu.memory_space<vmem>> -> memref<8x1x1024xf32, #tpu.memory_space<vmem>>
      %dma_wait3A_1365 = arith.constant 0 : i32
      %dma_wait3A_1366 = tpu.memref_slice %arg4[%mul3A_1355, %dma_wait3A_1365, %mul3A_1359] : memref<200x1x16384xf32, #tpu.memory_space<hbm>> -> memref<8x1x1024xf32, #tpu.memory_space<hbm>>
      %dma_wait3A_1367 = arith.constant 0 : i32
      %dma_wait3A_1368 = tpu.memref_slice %arg4[%mul3A_1355, %dma_wait3A_1367, %mul3A_1359] : memref<200x1x16384xf32, #tpu.memory_space<hbm>> -> memref<8x1x1024xf32, #tpu.memory_space<hbm>>
      %dma_wait3A_1369 = arith.constant 0 : i32
      %dma_wait3A_1370 = arith.constant 0 : i32
      %dma_wait3A_1371 = arith.constant 0 : i32
      %dma_wait3A_1372 = tpu.memref_slice %arg8[%dma_wait3A, %dma_wait3A_1369, %dma_wait3A_1370, %dma_wait3A_1371] : memref<4x8x1x1024xf32, #tpu.memory_space<vmem>> -> memref<1x8x1x1024xf32, #tpu.memory_space<vmem>>
      %dma_wait3A_1373 = tpu.memref_squeeze %dma_wait3A_1372 : memref<1x8x1x1024xf32, #tpu.memory_space<vmem>> -> memref<8x1x1024xf32, #tpu.memory_space<vmem>>
      tpu.wait_dma2 semaphore(%arg13 : memref<!tpu.dma_semaphore, #tpu.memory_space<semaphore_mem>>) src(%dma_wait3A_1373 : memref<8x1x1024xf32, #tpu.memory_space<vmem>>) dst(%dma_wait3A_1368 : memref<8x1x1024xf32, #tpu.memory_space<hbm>>)
    } else {
    }
    %add3A_1308 = arith.constant 288 : i32
    %add3A_1309 = arith.addi %add3A, %add3A_1308 : i32
    %lt3A_1310 = arith.constant 400 : i32
    %lt3A_1311 = arith.cmpi slt, %add3A_1309, %lt3A_1310 : i32
    %convert_element_type3A_1312 = arith.extui %lt3A_1311 : i1 to i32
    %cond3A_1313 = arith.constant 0 : i32
    %cond3A_1314 = arith.cmpi ne, %convert_element_type3A_1312, %cond3A_1313 : i32
    scf.if %cond3A_1314 {
      %add3A_1350 = arith.constant 288 : i32
      %add3A_1351 = arith.addi %add3A, %add3A_1350 : i32
      %shift_right_arithmetic3A_1352 = arith.constant 4 : i32
      %shift_right_arithmetic3A_1353 = arith.shrsi %add3A_1351, %shift_right_arithmetic3A_1352 : i32
      %mul3A_1354 = arith.constant 8 : i32
      %mul3A_1355 = arith.muli %shift_right_arithmetic3A_1353, %mul3A_1354 : i32
      %and3A_1356 = arith.constant 15 : i32
      %and3A_1357 = arith.andi %add3A_1351, %and3A_1356 : i32
      %mul3A_1358 = arith.constant 1024 : i32
      %mul3A_1359 = arith.muli %and3A_1357, %mul3A_1358 : i32
      %dma_wait3A = arith.constant 1 : i32
      %dma_wait3A_1360 = arith.constant 0 : i32
      %dma_wait3A_1361 = arith.constant 0 : i32
      %dma_wait3A_1362 = arith.constant 0 : i32
      %dma_wait3A_1363 = tpu.memref_slice %arg8[%dma_wait3A, %dma_wait3A_1360, %dma_wait3A_1361, %dma_wait3A_1362] : memref<4x8x1x1024xf32, #tpu.memory_space<vmem>> -> memref<1x8x1x1024xf32, #tpu.memory_space<vmem>>
      %dma_wait3A_1364 = tpu.memref_squeeze %dma_wait3A_1363 : memref<1x8x1x1024xf32, #tpu.memory_space<vmem>> -> memref<8x1x1024xf32, #tpu.memory_space<vmem>>
      %dma_wait3A_1365 = arith.constant 0 : i32
      %dma_wait3A_1366 = tpu.memref_slice %arg4[%mul3A_1355, %dma_wait3A_1365, %mul3A_1359] : memref<200x1x16384xf32, #tpu.memory_space<hbm>> -> memref<8x1x1024xf32, #tpu.memory_space<hbm>>
      %dma_wait3A_1367 = arith.constant 0 : i32
      %dma_wait3A_1368 = tpu.memref_slice %arg4[%mul3A_1355, %dma_wait3A_1367, %mul3A_1359] : memref<200x1x16384xf32, #tpu.memory_space<hbm>> -> memref<8x1x1024xf32, #tpu.memory_space<hbm>>
      %dma_wait3A_1369 = arith.constant 0 : i32
      %dma_wait3A_1370 = arith.constant 0 : i32
      %dma_wait3A_1371 = arith.constant 0 : i32
      %dma_wait3A_1372 = tpu.memref_slice %arg8[%dma_wait3A, %dma_wait3A_1369, %dma_wait3A_1370, %dma_wait3A_1371] : memref<4x8x1x1024xf32, #tpu.memory_space<vmem>> -> memref<1x8x1x1024xf32, #tpu.memory_space<vmem>>
      %dma_wait3A_1373 = tpu.memref_squeeze %dma_wait3A_1372 : memref<1x8x1x1024xf32, #tpu.memory_space<vmem>> -> memref<8x1x1024xf32, #tpu.memory_space<vmem>>
      tpu.wait_dma2 semaphore(%arg14 : memref<!tpu.dma_semaphore, #tpu.memory_space<semaphore_mem>>) src(%dma_wait3A_1373 : memref<8x1x1024xf32, #tpu.memory_space<vmem>>) dst(%dma_wait3A_1368 : memref<8x1x1024xf32, #tpu.memory_space<hbm>>)
    } else {
    }
    %add3A_1315 = arith.constant 288 : i32
    %add3A_1316 = arith.addi %add3A, %add3A_1315 : i32
    %ge3A_1317 = arith.constant 400 : i32
    %ge3A_1318 = arith.cmpi sge, %add3A_1316, %ge3A_1317 : i32
    %convert_element_type3A_1319 = arith.extui %ge3A_1318 : i1 to i32
    %cond3A_1320 = arith.constant 0 : i32
    %cond3A_1321 = arith.cmpi ne, %convert_element_type3A_1319, %cond3A_1320 : i32
    scf.if %cond3A_1321 {
      %add3A_1350 = arith.constant 160 : i32
      %add3A_1351 = arith.addi %add3A, %add3A_1350 : i32
      %shift_right_arithmetic3A_1352 = arith.constant 4 : i32
      %shift_right_arithmetic3A_1353 = arith.shrsi %add3A_1351, %shift_right_arithmetic3A_1352 : i32
      %mul3A_1354 = arith.constant 8 : i32
      %mul3A_1355 = arith.muli %shift_right_arithmetic3A_1353, %mul3A_1354 : i32
      %and3A_1356 = arith.constant 15 : i32
      %and3A_1357 = arith.andi %add3A_1351, %and3A_1356 : i32
      %mul3A_1358 = arith.constant 1024 : i32
      %mul3A_1359 = arith.muli %and3A_1357, %mul3A_1358 : i32
      %dma_wait3A = arith.constant 1 : i32
      %dma_wait3A_1360 = arith.constant 0 : i32
      %dma_wait3A_1361 = arith.constant 0 : i32
      %dma_wait3A_1362 = arith.constant 0 : i32
      %dma_wait3A_1363 = tpu.memref_slice %arg8[%dma_wait3A, %dma_wait3A_1360, %dma_wait3A_1361, %dma_wait3A_1362] : memref<4x8x1x1024xf32, #tpu.memory_space<vmem>> -> memref<1x8x1x1024xf32, #tpu.memory_space<vmem>>
      %dma_wait3A_1364 = tpu.memref_squeeze %dma_wait3A_1363 : memref<1x8x1x1024xf32, #tpu.memory_space<vmem>> -> memref<8x1x1024xf32, #tpu.memory_space<vmem>>
      %dma_wait3A_1365 = arith.constant 0 : i32
      %dma_wait3A_1366 = tpu.memref_slice %arg4[%mul3A_1355, %dma_wait3A_1365, %mul3A_1359] : memref<200x1x16384xf32, #tpu.memory_space<hbm>> -> memref<8x1x1024xf32, #tpu.memory_space<hbm>>
      %dma_wait3A_1367 = arith.constant 0 : i32
      %dma_wait3A_1368 = tpu.memref_slice %arg4[%mul3A_1355, %dma_wait3A_1367, %mul3A_1359] : memref<200x1x16384xf32, #tpu.memory_space<hbm>> -> memref<8x1x1024xf32, #tpu.memory_space<hbm>>
      %dma_wait3A_1369 = arith.constant 0 : i32
      %dma_wait3A_1370 = arith.constant 0 : i32
      %dma_wait3A_1371 = arith.constant 0 : i32
      %dma_wait3A_1372 = tpu.memref_slice %arg8[%dma_wait3A, %dma_wait3A_1369, %dma_wait3A_1370, %dma_wait3A_1371] : memref<4x8x1x1024xf32, #tpu.memory_space<vmem>> -> memref<1x8x1x1024xf32, #tpu.memory_space<vmem>>
      %dma_wait3A_1373 = tpu.memref_squeeze %dma_wait3A_1372 : memref<1x8x1x1024xf32, #tpu.memory_space<vmem>> -> memref<8x1x1024xf32, #tpu.memory_space<vmem>>
      tpu.wait_dma2 semaphore(%arg14 : memref<!tpu.dma_semaphore, #tpu.memory_space<semaphore_mem>>) src(%dma_wait3A_1373 : memref<8x1x1024xf32, #tpu.memory_space<vmem>>) dst(%dma_wait3A_1368 : memref<8x1x1024xf32, #tpu.memory_space<hbm>>)
    } else {
    }
    %add3A_1322 = arith.constant 320 : i32
    %add3A_1323 = arith.addi %add3A, %add3A_1322 : i32
    %lt3A_1324 = arith.constant 400 : i32
    %lt3A_1325 = arith.cmpi slt, %add3A_1323, %lt3A_1324 : i32
    %convert_element_type3A_1326 = arith.extui %lt3A_1325 : i1 to i32
    %cond3A_1327 = arith.constant 0 : i32
    %cond3A_1328 = arith.cmpi ne, %convert_element_type3A_1326, %cond3A_1327 : i32
    scf.if %cond3A_1328 {
      %add3A_1350 = arith.constant 320 : i32
      %add3A_1351 = arith.addi %add3A, %add3A_1350 : i32
      %shift_right_arithmetic3A_1352 = arith.constant 4 : i32
      %shift_right_arithmetic3A_1353 = arith.shrsi %add3A_1351, %shift_right_arithmetic3A_1352 : i32
      %mul3A_1354 = arith.constant 8 : i32
      %mul3A_1355 = arith.muli %shift_right_arithmetic3A_1353, %mul3A_1354 : i32
      %and3A_1356 = arith.constant 15 : i32
      %and3A_1357 = arith.andi %add3A_1351, %and3A_1356 : i32
      %mul3A_1358 = arith.constant 1024 : i32
      %mul3A_1359 = arith.muli %and3A_1357, %mul3A_1358 : i32
      %dma_wait3A = arith.constant 2 : i32
      %dma_wait3A_1360 = arith.constant 0 : i32
      %dma_wait3A_1361 = arith.constant 0 : i32
      %dma_wait3A_1362 = arith.constant 0 : i32
      %dma_wait3A_1363 = tpu.memref_slice %arg8[%dma_wait3A, %dma_wait3A_1360, %dma_wait3A_1361, %dma_wait3A_1362] : memref<4x8x1x1024xf32, #tpu.memory_space<vmem>> -> memref<1x8x1x1024xf32, #tpu.memory_space<vmem>>
      %dma_wait3A_1364 = tpu.memref_squeeze %dma_wait3A_1363 : memref<1x8x1x1024xf32, #tpu.memory_space<vmem>> -> memref<8x1x1024xf32, #tpu.memory_space<vmem>>
      %dma_wait3A_1365 = arith.constant 0 : i32
      %dma_wait3A_1366 = tpu.memref_slice %arg4[%mul3A_1355, %dma_wait3A_1365, %mul3A_1359] : memref<200x1x16384xf32, #tpu.memory_space<hbm>> -> memref<8x1x1024xf32, #tpu.memory_space<hbm>>
      %dma_wait3A_1367 = arith.constant 0 : i32
      %dma_wait3A_1368 = tpu.memref_slice %arg4[%mul3A_1355, %dma_wait3A_1367, %mul3A_1359] : memref<200x1x16384xf32, #tpu.memory_space<hbm>> -> memref<8x1x1024xf32, #tpu.memory_space<hbm>>
      %dma_wait3A_1369 = arith.constant 0 : i32
      %dma_wait3A_1370 = arith.constant 0 : i32
      %dma_wait3A_1371 = arith.constant 0 : i32
      %dma_wait3A_1372 = tpu.memref_slice %arg8[%dma_wait3A, %dma_wait3A_1369, %dma_wait3A_1370, %dma_wait3A_1371] : memref<4x8x1x1024xf32, #tpu.memory_space<vmem>> -> memref<1x8x1x1024xf32, #tpu.memory_space<vmem>>
      %dma_wait3A_1373 = tpu.memref_squeeze %dma_wait3A_1372 : memref<1x8x1x1024xf32, #tpu.memory_space<vmem>> -> memref<8x1x1024xf32, #tpu.memory_space<vmem>>
      tpu.wait_dma2 semaphore(%arg15 : memref<!tpu.dma_semaphore, #tpu.memory_space<semaphore_mem>>) src(%dma_wait3A_1373 : memref<8x1x1024xf32, #tpu.memory_space<vmem>>) dst(%dma_wait3A_1368 : memref<8x1x1024xf32, #tpu.memory_space<hbm>>)
    } else {
    }
    %add3A_1329 = arith.constant 320 : i32
    %add3A_1330 = arith.addi %add3A, %add3A_1329 : i32
    %ge3A_1331 = arith.constant 400 : i32
    %ge3A_1332 = arith.cmpi sge, %add3A_1330, %ge3A_1331 : i32
    %convert_element_type3A_1333 = arith.extui %ge3A_1332 : i1 to i32
    %cond3A_1334 = arith.constant 0 : i32
    %cond3A_1335 = arith.cmpi ne, %convert_element_type3A_1333, %cond3A_1334 : i32
    scf.if %cond3A_1335 {
      %add3A_1350 = arith.constant 192 : i32
      %add3A_1351 = arith.addi %add3A, %add3A_1350 : i32
      %shift_right_arithmetic3A_1352 = arith.constant 4 : i32
      %shift_right_arithmetic3A_1353 = arith.shrsi %add3A_1351, %shift_right_arithmetic3A_1352 : i32
      %mul3A_1354 = arith.constant 8 : i32
      %mul3A_1355 = arith.muli %shift_right_arithmetic3A_1353, %mul3A_1354 : i32
      %and3A_1356 = arith.constant 15 : i32
      %and3A_1357 = arith.andi %add3A_1351, %and3A_1356 : i32
      %mul3A_1358 = arith.constant 1024 : i32
      %mul3A_1359 = arith.muli %and3A_1357, %mul3A_1358 : i32
      %dma_wait3A = arith.constant 2 : i32
      %dma_wait3A_1360 = arith.constant 0 : i32
      %dma_wait3A_1361 = arith.constant 0 : i32
      %dma_wait3A_1362 = arith.constant 0 : i32
      %dma_wait3A_1363 = tpu.memref_slice %arg8[%dma_wait3A, %dma_wait3A_1360, %dma_wait3A_1361, %dma_wait3A_1362] : memref<4x8x1x1024xf32, #tpu.memory_space<vmem>> -> memref<1x8x1x1024xf32, #tpu.memory_space<vmem>>
      %dma_wait3A_1364 = tpu.memref_squeeze %dma_wait3A_1363 : memref<1x8x1x1024xf32, #tpu.memory_space<vmem>> -> memref<8x1x1024xf32, #tpu.memory_space<vmem>>
      %dma_wait3A_1365 = arith.constant 0 : i32
      %dma_wait3A_1366 = tpu.memref_slice %arg4[%mul3A_1355, %dma_wait3A_1365, %mul3A_1359] : memref<200x1x16384xf32, #tpu.memory_space<hbm>> -> memref<8x1x1024xf32, #tpu.memory_space<hbm>>
      %dma_wait3A_1367 = arith.constant 0 : i32
      %dma_wait3A_1368 = tpu.memref_slice %arg4[%mul3A_1355, %dma_wait3A_1367, %mul3A_1359] : memref<200x1x16384xf32, #tpu.memory_space<hbm>> -> memref<8x1x1024xf32, #tpu.memory_space<hbm>>
      %dma_wait3A_1369 = arith.constant 0 : i32
      %dma_wait3A_1370 = arith.constant 0 : i32
      %dma_wait3A_1371 = arith.constant 0 : i32
      %dma_wait3A_1372 = tpu.memref_slice %arg8[%dma_wait3A, %dma_wait3A_1369, %dma_wait3A_1370, %dma_wait3A_1371] : memref<4x8x1x1024xf32, #tpu.memory_space<vmem>> -> memref<1x8x1x1024xf32, #tpu.memory_space<vmem>>
      %dma_wait3A_1373 = tpu.memref_squeeze %dma_wait3A_1372 : memref<1x8x1x1024xf32, #tpu.memory_space<vmem>> -> memref<8x1x1024xf32, #tpu.memory_space<vmem>>
      tpu.wait_dma2 semaphore(%arg15 : memref<!tpu.dma_semaphore, #tpu.memory_space<semaphore_mem>>) src(%dma_wait3A_1373 : memref<8x1x1024xf32, #tpu.memory_space<vmem>>) dst(%dma_wait3A_1368 : memref<8x1x1024xf32, #tpu.memory_space<hbm>>)
    } else {
    }
    %add3A_1336 = arith.constant 352 : i32
    %add3A_1337 = arith.addi %add3A, %add3A_1336 : i32
    %lt3A_1338 = arith.constant 400 : i32
    %lt3A_1339 = arith.cmpi slt, %add3A_1337, %lt3A_1338 : i32
    %convert_element_type3A_1340 = arith.extui %lt3A_1339 : i1 to i32
    %cond3A_1341 = arith.constant 0 : i32
    %cond3A_1342 = arith.cmpi ne, %convert_element_type3A_1340, %cond3A_1341 : i32
    scf.if %cond3A_1342 {
      %add3A_1350 = arith.constant 352 : i32
      %add3A_1351 = arith.addi %add3A, %add3A_1350 : i32
      %shift_right_arithmetic3A_1352 = arith.constant 4 : i32
      %shift_right_arithmetic3A_1353 = arith.shrsi %add3A_1351, %shift_right_arithmetic3A_1352 : i32
      %mul3A_1354 = arith.constant 8 : i32
      %mul3A_1355 = arith.muli %shift_right_arithmetic3A_1353, %mul3A_1354 : i32
      %and3A_1356 = arith.constant 15 : i32
      %and3A_1357 = arith.andi %add3A_1351, %and3A_1356 : i32
      %mul3A_1358 = arith.constant 1024 : i32
      %mul3A_1359 = arith.muli %and3A_1357, %mul3A_1358 : i32
      %dma_wait3A = arith.constant 3 : i32
      %dma_wait3A_1360 = arith.constant 0 : i32
      %dma_wait3A_1361 = arith.constant 0 : i32
      %dma_wait3A_1362 = arith.constant 0 : i32
      %dma_wait3A_1363 = tpu.memref_slice %arg8[%dma_wait3A, %dma_wait3A_1360, %dma_wait3A_1361, %dma_wait3A_1362] : memref<4x8x1x1024xf32, #tpu.memory_space<vmem>> -> memref<1x8x1x1024xf32, #tpu.memory_space<vmem>>
      %dma_wait3A_1364 = tpu.memref_squeeze %dma_wait3A_1363 : memref<1x8x1x1024xf32, #tpu.memory_space<vmem>> -> memref<8x1x1024xf32, #tpu.memory_space<vmem>>
      %dma_wait3A_1365 = arith.constant 0 : i32
      %dma_wait3A_1366 = tpu.memref_slice %arg4[%mul3A_1355, %dma_wait3A_1365, %mul3A_1359] : memref<200x1x16384xf32, #tpu.memory_space<hbm>> -> memref<8x1x1024xf32, #tpu.memory_space<hbm>>
      %dma_wait3A_1367 = arith.constant 0 : i32
      %dma_wait3A_1368 = tpu.memref_slice %arg4[%mul3A_1355, %dma_wait3A_1367, %mul3A_1359] : memref<200x1x16384xf32, #tpu.memory_space<hbm>> -> memref<8x1x1024xf32, #tpu.memory_space<hbm>>
      %dma_wait3A_1369 = arith.constant 0 : i32
      %dma_wait3A_1370 = arith.constant 0 : i32
      %dma_wait3A_1371 = arith.constant 0 : i32
      %dma_wait3A_1372 = tpu.memref_slice %arg8[%dma_wait3A, %dma_wait3A_1369, %dma_wait3A_1370, %dma_wait3A_1371] : memref<4x8x1x1024xf32, #tpu.memory_space<vmem>> -> memref<1x8x1x1024xf32, #tpu.memory_space<vmem>>
      %dma_wait3A_1373 = tpu.memref_squeeze %dma_wait3A_1372 : memref<1x8x1x1024xf32, #tpu.memory_space<vmem>> -> memref<8x1x1024xf32, #tpu.memory_space<vmem>>
      tpu.wait_dma2 semaphore(%arg16 : memref<!tpu.dma_semaphore, #tpu.memory_space<semaphore_mem>>) src(%dma_wait3A_1373 : memref<8x1x1024xf32, #tpu.memory_space<vmem>>) dst(%dma_wait3A_1368 : memref<8x1x1024xf32, #tpu.memory_space<hbm>>)
    } else {
    }
    %add3A_1343 = arith.constant 352 : i32
    %add3A_1344 = arith.addi %add3A, %add3A_1343 : i32
    %ge3A_1345 = arith.constant 400 : i32
    %ge3A_1346 = arith.cmpi sge, %add3A_1344, %ge3A_1345 : i32
    %convert_element_type3A_1347 = arith.extui %ge3A_1346 : i1 to i32
    %cond3A_1348 = arith.constant 0 : i32
    %cond3A_1349 = arith.cmpi ne, %convert_element_type3A_1347, %cond3A_1348 : i32
    scf.if %cond3A_1349 {
      %add3A_1350 = arith.constant 224 : i32
      %add3A_1351 = arith.addi %add3A, %add3A_1350 : i32
      %shift_right_arithmetic3A_1352 = arith.constant 4 : i32
      %shift_right_arithmetic3A_1353 = arith.shrsi %add3A_1351, %shift_right_arithmetic3A_1352 : i32
      %mul3A_1354 = arith.constant 8 : i32
      %mul3A_1355 = arith.muli %shift_right_arithmetic3A_1353, %mul3A_1354 : i32
      %and3A_1356 = arith.constant 15 : i32
      %and3A_1357 = arith.andi %add3A_1351, %and3A_1356 : i32
      %mul3A_1358 = arith.constant 1024 : i32
      %mul3A_1359 = arith.muli %and3A_1357, %mul3A_1358 : i32
      %dma_wait3A = arith.constant 3 : i32
      %dma_wait3A_1360 = arith.constant 0 : i32
      %dma_wait3A_1361 = arith.constant 0 : i32
      %dma_wait3A_1362 = arith.constant 0 : i32
      %dma_wait3A_1363 = tpu.memref_slice %arg8[%dma_wait3A, %dma_wait3A_1360, %dma_wait3A_1361, %dma_wait3A_1362] : memref<4x8x1x1024xf32, #tpu.memory_space<vmem>> -> memref<1x8x1x1024xf32, #tpu.memory_space<vmem>>
      %dma_wait3A_1364 = tpu.memref_squeeze %dma_wait3A_1363 : memref<1x8x1x1024xf32, #tpu.memory_space<vmem>> -> memref<8x1x1024xf32, #tpu.memory_space<vmem>>
      %dma_wait3A_1365 = arith.constant 0 : i32
      %dma_wait3A_1366 = tpu.memref_slice %arg4[%mul3A_1355, %dma_wait3A_1365, %mul3A_1359] : memref<200x1x16384xf32, #tpu.memory_space<hbm>> -> memref<8x1x1024xf32, #tpu.memory_space<hbm>>
      %dma_wait3A_1367 = arith.constant 0 : i32
      %dma_wait3A_1368 = tpu.memref_slice %arg4[%mul3A_1355, %dma_wait3A_1367, %mul3A_1359] : memref<200x1x16384xf32, #tpu.memory_space<hbm>> -> memref<8x1x1024xf32, #tpu.memory_space<hbm>>
      %dma_wait3A_1369 = arith.constant 0 : i32
      %dma_wait3A_1370 = arith.constant 0 : i32
      %dma_wait3A_1371 = arith.constant 0 : i32
      %dma_wait3A_1372 = tpu.memref_slice %arg8[%dma_wait3A, %dma_wait3A_1369, %dma_wait3A_1370, %dma_wait3A_1371] : memref<4x8x1x1024xf32, #tpu.memory_space<vmem>> -> memref<1x8x1x1024xf32, #tpu.memory_space<vmem>>
      %dma_wait3A_1373 = tpu.memref_squeeze %dma_wait3A_1372 : memref<1x8x1x1024xf32, #tpu.memory_space<vmem>> -> memref<8x1x1024xf32, #tpu.memory_space<vmem>>
      tpu.wait_dma2 semaphore(%arg16 : memref<!tpu.dma_semaphore, #tpu.memory_space<semaphore_mem>>) src(%dma_wait3A_1373 : memref<8x1x1024xf32, #tpu.memory_space<vmem>>) dst(%dma_wait3A_1368 : memref<8x1x1024xf32, #tpu.memory_space<hbm>>)
    } else {
    }
    return
  }
}

</mosaic_0001>

<sc_bundles>
// kernel: kernel.3.cloned.1.call-start
scs
__scs_entry_jumppad:
0x0: {  	(pc) =	sbr.rel $0x88, $3  }
0x1: {  	(tag) =	ssettag $0x0;
	lr =	simm.s32 $0x1  }
0x2: {  	[smem:$0x3F9C] =	sst lr;
	_ =	strace $0xD0000000  }
0x3: {  	_ = 	snop  }
0x4: {  	_ = 	snop  }
0x5: {  	_ = 	snop  }
0x6: {  	_ = 	snop  }
0x7: {  	_ = 	snop  }
__scs_overlays_trampoline_lowered:
0x8: {  	[smem:$0x3FAB] =	sst s0  }
0x9: {  	[smem:$0x3FAC] =	sst s1  }
0xa: {  	[smem:$0x3FAD] =	sst s2  }
0xb: {  	[smem:$0x3FAE] =	sst s3  }
0xc: {  	[smem:$0x3FAF] =	sst s4  }
0xd: {  	[smem:$0x3FB0] =	sst s5  }
0xe: {  	[smem:$0x3FB1] =	sst s6  }
0xf: {  	[smem:$0x3FB2] =	sst s7  }
0x10: {  	[smem:$0x3FB3] =	sst s8  }
0x11: {  	[smem:$0x3FB4] =	sst s9;
	s0 =	simm.s32 @!p0 $0x0  }
0x12: {  	s1 =	sld [smem:$0x3F9A];
	s0 =	simm.s32 @p0 $0x1  }
0x13: {  	[smem:$0x3FB5] =	sst s0;
	s0 =	simm.s32 @!p1 $0x0  }
0x14: {  	s2 =	sld [smem:$0x3F99];
	s0 =	simm.s32 @p1 $0x1  }
0x15: {  	[smem:$0x3FB6] =	sst s0;
	s0 =	simm.s32 @!p2 $0x0  }
0x16: {  	s3 =	sld [smem:$0x3FDB];
	s0 =	simm.s32 @p2 $0x1  }
0x17: {  	s4 =	simm.s32 $0x1BF5;
	[smem:$0x3FB8] =	sst s0  }
0x18: {  	s0 =	sld [smem:$0x3F9B];
	_ =	swait.ge [sflag:s4], $0x0  }
0x19: {  	s7 =	sld [smem:$0x3F9C]  }
0x1a: {  	s8 =	sadd.s32 $0xFFFFE003, lr  }
0x1b: {  	s9 =	sadd.s32 $0xFFFFFEF7, lr;
	s5 =	simm.s32 $0xFFFFFFFF;
	p2 =	slt.u32 s8, $0xFFFFF086  }
0x1c: {  	p1 =	slt.u32 s9, $0xF7A;
	s5 =	simm.s32 @!p2 $0x0  }
0x1d: {  	s5 =	simm.s32 @p1 $0x1;
	p0 =	seq.s32 s7, s2  }
0x1e: {  	s7 =	smul.u32 @!p0 $0xF7A, s2;
	p2 =	seq.s32 @!p0 s5, $0x0  }
0x1f: {  	s9 =	smul.u32 $0xF7A, s1;
	s8 =	simm.s32 @!p0 $0x1BF5;
	p2 =	por !p2, p0  }
0x20: {  	[sflag:s8] =	ssyncset.s32 @!p0 $0xFFFFF086;
	s6 =	sadd.s32 @!p0 s3, s7;
	s7 =	simm.s32 @!p0 $0x108  }
0x21: {  	s3 =	sadd.s32 s3, s9;
	s6 =	sadd.s32 @!p0 $0x88, s6;
	s7 =	simm.s32 @p2 $0x1082  }
0x22: {  	[simem:s7], [sflag:s8] =	dma.local @!p0 [hbm:s6], $0xF7A  }
0x23: {  	s9 =	sor.u32 $0xD0000000, s2;
	s6 =	simm.s32 $0x108;
	_ =	swait.ge @!p0 [sflag:s8], $0x0  }
0x24: {  	s3 =	sadd.s32 $0x88, s3;
	s6 =	simm.s32 @!p1 $0x1082;
	[sflag:s4] =	ssyncset.s32 $0xFFFFF086  }
0x25: {  	[simem:s6], [sflag:s4] =	dma.local [hbm:s3], $0xF7A  }
0x26: {  	[smem:$0x3F9C] =	sst s1;
	(tag) =	ssettag s2;
	_ =	strace s9  }
0x27: {  	s1 =	sld [smem:$0x3FAC]  }
0x28: {  	s2 =	sld [smem:$0x3FAD]  }
0x29: {  	s4 =	sld [smem:$0x3FAF]  }
0x2a: {  	p0 =	seq.s32 s5, $0x0;
	s5 =	sld [smem:$0x3FB0]  }
0x2b: {  	s6 =	sld [smem:$0x3FB1]  }
0x2c: {  	s7 =	sld [smem:$0x3FB2]  }
0x2d: {  	s3 =	simm.s32 $0x108;
	s8 =	sld [smem:$0x3FB3]  }
0x2e: {  	s3 =	simm.s32 @!p0 $0x1082;
	s9 =	sld [smem:$0x3FB4]  }
0x2f: {  	lr =	sadd.s32 s0, s3;
	s0 =	sld [smem:$0x3FAB]  }
0x30: {  	s3 =	sld [smem:$0x3FAE]  }
0x31: {  	[smem:$0x3FB7] =	sst s10  }
0x32: {  	s10 =	sld [smem:$0x3FB5];
	_ =	sdelay $0x3  }
0x33: {  	p0 =	seq.s32 s10, $0x1;
	s10 =	sld [smem:$0x3FB7];
	_ =	sdelay $0x3  }
0x34: {  	[smem:$0x3FB7] =	sst s10  }
0x35: {  	s10 =	sld [smem:$0x3FB6];
	_ =	sdelay $0x3  }
0x36: {  	p1 =	seq.s32 s10, $0x1;
	s10 =	sld [smem:$0x3FB7];
	_ =	sdelay $0x3  }
0x37: {  	[smem:$0x3FB7] =	sst s10  }
0x38: {  	s10 =	sld [smem:$0x3FB8]  }
0x39: {  	_ = 	snop;
	(pc) =	sbr.ind lr, $3  }
0x3a: {  	_ = 	snop  }
0x3b: {  	_ = 	snop  }
0x3c: {  	p2 =	seq.s32 s10, $0x1;
	s10 =	sld [smem:$0x3FB7]  }
0x3d: {  	_ =	shalt  }
0x3e: {  	_ =	shalt  }
0x3f: {  	_ =	shalt  }
0x40: {  	_ =	shalt  }
0x41: {  	_ =	shalt  }
0x42: {  	_ =	shalt  }
0x43: {  	_ =	shalt  }
0x44: {  	_ =	shalt  }
0x45: {  	_ =	shalt  }
0x46: {  	_ =	shalt  }
0x47: {  	_ =	shalt  }
0x48: {  	_ =	shalt  }
0x49: {  	_ =	shalt  }
0x4a: {  	_ =	shalt  }
0x4b: {  	_ =	shalt  }
0x4c: {  	_ =	shalt  }
0x4d: {  	_ =	shalt  }
0x4e: {  	_ =	shalt  }
0x4f: {  	_ =	shalt  }
0x50: {  	_ =	shalt  }
0x51: {  	_ =	shalt  }
0x52: {  	_ =	shalt  }
0x53: {  	_ =	shalt  }
0x54: {  	_ =	shalt  }
0x55: {  	_ =	shalt  }
0x56: {  	_ =	shalt  }
0x57: {  	_ =	shalt  }
0x58: {  	_ =	shalt  }
0x59: {  	_ =	shalt  }
0x5a: {  	_ =	shalt  }
0x5b: {  	_ =	shalt  }
0x5c: {  	_ =	shalt  }
0x5d: {  	_ =	shalt  }
0x5e: {  	_ =	shalt  }
0x5f: {  	_ =	shalt  }
0x60: {  	_ =	shalt  }
0x61: {  	_ =	shalt  }
0x62: {  	_ =	shalt  }
0x63: {  	_ =	shalt  }
0x64: {  	_ =	shalt  }
0x65: {  	_ =	shalt  }
0x66: {  	_ =	shalt  }
0x67: {  	_ =	shalt  }
0x68: {  	_ =	shalt  }
0x69: {  	_ =	shalt  }
0x6a: {  	_ =	shalt  }
0x6b: {  	_ =	shalt  }
0x6c: {  	_ =	shalt  }
0x6d: {  	_ =	shalt  }
0x6e: {  	_ =	shalt  }
0x6f: {  	_ =	shalt  }
0x70: {  	_ =	shalt  }
0x71: {  	_ =	shalt  }
0x72: {  	_ =	shalt  }
0x73: {  	_ =	shalt  }
0x74: {  	_ =	shalt  }
0x75: {  	_ =	shalt  }
0x76: {  	_ =	shalt  }
0x77: {  	_ =	shalt  }
0x78: {  	_ =	shalt  }
0x79: {  	_ =	shalt  }
0x7a: {  	_ =	shalt  }
0x7b: {  	_ =	shalt  }
0x7c: {  	_ =	shalt  }
0x7d: {  	_ =	shalt  }
0x7e: {  	_ =	shalt  }
0x7f: {  	_ =	shalt  }
0x80: {  	_ =	shalt  }
0x81: {  	_ =	shalt  }
0x82: {  	_ =	shalt  }
0x83: {  	_ =	shalt  }
0x84: {  	_ =	shalt  }
0x85: {  	_ =	shalt  }
0x86: {  	_ =	shalt  }
0x87: {  	_ =	shalt  }
.Lfunc_end0:
.L_simem_size_0:
called_computation_lowered:
.L_overlay_start_0:
0x88: {  	s2 =	sld [smem:$0x3FD9]  }
0x89: {  	s3 =	sld [smem:$0x3FFE];
	_ =	sdelay $0x1  }
0x8a: {  	s1 =	srdreg.scid  }
0x8b: {  	s0 =	sand.u32 $0x1, s1  }
0x8c: {  	s17 =	sshll.u32 s0, $0xA;
	s2 =	sadd.s32 s3, s2  }
0x8d: {  	s2 =	sadd.s32 s2, s17  }
0x8e: {  	[smem:$0x3FC3] =	sst s2  }
0x8f: {  	_ = 	snop  }
0x90: {  	s2 =	sld [smem:$0x3FC9]  }
0x91: {  	s18 =	sld [smem:$0x3FD0];
	(tm) =	ssettm $0x1  }
0x92: {  	s4 =	sld [smem:$0x3FFB];
	_ =	sdelay $0x3  }
0x93: {  	_ =	strace s4  }
0x94: {  	s4 =	sld [smem:$0x3FFC];
	_ =	sdelay $0x3  }
0x95: {  	_ =	strace s4  }
0x96: {  	s4 =	sld [smem:$0x3FFD];
	_ =	sdelay $0x3  }
0x97: {  	_ =	strace s4  }
0x98: {  	_ =	strace $0x8FFFFFFF  }
0x99: {  	s19 =	sld [smem:$0x3FDB];
	_ =	sdelay $0x1  }
0x9a: {  	s5 =	simm.s32 $_scs_section_size  }
0x9b: {  	s6 =	simm.s32 $_size__tile_overlayer_lowered;
	s7 =	simm.s32 $_tile_overlayer_lowered  }
0x9c: {  	s22 =	simm.s32 $0x1BFF;
	s21 =	sshll.u32 s7, $0x1;
	s4 =	sadd.s32 s5, s19  }
0x9d: {  	s8 =	simm.s32 $0x0;
	s20 =	sshll.u32 s6, $0x1;
	s6 =	sadd.s32 s21, s4  }
0x9e: {  	[timem:s8], [sflag:s22] =	dma.local [hbm:s6], s20  }
0x9f: {  	_ =	swait.ge [sflag:s22], s20  }
0xa0: {  	s5 =	ssub.s32 $0x0, s20;
	[sflag:s22] =	ssyncset.done $0x0  }
0xa1: {  	[sflag:s22] =	ssyncadd.s32 s5;
	_ =	sdelay $0x1  }
0xa2: {  	s23 =	simm.s32 $0x1B8B  }
0xa3: {  	_ =	swait.ge [sflag:s23], $0x1  }
0xa4: {  	[sflag:s23] =	ssyncset.done $0x0  }
0xa5: {  	s25 =	simm.s32 $0x1B8E;
	s24 =	sld [smem:$0x3FFE];
	[sflag:s23] =	ssyncadd.s32 $0xFFFFFFFF  }
0xa6: {  	s26 =	simm.s32 $execute0_lowered;
	[smem:$0x3FD2] =	sst s25  }
0xa7: {  	s6 =	sshll.u32 s26, $0x1;
	_ =	strace $0x80000046;
	[dreg:$0x1] =	wrdreg $0xFFFFFFFF  }
0xa8: {  	s28 =	simm.s32 $_size_execute0_lowered;
	s4 =	sadd.s32 s4, s6;
	[dreg:$0x0] =	wrdreg $0x0  }
0xa9: {  	s6 =	sshll.u32 s28, $0x1;
	[dreg:$0x2] =	wrdreg s4  }
0xaa: {  	[dreg:$0x3] =	wrdreg s6  }
0xab: {  	[dreg:$0x4] =	wrdreg $0xC0  }
0xac: {  	_ =	task [dreg:s8], $0x5FFFF  }
0xad: {  	[dreg:$0x1] =	wrdreg $0xFFFFFFFF  }
0xae: {  	[dreg:$0x0] =	wrdreg $0x60  }
0xaf: {  	[dreg:$0x2] =	wrdreg s24  }
0xb0: {  	[dreg:$0x3] =	wrdreg s2  }
0xb1: {  	[dreg:$0x4] =	wrdreg s18  }
0xb2: {  	[dreg:$0x5] =	wrdreg $0x9  }
0xb3: {  	_ =	task.clear_ibuf [dreg:s8], $0x6FFFF;
	_ =	strace $0x90000046  }
0xb4: {  	s29 =	simm.s32 $0x9;
	_ =	strace $0x80000048  }
0xb5: {  	_ =	swait.ge [sflag:s29], $0x1  }
0xb6: {  	[sflag:s29] =	ssyncadd.s32 $0xFFFFFFFF  }
0xb7: {  	_ =	strace $0x90000048  }
0xb8: {  	_ =	sfence  }
0xb9: {  	s30 =	sld [smem:$0x0];
	_ =	sdelay $0x2  }
0xba: {  	s31 =	sshll.u32 s1, $0xD;
	s1 =	sshrl.u32 s1, $0x2  }
0xbb: {  	s3 =	sand.u32 $0x4000, s31;
	s1 =	sadd.s32 s1, s30  }
0xbc: {  	s0 =	sor.u32 s3, s0;
	s1 =	sshll.u32 s1, $0x11  }
0xbd: {  	s0 =	sor.u32 s1, s0  }
0xbe: {  	s0 =	sadd.s32 $0x8F2B, s0  }
0xbf: {  	[sflag:s0] =	ssyncadd.remote.s32 $0x1  }
0xc0: {  	_ =	sfence.sel $0xFFFF  }
0xc1: {  	[dreg:$0x0] =	wrdreg $0xFFFFFFFF;
	(pc) =	sbr.abs _section_cstart, $3  }
0xc2: {  	[dreg:$0x1] =	wrdreg $0xFFFFFFFF  }
0xc3: {  	_ =	task.clear_ibuf [dreg:s8], $0x2FFFF;
	_ =	strace $0x9FFFFFFF  }
0xc4: {  	(tm) =	ssettm $0x7FFFFFFF  }
0xc5: {  	_ =	shalt  }
tec
execute0_lowered:
.L_overlay_start_1:
0x0: {  	(tag) =	ssettag $0x1  }
0x1: {  	s0 =	rddreg [dreg:$0x0]  }
0x2: {  	s1 =	rddreg [dreg:$0x1]  }
0x3: {  	s2 =	srdreg.scid;
	s3 =	stileid.u32  }
0x4: {  	s4 =	rddreg [dreg:$0x2];
	s21 =	simm.s32 $0x1;
	s28 =	simm.s32 $0xAC80  }
0x5: {  	s29 =	simm.s32 $0x3;
	s30 =	simm.s32 $0xCC80;
	s31 =	simm.s32 $0x4  }
0x6: {  	s19 =	simm.s32 $0x0;
	s5 =	sand.u32 $0x1, s2;
	s3 =	sshll.u32 s3, $0x1  }
0x7: {  	s2 =	simm.s32 $0x0;
	s0 =	sadd.s32 $0x400, s0;
	s3 =	sor.u32 s5, s3  }
0x8: {  	[smem:$0x7FF] =	sst s2;
	s5 =	ssub.s32 $0x2, s5;
	s6 =	sshll.u32 s3, $0xA  }
0x9: {  	_ =	strace $0x80000047;
	s7 =	sshrl.u32 s5, $0x1;
	[dreg:$0x5] =	wrdreg s0  }
0xa: {  	s9 =	sor.u32 $0x80, s3;
	s10 =	sor.u32 $0xA0, s3;
	s11 =	sor.u32 $0xC0, s3  }
0xb: {  	s26 =	sshll.u32 s3, $0x7;
	s12 =	sor.u32 $0xE0, s3;
	s8 =	sadd.s32 s1, s6  }
0xc: {  	s22 =	ssub.s32 s5, s7;
	s5 =	sand.u32 $0x780, s26;
	s6 =	sand.u32 $0x3C00, s6  }
0xd: {  	s26 =	simm.s32 $0x2;
	s23 =	sadd.s32 $0x8000, s8;
	[dreg:$0x4] =	wrdreg s8  }
.Ltmp0:
0xe: {  	s24 =	sadd.s32 $0x10000, s8;
	[dreg:$0x6] =	wrdreg s23;
	(pc) =	sbr.rel .LBB2_1-.Ltmp0, $4  }
0xf: {  	s25 =	sadd.s32 $0x18000, s8;
	s13 =	sadd.s32 s4, s5;
	[dreg:$0x7] =	wrdreg s24  }
0x10: {  	s14 =	sadd.s32 s1, s6;
	s0 =	smax.u32 s22, $0x1;
	[dreg:$0x8] =	wrdreg s25  }
0x11: {  	s22 =	simm.s32 $0xC00;
	s1 =	simm.s32 $0xEC80;
	[dreg:$0x9] =	wrdreg s0  }
0x12: {  	s23 =	simm.s32 $0x400;
	s24 =	simm.s32 $0x4000;
	s25 =	simm.s32 $0x8C80  }
.LBB2_19:
0x13: {  	s0 =	simm.s32 $0x5  }
0x14: {  	_ =	swait.ge [sflag:s0], $0x2000  }
0x15: {  	[sflag:s0] =	ssyncset.done $0x0  }
0x16: {  	s17 =	simm.s32 $0x6;
	[sflag:s0] =	ssyncadd.s32 $0xFFFFE000  }
0x17: {  	_ =	swait.ge [sflag:s17], $0x2000  }
0x18: {  	[sflag:s17] =	ssyncset.done $0x0  }
0x19: {  	s18 =	simm.s32 $0x7;
	[sflag:s17] =	ssyncadd.s32 $0xFFFFE000  }
0x1a: {  	_ =	swait.ge [sflag:s18], $0x2000  }
0x1b: {  	[sflag:s18] =	ssyncset.done $0x0  }
0x1c: {  	s4 =	simm.s32 $0x8;
	[sflag:s18] =	ssyncadd.s32 $0xFFFFE000  }
0x1d: {  	_ =	swait.ge [sflag:s4], $0x2000  }
0x1e: {  	s19 =	sadd.s32 $0x1, s19;
	s20 =	rddreg [dreg:$0x9]  }
0x1f: {  	p0 =	sne.s32 s19, s20  }
.Ltmp1:
0x20: {  	_ = 	snop;
	(pc) =	sbr.rel @!p0 .LBB2_20-.Ltmp1, $3  }
0x21: {  	_ =	sdelay $0x1  }
0x22: {  	[sflag:s4] =	ssyncset.done $0x0  }
0x23: {  	[sflag:s4] =	ssyncadd.s32 $0xFFFFE000  }
.LBB2_1:
0x24: {  	s0 =	rddreg [dreg:$0x4];
	s4 =	simm.s32 $0xC80  }
0x25: {  	[tilespmem:s4], [sflag:$0x1] =	stream.linear.gather [hbm4b:s0+s2], $0x2000, $0x38;
	[tilespmem:$0x10C80] =	vst v63  }
0x26: {  	s6 =	rddreg [dreg:$0x6];
	s7 =	simm.s32 $0x2C80  }
0x27: {  	[tilespmem:s7], [sflag:$0x2] =	stream.linear.gather [hbm4b:s6+s2], $0x2000, $0x38;
	[tilespmem:$0x10C80] =	vst v63  }
0x28: {  	s8 =	rddreg [dreg:$0x7];
	s15 =	simm.s32 $0x4C80  }
0x29: {  	[tilespmem:s15], [sflag:$0x3] =	stream.linear.gather [hbm4b:s8+s2], $0x2000, $0x38;
	[tilespmem:$0x10C80] =	vst v63  }
0x2a: {  	s16 =	rddreg [dreg:$0x8];
	s17 =	simm.s32 $0x6C80  }
0x2b: {  	[tilespmem:s17], [sflag:$0x4] =	stream.linear.gather [hbm4b:s16+s2], $0x2000, $0x38;
	[tilespmem:$0x10C80] =	vst v63  }
0x2c: {  	s18 =	rddreg [dreg:$0x5];
	s20 =	simm.s32 $0x9  }
0x2d: {  	[tilespmem:s2], [sflag:$0x9] =	stream.linear.gather [hbm4b:s18+s2], $0xA80, $0x38;
	[tilespmem:$0x10C80] =	vst v63  }
0x2e: {  	_ =	swait.ge [sflag:s20], $0xA80  }
0x2f: {  	[sflag:s20] =	ssyncset.done $0x0  }
0x30: {  	[sflag:s20] =	ssyncadd.s32 $0xFFFFF580  }
0x31: {  	v3 =	vld [tilespmem:$0xA00]  }
0x32: {  	v0 =	vld [tilespmem:$0x0]  }
0x33: {  	v1 =	vld [tilespmem:$0x500]  }
0x34: {  	v2 =	vld [tilespmem:$0x80]  }
0x35: {  	v5 =	vld [tilespmem:$0x580]  }
0x36: {  	v6 =	vld [tilespmem:$0x100]  }
0x37: {  	v7 =	vld [tilespmem:$0x600]  }
0x38: {  	v14 =	vld [tilespmem:$0x180]  }
0x39: {  	v15 =	vld [tilespmem:$0x680]  }
0x3a: {  	v16 =	vld [tilespmem:$0x200]  }
0x3b: {  	v18 =	vld [tilespmem:$0x700]  }
0x3c: {  	v22 =	vld [tilespmem:$0x280]  }
0x3d: {  	v25 =	vld [tilespmem:$0x780]  }
0x3e: {  	v29 =	vld [tilespmem:$0x300]  }
0x3f: {  	v30 =	vld [tilespmem:$0x800]  }
0x40: {  	v35 =	vld [tilespmem:$0x380]  }
0x41: {  	v36 =	vld [tilespmem:$0x880]  }
0x42: {  	v26 =	vld [tilespmem:$0x400]  }
0x43: {  	v24 =	vld [tilespmem:$0x900]  }
0x44: {  	v34 =	vld [tilespmem:$0x480]  }
0x45: {  	v33 =	vld [tilespmem:$0x980]  }
0x46: {  	v39 =	vld [tilespmem:$0x10]  }
0x47: {  	v45 =	vld [tilespmem:$0x510]  }
0x48: {  	v12 =	vld [tilespmem:$0x90]  }
0x49: {  	v11 =	vld [tilespmem:$0x590]  }
0x4a: {  	v20 =	vld [tilespmem:$0x110]  }
0x4b: {  	v19 =	vld [tilespmem:$0x610]  }
0x4c: {  	v28 =	vld [tilespmem:$0x190]  }
0x4d: {  	v27 =	vld [tilespmem:$0x690]  }
0x4e: {  	v38 =	vld [tilespmem:$0x210]  }
0x4f: {  	v37 =	vld [tilespmem:$0x710]  }
0x50: {  	v43 =	vld [tilespmem:$0x290]  }
0x51: {  	v42 =	vld [tilespmem:$0x790]  }
0x52: {  	v48 =	vld [tilespmem:$0x310]  }
0x53: {  	v47 =	vld [tilespmem:$0x810]  }
0x54: {  	v55 =	vld [tilespmem:$0x390]  }
0x55: {  	v56 =	vld [tilespmem:$0x890]  }
0x56: {  	v4 =	vld [tilespmem:$0x410]  }
0x57: {  	v49 =	vld [tilespmem:$0x910]  }
0x58: {  	v50 =	vld [tilespmem:$0x490]  }
0x59: {  	v51 =	vld [tilespmem:$0x990]  }
0x5a: {  	v17 =	vld [tilespmem:$0x20]  }
0x5b: {  	v13 =	vld [tilespmem:$0x520]  }
0x5c: {  	v23 =	vld [tilespmem:$0xA0]  }
0x5d: {  	v21 =	vld [tilespmem:$0x5A0]  }
0x5e: {  	v32 =	vld [tilespmem:$0x120]  }
0x5f: {  	v31 =	vld [tilespmem:$0x620]  }
0x60: {  	v41 =	vld [tilespmem:$0x1A0]  }
0x61: {  	v40 =	vld [tilespmem:$0x6A0]  }
0x62: {  	v46 =	vld [tilespmem:$0x220]  }
0x63: {  	v44 =	vld [tilespmem:$0x720]  }
0x64: {  	v61 =	vld [tilespmem:$0x2A0]  }
0x65: {  	v62 =	vld [tilespmem:$0x7A0]  }
0x66: {  	v54 =	vld [tilespmem:$0x820]  }
0x67: {  	v52 =	vld [tilespmem:$0x3A0]  }
0x68: {  	v53 =	vld [tilespmem:$0x8A0]  }
0x69: {  	v57 =	vld [tilespmem:$0x420]  }
0x6a: {  	v58 =	vld [tilespmem:$0x920]  }
0x6b: {  	v59 =	vld [tilespmem:$0x4A0]  }
0x6c: {  	v60 =	vld [tilespmem:$0x9A0]  }
0x6d: {  	v63 =	vld [tilespmem:$0xB0]  }
0x6e: {  	v8 =	vld [tilespmem:$0x130]  }
0x6f: {  	v9 =	vld [tilespmem:$0x630]  }
0x70: {  	v10 =	vld [tilespmem:$0x1B0]  }
0x71: {  	[tilespmem:$0x1FE70] =	vst v51;
	v51 =	vld [tilespmem:$0x320]  }
0x72: {  	[tilespmem:$0x1FEC0] =	vst v58;
	v58 =	vld [tilespmem:$0x30]  }
0x73: {  	[tilespmem:$0x1FEF0] =	vst v59;
	v59 =	vld [tilespmem:$0x530]  }
0x74: {  	[tilespmem:$0x1FE60] =	vst v50;
	v50 =	vld [tilespmem:$0x5B0]  }
0x75: {  	[tilespmem:$0x1FE50] =	vst v49;
	v49 =	vld [tilespmem:$0x6B0]  }
0x76: {  	[tilespmem:$0x1FE80] =	vst v52;
	v52 =	vld [tilespmem:$0x230]  }
0x77: {  	[tilespmem:$0x1FE90] =	vst v53;
	v53 =	vld [tilespmem:$0x730]  }
0x78: {  	[tilespmem:$0x1FEB0] =	vst v57;
	v57 =	vld [tilespmem:$0x2B0]  }
0x79: {  	[tilespmem:$0x1FF00] =	vst v60;
	v60 =	vld [tilespmem:$0x7B0]  }
0x7a: {  	[tilespmem:$0x1FED0] =	vst v8;
	v8 =	vld [tilespmem:$0x330]  }
0x7b: {  	[tilespmem:$0x1FEE0] =	vst v9;
	v9 =	vld [tilespmem:$0x830]  }
0x7c: {  	v25 =	vadd.f32 v25, v22;
	v22 =	vld [tilespmem:$0x2C0]  }
0x7d: {  	v45 =	vadd.f32 v45, v39;
	v39 =	vld [tilespmem:$0x340]  }
0x7e: {  	v26 =	vadd.f32 v24, v26;
	v24 =	vld [tilespmem:$0x3C0]  }
0x7f: {  	v36 =	vadd.f32 v36, v35;
	v35 =	vld [tilespmem:$0x8C0]  }
0x80: {  	[tilespmem:$0x1FE40] =	vst v4;
	v13 =	vadd.f32 v13, v17;
	v17 =	vld [tilespmem:$0x9C0]  }
0x81: {  	[tilespmem:$0x1FEA0] =	vst v63;
	v34 =	vadd.f32 v33, v34;
	v33 =	vadd.f32 v21, v23;
	v21 =	vld [tilespmem:$0x50]  }
0x82: {  	[tilespmem:$0x1FF10] =	vst v10;
	v38 =	vadd.f32 v37, v38;
	v37 =	vadd.f32 v31, v32;
	v31 =	vld [tilespmem:$0xD0]  }
0x83: {  	v32 =	vld [tilespmem:$0x5D0];
	[tilespmem:$0x1FF20] =	vst v49  }
0x84: {  	v41 =	vadd.f32 v40, v41;
	v40 =	vld [tilespmem:$0x250];
	[tilespmem:$0x1FF30] =	vst v52  }
0x85: {  	v27 =	vadd.f32 v27, v28;
	v28 =	vld [tilespmem:$0x450];
	[tilespmem:$0x1FF40] =	vst v53  }
0x86: {  	v63 =	vadd.f32 $0.0e+00, v3;
	[tilespmem:$0x1FF50] =	vst v57;
	v49 =	vld [tilespmem:$0x3B0]  }
0x87: {  	v0 =	vadd.f32 v1, v0;
	v10 =	vbroadcast v3, $0x0;
	[tilespmem:$0x1FF60] =	vst v60;
	v53 =	vld [tilespmem:$0x8B0]  }
0x88: {  	v4 =	vbroadcast v63, $0xA;
	[tilespmem:$0x1FF80] =	vst v9;
	v52 =	vadd.f32 v5, v2;
	v9 =	vbroadcast v3, $0x1;
	v57 =	vld [tilespmem:$0x430]  }
0x89: {  	v0 =	vmul.f32 v0, v10;
	v63 =	vadd.f32 v7, v6;
	[tilespmem:$0x1FF70] =	vst v8;
	v60 =	vld [tilespmem:$0x930];
	v8 =	vbroadcast v3, $0x2  }
0x8a: {  	v1 =	vmul.f32 v52, v9;
	v52 =	vld [tilespmem:$0x9B0]  }
0x8b: {  	v0 =	vadd.f32 v0, v4;
	v2 =	vmul.f32 v63, v8;
	v63 =	vld [tilespmem:$0xC0]  }
0x8c: {  	[tilespmem:$0x1FF90] =	vst v49;
	v49 =	vld [tilespmem:$0x4B0]  }
0x8d: {  	v5 =	vbroadcast v3, $0x3;
	v0 =	vadd.f32 v1, v0;
	[tilespmem:$0x1FFA0] =	vst v53;
	v53 =	vadd.f32 v15, v14;
	v15 =	vld [tilespmem:$0x40]  }
0x8e: {  	v6 =	vbroadcast v3, $0x4;
	[tilespmem:$0x1FFB0] =	vst v57;
	v14 =	vld [tilespmem:$0x540]  }
0x8f: {  	[tilespmem:$0x1FFC0] =	vst v60;
	v57 =	vadd.f32 v18, v16;
	v60 =	vld [tilespmem:$0x140];
	v0 =	vadd.f32 v2, v0;
	v1 =	vmul.f32 v53, v5  }
0x90: {  	v18 =	vld [tilespmem:$0x640]  }
0x91: {  	v16 =	vld [tilespmem:$0x5C0];
	v2 =	vbroadcast v3, $0x5;
	v0 =	vadd.f32 v1, v0;
	[tilespmem:$0x1FFD0] =	vst v49;
	v49 =	vmul.f32 v57, v6  }
0x92: {  	[tilespmem:$0x1FFE0] =	vst v52;
	v52 =	vld [tilespmem:$0x1C0]  }
0x93: {  	v53 =	vmul.f32 v25, v2;
	v25 =	vld [tilespmem:$0x240];
	v0 =	vadd.f32 v49, v0  }
0x94: {  	v1 =	vbroadcast v3, $0x6;
	v57 =	vld [tilespmem:$0x6C0];
	v49 =	vadd.f32 v30, v29  }
0x95: {  	v18 =	vadd.f32 v18, v60;
	v60 =	vld [tilespmem:$0x1FF70];
	v7 =	vadd.f32 v53, v0;
	v0 =	vbroadcast v3, $0x7  }
0x96: {  	v53 =	vld [tilespmem:$0x740];
	v30 =	vmul.f32 v49, v1  }
0x97: {  	v11 =	vadd.f32 v11, v12;
	v49 =	vld [tilespmem:$0x7C0];
	v29 =	vmul.f32 v36, v0;
	v36 =	vmul.f32 v45, v10  }
0x98: {  	v7 =	vadd.f32 v30, v7;
	v45 =	vld [tilespmem:$0x840]  }
0x99: {  	v11 =	vmul.f32 v11, v9;
	v30 =	vld [tilespmem:$0x440];
	v12 =	vadd.f32 v36, v4  }
0x9a: {  	v29 =	vadd.f32 v29, v7;
	v7 =	vbroadcast v3, $0x8;
	v3 =	vbroadcast v3, $0x9;
	v36 =	vld [tilespmem:$0x940]  }
0x9b: {  	v19 =	vadd.f32 v19, v20;
	v11 =	vadd.f32 v11, v12;
	v12 =	vld [tilespmem:$0x4C0]  }
0x9c: {  	v20 =	vmul.f32 v34, v3;
	v34 =	vadd.f32 v42, v43;
	v43 =	vadd.f32 v44, v46;
	v44 =	vld [tilespmem:$0x1FE40]  }
0x9d: {  	v46 =	vld [tilespmem:$0x1FE50]  }
0x9e: {  	v42 =	vadd.f32 v56, v55;
	v55 =	vld [tilespmem:$0x1FE70]  }
0x9f: {  	v26 =	vmul.f32 v26, v7;
	v56 =	vadd.f32 v54, v51;
	v51 =	vld [tilespmem:$0x1FEE0]  }
0xa0: {  	v54 =	vld [tilespmem:$0x1FEF0]  }
0xa1: {  	v19 =	vmul.f32 v19, v8;
	v26 =	vadd.f32 v26, v29;
	v29 =	vld [tilespmem:$0x550]  }
0xa2: {  	v23 =	vmul.f32 v34, v2;
	v34 =	vld [tilespmem:$0x650]  }
0xa3: {  	v11 =	vadd.f32 v19, v11;
	v19 =	vmul.f32 v38, v6;
	v38 =	vadd.f32 v47, v48;
	v48 =	vld [tilespmem:$0x1FE60]  }
0xa4: {  	v47 =	vadd.f32 v62, v61;
	v62 =	vld [tilespmem:$0x1FE80]  }
0xa5: {  	v61 =	vadd.f32 v59, v58;
	v58 =	vld [tilespmem:$0x1FF10]  }
0xa6: {  	v27 =	vmul.f32 v27, v5;
	v59 =	vld [tilespmem:$0x1FF20]  }
0xa7: {  	v30 =	vadd.f32 v36, v30;
	v36 =	vld [tilespmem:$0x460];
	v20 =	vadd.f32 v20, v26  }
0xa8: {  	v13 =	vmul.f32 v13, v10;
	v11 =	vadd.f32 v27, v11;
	v26 =	vmul.f32 v37, v8;
	v37 =	vld [tilespmem:$0x1D0]  }
0xa9: {  	[tilespmem:$0x1FFF0] =	vst v20;
	v20 =	vmul.f32 v33, v9;
	v33 =	vld [tilespmem:$0x150]  }
0xaa: {  	v13 =	vadd.f32 v13, v4;
	v11 =	vadd.f32 v19, v11;
	v19 =	vmul.f32 v38, v1;
	v38 =	vld [tilespmem:$0x6D0]  }
0xab: {  	v21 =	vadd.f32 v29, v21;
	v29 =	vld [tilespmem:$0x760]  }
0xac: {  	v13 =	vadd.f32 v20, v13;
	v20 =	vmul.f32 v41, v5;
	v41 =	vld [tilespmem:$0x750]  }
0xad: {  	v11 =	vadd.f32 v23, v11;
	v23 =	vmul.f32 v42, v0;
	v42 =	vld [tilespmem:$0x2D0]  }
0xae: {  	v13 =	vadd.f32 v26, v13;
	v26 =	vmul.f32 v43, v6;
	v43 =	vld [tilespmem:$0x7D0]  }
0xaf: {  	v11 =	vadd.f32 v19, v11;
	v19 =	vadd.f32 v46, v44;
	v44 =	vld [tilespmem:$0x1FE90]  }
0xb0: {  	v46 =	vld [tilespmem:$0x1FEA0]  }
0xb1: {  	v33 =	vadd.f32 v34, v33;
	v34 =	vld [tilespmem:$0x860]  }
0xb2: {  	v13 =	vadd.f32 v20, v13;
	v20 =	vmul.f32 v47, v2;
	v47 =	vld [tilespmem:$0x1FEB0]  }
0xb3: {  	v11 =	vadd.f32 v23, v11;
	v23 =	vadd.f32 v55, v48;
	v19 =	vmul.f32 v19, v7;
	v48 =	vld [tilespmem:$0x1FEC0]  }
0xb4: {  	v55 =	vld [tilespmem:$0x1FF00];
	v40 =	vadd.f32 v41, v40;
	v13 =	vadd.f32 v26, v13  }
0xb5: {  	v41 =	vmul.f32 v30, v7;
	v30 =	vld [tilespmem:$0x4E0];
	v11 =	vadd.f32 v19, v11;
	v23 =	vmul.f32 v23, v3  }
0xb6: {  	v13 =	vadd.f32 v20, v13;
	v20 =	vadd.f32 v44, v62;
	v44 =	vld [tilespmem:$0x350]  }
0xb7: {  	v11 =	vadd.f32 v23, v11;
	v23 =	vadd.f32 v50, v46;
	v46 =	vld [tilespmem:$0x850]  }
0xb8: {  	v50 =	vld [tilespmem:$0x1FED0]  }
0xb9: {  	v26 =	vmul.f32 v56, v1;
	v56 =	vadd.f32 v55, v54;
	v54 =	vld [tilespmem:$0x1FF30]  }
0xba: {  	v19 =	vmul.f32 v61, v10;
	v55 =	vld [tilespmem:$0x1FF40]  }
0xbb: {  	v13 =	vadd.f32 v26, v13;
	v26 =	vadd.f32 v48, v47;
	v47 =	vld [tilespmem:$0x3D0]  }
0xbc: {  	v19 =	vadd.f32 v19, v4;
	v20 =	vmul.f32 v20, v0;
	v48 =	vld [tilespmem:$0x8D0]  }
0xbd: {  	v23 =	vmul.f32 v23, v9;
	v62 =	vmul.f32 v56, v3;
	v56 =	vadd.f32 v16, v63;
	v16 =	vld [tilespmem:$0x60]  }
0xbe: {  	v63 =	vadd.f32 v57, v52;
	v52 =	vld [tilespmem:$0x160]  }
0xbf: {  	v20 =	vadd.f32 v20, v13;
	v19 =	vadd.f32 v23, v19;
	v13 =	vld [tilespmem:$0x950]  }
0xc0: {  	v23 =	vadd.f32 v59, v58;
	v58 =	vld [tilespmem:$0x1FF50];
	v27 =	vadd.f32 v51, v50  }
0xc1: {  	v59 =	vld [tilespmem:$0x1FF60]  }
0xc2: {  	v14 =	vadd.f32 v14, v15;
	v51 =	vld [tilespmem:$0x560];
	v61 =	vmul.f32 v27, v8  }
0xc3: {  	v26 =	vmul.f32 v26, v7;
	v15 =	vmul.f32 v56, v9;
	v56 =	vld [tilespmem:$0x660]  }
0xc4: {  	v14 =	vmul.f32 v14, v10;
	v19 =	vadd.f32 v61, v19;
	v61 =	vld [tilespmem:$0x1FF80]  }
0xc5: {  	v20 =	vadd.f32 v26, v20;
	v50 =	vadd.f32 v55, v54;
	v23 =	vmul.f32 v23, v5;
	v26 =	vld [tilespmem:$0x9D0]  }
0xc6: {  	v14 =	vadd.f32 v14, v4;
	v54 =	vld [tilespmem:$0xE0]  }
0xc7: {  	v55 =	vld [tilespmem:$0x5E0];
	v50 =	vmul.f32 v50, v6;
	v19 =	vadd.f32 v23, v19  }
0xc8: {  	v14 =	vadd.f32 v15, v14;
	v20 =	vadd.f32 v62, v20;
	v62 =	vmul.f32 v18, v8;
	v18 =	vld [tilespmem:$0x360]  }
0xc9: {  	v19 =	vadd.f32 v50, v19;
	v50 =	vadd.f32 v61, v60;
	v60 =	vld [tilespmem:$0x1FF90]  }
0xca: {  	v23 =	vadd.f32 v59, v58;
	v61 =	vld [tilespmem:$0x1FFA0]  }
0xcb: {  	v14 =	vadd.f32 v62, v14;
	v62 =	vmul.f32 v63, v5;
	v63 =	vadd.f32 v53, v25;
	v25 =	vld [tilespmem:$0x1E0]  }
0xcc: {  	v58 =	vld [tilespmem:$0x1FFB0];
	v23 =	vmul.f32 v23, v2  }
0xcd: {  	v59 =	vld [tilespmem:$0x1FFC0]  }
0xce: {  	v12 =	vadd.f32 v17, v12;
	v21 =	vmul.f32 v21, v10;
	v53 =	vld [tilespmem:$0x6E0];
	v19 =	vadd.f32 v23, v19  }
0xcf: {  	v23 =	vmul.f32 v50, v1;
	v50 =	vadd.f32 v61, v60;
	v61 =	vadd.f32 v49, v22;
	v22 =	vld [tilespmem:$0x260]  }
0xd0: {  	v21 =	vadd.f32 v21, v4;
	v49 =	vadd.f32 v45, v39;
	v39 =	vld [tilespmem:$0x2E0]  }
0xd1: {  	v14 =	vadd.f32 v62, v14;
	v60 =	vmul.f32 v63, v6;
	v45 =	vmul.f32 v40, v6;
	v40 =	vld [tilespmem:$0x8F0]  }
0xd2: {  	v19 =	vadd.f32 v23, v19;
	v57 =	vmul.f32 v50, v0;
	v50 =	vadd.f32 v59, v58;
	v58 =	vld [tilespmem:$0x1FFE0]  }
0xd3: {  	v14 =	vadd.f32 v60, v14;
	v63 =	vmul.f32 v61, v2;
	v60 =	vadd.f32 v35, v24;
	v24 =	vld [tilespmem:$0x3E0]  }
0xd4: {  	v13 =	vadd.f32 v13, v28;
	v35 =	vld [tilespmem:$0x8E0];
	v62 =	vmul.f32 v50, v7;
	v50 =	vadd.f32 v32, v31  }
0xd5: {  	v59 =	vmul.f32 v49, v1;
	v19 =	vadd.f32 v57, v19;
	v57 =	vld [tilespmem:$0x1FFD0];
	v14 =	vadd.f32 v63, v14  }
0xd6: {  	v51 =	vadd.f32 v51, v16;
	v25 =	vadd.f32 v53, v25;
	v31 =	vld [tilespmem:$0x7E0];
	v23 =	vmul.f32 v50, v9  }
0xd7: {  	v15 =	vmul.f32 v60, v0;
	v60 =	vld [tilespmem:$0xF0];
	v19 =	vadd.f32 v62, v19;
	v14 =	vadd.f32 v59, v14  }
0xd8: {  	v61 =	vmul.f32 v33, v8;
	v62 =	vadd.f32 v38, v37;
	v37 =	vld [tilespmem:$0x960];
	v21 =	vadd.f32 v23, v21  }
0xd9: {  	v13 =	vmul.f32 v13, v7;
	v49 =	vadd.f32 v43, v42;
	v50 =	vld [tilespmem:$0x70];
	v14 =	vadd.f32 v15, v14  }
0xda: {  	v63 =	vmul.f32 v62, v5;
	v32 =	vadd.f32 v58, v57;
	v57 =	vld [tilespmem:$0x570];
	v21 =	vadd.f32 v61, v21  }
0xdb: {  	v22 =	vadd.f32 v29, v22;
	v59 =	vadd.f32 v46, v44;
	v15 =	vmul.f32 v51, v10;
	v62 =	vld [tilespmem:$0x5F0]  }
0xdc: {  	v46 =	vld [tilespmem:$0x170];
	v58 =	vmul.f32 v49, v2;
	v14 =	vadd.f32 v41, v14;
	v21 =	vadd.f32 v63, v21  }
0xdd: {  	v38 =	vld [tilespmem:$0x3F0];
	v61 =	vadd.f32 v55, v54;
	v15 =	vadd.f32 v15, v4;
	v55 =	vmul.f32 v25, v5  }
0xde: {  	v32 =	vmul.f32 v32, v3;
	v21 =	vadd.f32 v45, v21;
	v45 =	vadd.f32 v48, v47;
	v48 =	vld [tilespmem:$0x670]  }
0xdf: {  	v63 =	vmul.f32 v59, v1;
	v17 =	vmul.f32 v61, v9;
	v16 =	vadd.f32 v57, v50;
	v50 =	vld [tilespmem:$0x1F0]  }
0xe0: {  	v59 =	vmul.f32 v22, v6;
	v53 =	vadd.f32 v62, v60;
	v47 =	vadd.f32 v56, v52;
	v52 =	vld [tilespmem:$0x6F0]  }
0xe1: {  	v54 =	vld [tilespmem:$0x270];
	v19 =	vadd.f32 v32, v19;
	v60 =	vadd.f32 v31, v39;
	v10 =	vmul.f32 v16, v10  }
0xe2: {  	v39 =	vadd.f32 v34, v18;
	v15 =	vadd.f32 v17, v15;
	v56 =	vld [tilespmem:$0x770];
	v9 =	vmul.f32 v53, v9  }
0xe3: {  	v61 =	vld [tilespmem:$0x7F0];
	v31 =	vmul.f32 v60, v2;
	v4 =	vadd.f32 v10, v4;
	v57 =	vadd.f32 v48, v46  }
0xe4: {  	v53 =	vadd.f32 v40, v38;
	v21 =	vadd.f32 v58, v21;
	v51 =	vmul.f32 v47, v8;
	v58 =	vld [tilespmem:$0x2F0]  }
0xe5: {  	v32 =	vld [tilespmem:$0x870];
	v62 =	vadd.f32 v52, v50;
	v4 =	vadd.f32 v9, v4;
	v8 =	vmul.f32 v57, v8  }
0xe6: {  	v44 =	vmul.f32 v39, v1;
	v21 =	vadd.f32 v63, v21;
	v15 =	vadd.f32 v51, v15;
	v63 =	vld [tilespmem:$0x370]  }
0xe7: {  	v27 =	vld [tilespmem:$0x4D0];
	v33 =	vadd.f32 v56, v54;
	v5 =	vmul.f32 v62, v5;
	v4 =	vadd.f32 v8, v4  }
0xe8: {  	v43 =	vld [tilespmem:$0x9E0];
	v49 =	vmul.f32 v45, v0;
	v45 =	vadd.f32 v35, v24;
	v15 =	vadd.f32 v55, v15  }
0xe9: {  	v46 =	vld [tilespmem:$0x470];
	v41 =	vmul.f32 v33, v6;
	v42 =	vadd.f32 v61, v58;
	v4 =	vadd.f32 v5, v4  }
0xea: {  	v60 =	vmul.f32 v12, v3;
	v48 =	vld [tilespmem:$0x970];
	v56 =	vadd.f32 v37, v36;
	v15 =	vadd.f32 v59, v15  }
0xeb: {  	v52 =	vld [tilespmem:$0x4F0];
	v2 =	vmul.f32 v42, v2;
	v47 =	vadd.f32 v32, v63;
	v4 =	vadd.f32 v41, v4  }
0xec: {  	v51 =	vmul.f32 v45, v0;
	v54 =	vld [tilespmem:$0x9F0];
	v21 =	vadd.f32 v49, v21;
	v15 =	vadd.f32 v31, v15  }
0xed: {  	v55 =	vadd.f32 v26, v27;
	v1 =	vmul.f32 v47, v1;
	v2 =	vadd.f32 v2, v4  }
0xee: {  	v0 =	vmul.f32 v53, v0;
	v57 =	vadd.f32 v43, v30;
	v59 =	vld [tilespmem:$0x1FFF0];
	v50 =	vadd.f32 v44, v15  }
0xef: {  	v61 =	vmul.f32 v56, v7;
	v58 =	vadd.f32 v48, v46;
	v1 =	vadd.f32 v1, v2  }
0xf0: {  	[tilespmem:$0xC10] =	vst v11;
	v49 =	vadd.f32 v13, v21;
	v62 =	vmul.f32 v55, v3;
	v13 =	vadd.f32 v51, v50  }
0xf1: {  	[tilespmem:$0xC20] =	vst v20;
	v5 =	vadd.f32 v54, v52;
	v4 =	vmul.f32 v58, v7;
	v0 =	vadd.f32 v0, v1  }
0xf2: {  	[tilespmem:$0xC30] =	vst v19;
	v7 =	vadd.f32 v62, v49;
	v6 =	vadd.f32 v61, v13;
	v2 =	vmul.f32 v57, v3  }
.Ltmp2:
0xf3: {  	[tilespmem:$0xC00] =	vst v59;
	v3 =	vmul.f32 v5, v3;
	v1 =	vadd.f32 v60, v14;
	v0 =	vadd.f32 v4, v0;
	(pc) =	sbr.rel .LBB2_2-.Ltmp2, $4  }
0xf4: {  	[tilespmem:$0xC50] =	vst v7;
	v63 =	vadd.f32 v2, v6  }
0xf5: {  	[tilespmem:$0xC40] =	vst v1;
	v0 =	vadd.f32 v3, v0  }
0xf6: {  	[tilespmem:$0xC60] =	vst v63  }
0xf7: {  	s5 =	simm.s32 $0x0;
	[tilespmem:$0xC70] =	vst v0  }
.LBB2_18:
0xf8: {  	s5 =	sadd.s32 $0x1, s5  }
0xf9: {  	p0 =	sne.s32 s5, $0x4  }
.Ltmp3:
0xfa: {  	_ = 	snop;
	(pc) =	sbr.rel @!p0 .LBB2_19-.Ltmp3, $1  }
0xfb: {  	_ =	sdelay $0x3  }
.LBB2_2:
0xfc: {  	s6 =	sshll.u32 s5, $0x7  }
0xfd: {  	s7 =	sor.u32 s3, s6  }
0xfe: {  	p1 =	sgt.u32 s7, $0x18F  }
.Ltmp4:
0xff: {  	_ = 	snop;
	(pc) =	sbr.rel @p1 .LBB2_6-.Ltmp4, $2  }
0x100: {  	_ =	sdelay $0x2  }
0x101: {  	p0 =	seq.s32 s5, $0x0  }
0x102: {  	_ =	swait.ge [sflag:s21], $0x2000  }
0x103: {  	[sflag:s21] =	ssyncset.done $0x0  }
0x104: {  	s0 =	simm.s32 @!p0 $0x5;
	s8 =	simm.s32 $0x0;
	[sflag:s21] =	ssyncadd.s32 $0xFFFFE000  }
0x105: {  	s15 =	simm.s32 $0x0;
	s4 =	sand.u32 $0x7, s8;
	_ =	swait.ge @!p0 [sflag:s0], $0x2000  }
0x106: {  	s16 =	sand.u32 $0x1C00, s15;
	s20 =	sshll.u32 s4, $0x7;
	[sflag:s0] =	ssyncset.done @!p0 $0x0  }
0x107: {  	s20 =	sor.u32 s20, s16;
	[sflag:s0] =	ssyncadd.s32 @!p0 $0xFFFFE000  }
0x108: {  	v2 =	vld [tilespmem:s20+$0xCF0]  }
0x109: {  	v3 =	vld [tilespmem:s20+$0xC80]  }
0x10a: {  	v6 =	vld [tilespmem:s20+$0xC90]  }
0x10b: {  	v8 =	vld [tilespmem:s20+$0xCA0]  }
0x10c: {  	v9 =	vld [tilespmem:s20+$0xCB0]  }
0x10d: {  	v4 =	vld [tilespmem:s20+$0xCC0]  }
0x10e: {  	v1 =	vld [tilespmem:s20+$0xCD0]  }
0x10f: {  	v0 =	vld [tilespmem:s20+$0xCE0]  }
0x110: {  	v7 =	vld.idx.msk [tilespmem:v2+s22+$0x0], $0xffff  }
0x111: {  	v5 =	vld.idx.msk [tilespmem:v3+s22+$0x0], $0xffff  }
0x112: {  	v3 =	vld.idx.msk [tilespmem:v6+s22+$0x0], $0xffff  }
0x113: {  	v2 =	vld.idx.msk [tilespmem:v8+s22+$0x0], $0xffff  }
0x114: {  	s0 =	sshll.u32 s4, $0xA;
	s4 =	simm.s32 $0x1;
	s20 =	sand.u32 $0x380, s8;
	v6 =	vld.idx.msk [tilespmem:v9+s22+$0x0], $0xffff  }
.LBB2_4:
0x115: {  	s15 =	sadd.s32 $0x80, s15;
	s16 =	sand.u32 $0x7, s4;
	s0 =	sor.u32 s20, s0;
	v4 =	vld.idx.msk [tilespmem:v4+s22+$0x0], $0xffff  }
0x116: {  	s20 =	sand.u32 $0x1C00, s15;
	s17 =	sshll.u32 s16, $0x7;
	p1 =	slt.u32 s15, $0x1F80;
	v1 =	vld.idx.msk [tilespmem:v1+s22+$0x0], $0xffff;
	[tilespmem:s0+$0x8CF0] =	vst v7  }
0x117: {  	s17 =	sor.u32 s17, s20;
	[tilespmem:s0+$0x8C80] =	vst v5;
	v0 =	vld.idx.msk [tilespmem:v0+s22+$0x0], $0xffff  }
0x118: {  	v5 =	vld [tilespmem:s17+$0xCF0];
	[tilespmem:s0+$0x8C90] =	vst v3  }
0x119: {  	v3 =	vld [tilespmem:s17+$0xC80];
	[tilespmem:s0+$0x8CA0] =	vst v2  }
0x11a: {  	v2 =	vld [tilespmem:s17+$0xC90];
	[tilespmem:s0+$0x8CB0] =	vst v6  }
0x11b: {  	v6 =	vld [tilespmem:s17+$0xCA0];
	[tilespmem:s0+$0x8CC0] =	vst v4  }
0x11c: {  	v8 =	vld [tilespmem:s17+$0xCB0];
	[tilespmem:s0+$0x8CD0] =	vst v1  }
0x11d: {  	v4 =	vld [tilespmem:s17+$0xCC0];
	[tilespmem:s0+$0x8CE0] =	vst v0  }
0x11e: {  	v1 =	vld [tilespmem:s17+$0xCD0]  }
0x11f: {  	v0 =	vld [tilespmem:s17+$0xCE0]  }
.Ltmp5:
0x120: {  	v7 =	vld.idx.msk [tilespmem:v5+s22+$0x0], $0xffff;
	(pc) =	sbr.rel @p1 .LBB2_4-.Ltmp5, $4  }
0x121: {  	v5 =	vld.idx.msk [tilespmem:v3+s22+$0x0], $0xffff  }
0x122: {  	v3 =	vld.idx.msk [tilespmem:v2+s22+$0x0], $0xffff  }
0x123: {  	s8 =	sadd.s32 $0x10, s8;
	v2 =	vld.idx.msk [tilespmem:v6+s22+$0x0], $0xffff  }
0x124: {  	s4 =	sadd.s32 $0x1, s4;
	s20 =	sand.u32 $0x380, s8;
	s0 =	sshll.u32 s16, $0xA;
	v6 =	vld.idx.msk [tilespmem:v8+s22+$0x0], $0xffff  }
0x125: {  	_ =	sdelay $0x2  }
0x126: {  	s0 =	sor.u32 s20, s0  }
0x127: {  	v4 =	vld.idx.msk [tilespmem:v4+s22+$0x0], $0xffff;
	[tilespmem:s0+$0x8CF0] =	vst v7  }
0x128: {  	v1 =	vld.idx.msk [tilespmem:v1+s22+$0x0], $0xffff;
	[tilespmem:s0+$0x8C80] =	vst v5  }
0x129: {  	v0 =	vld.idx.msk [tilespmem:v0+s22+$0x0], $0xffff;
	[tilespmem:s0+$0x8C90] =	vst v3  }
0x12a: {  	[tilespmem:s0+$0x8CA0] =	vst v2  }
0x12b: {  	[tilespmem:s0+$0x8CB0] =	vst v6  }
0x12c: {  	s4 =	sshll.u32 s7, $0xA;
	[tilespmem:s0+$0x8CC0] =	vst v4  }
0x12d: {  	s4 =	sand.u32 $0x64000, s4;
	[tilespmem:s0+$0x8CD0] =	vst v1  }
0x12e: {  	s20 =	sadd.s32 s4, s13;
	[tilespmem:s0+$0x8CE0] =	vst v0;
	s0 =	sadd.s32 s9, s6  }
0x12f: {  	[hbm4b:s20+s23] =	stream.strided.scatter [tilespmem:s25], [sflag:$0x5], $0x2000, s24, s23, $0x38;
	[tilespmem:$0x10C80] =	vst v63  }
0x130: {  	p1 =	sgt.u32 s0, $0x18F  }
0x131: {  	s0 =	sshll.u32 @!p1 s0, $0xA  }
0x132: {  	s0 =	sand.u32 @!p1 $0x64000, s0  }
0x133: {  	s4 =	simm.s32 @!p1 $0x0;
	s8 =	simm.s32 @!p1 $0xC80;
	s0 =	sadd.s32 @!p1 s0, s14  }
0x134: {  	[tilespmem:s8], [sflag:$0x1] =	stream.linear.gather @!p1 [hbm4b:s0+s4], $0x2000, $0x38;
	[tilespmem:$0x10C80] =	vst v63  }
.LBB2_6:
0x135: {  	s8 =	sor.u32 $0x20, s7  }
0x136: {  	p1 =	sgt.u32 s8, $0x18F  }
.Ltmp6:
0x137: {  	_ = 	snop;
	(pc) =	sbr.rel @p1 .LBB2_10-.Ltmp6, $1  }
0x138: {  	_ =	sdelay $0x3  }
0x139: {  	_ =	swait.ge [sflag:s26], $0x2000  }
0x13a: {  	[sflag:s26] =	ssyncset.done $0x0  }
0x13b: {  	s0 =	simm.s32 @!p0 $0x6;
	s15 =	simm.s32 $0x0;
	[sflag:s26] =	ssyncadd.s32 $0xFFFFE000  }
0x13c: {  	s4 =	simm.s32 $0x0;
	s16 =	sand.u32 $0x7, s15;
	_ =	swait.ge @!p0 [sflag:s0], $0x2000  }
0x13d: {  	s17 =	sand.u32 $0x1C00, s4;
	s20 =	sshll.u32 s16, $0x7;
	[sflag:s0] =	ssyncset.done @!p0 $0x0  }
0x13e: {  	s20 =	sor.u32 s20, s17;
	[sflag:s0] =	ssyncadd.s32 @!p0 $0xFFFFE000  }
0x13f: {  	v2 =	vld [tilespmem:s20+$0x2CF0]  }
0x140: {  	v3 =	vld [tilespmem:s20+$0x2C80]  }
0x141: {  	v6 =	vld [tilespmem:s20+$0x2C90]  }
0x142: {  	v8 =	vld [tilespmem:s20+$0x2CA0]  }
0x143: {  	v9 =	vld [tilespmem:s20+$0x2CB0]  }
0x144: {  	v4 =	vld [tilespmem:s20+$0x2CC0]  }
0x145: {  	v1 =	vld [tilespmem:s20+$0x2CD0]  }
0x146: {  	v0 =	vld [tilespmem:s20+$0x2CE0]  }
0x147: {  	v7 =	vld.idx.msk [tilespmem:v2+s22+$0x0], $0xffff  }
0x148: {  	v5 =	vld.idx.msk [tilespmem:v3+s22+$0x0], $0xffff  }
0x149: {  	v3 =	vld.idx.msk [tilespmem:v6+s22+$0x0], $0xffff  }
0x14a: {  	v2 =	vld.idx.msk [tilespmem:v8+s22+$0x0], $0xffff  }
0x14b: {  	s16 =	sshll.u32 s16, $0xA;
	s0 =	sand.u32 $0x380, s15;
	s20 =	simm.s32 $0x1;
	v6 =	vld.idx.msk [tilespmem:v9+s22+$0x0], $0xffff  }
.LBB2_8:
0x14c: {  	s4 =	sadd.s32 $0x80, s4;
	s17 =	sand.u32 $0x7, s20;
	s0 =	sor.u32 s0, s16;
	v4 =	vld.idx.msk [tilespmem:v4+s22+$0x0], $0xffff  }
0x14d: {  	s16 =	sand.u32 $0x1C00, s4;
	s18 =	sshll.u32 s17, $0x7;
	p1 =	slt.u32 s4, $0x1F80;
	v1 =	vld.idx.msk [tilespmem:v1+s22+$0x0], $0xffff;
	[tilespmem:s0+$0xACF0] =	vst v7  }
0x14e: {  	s16 =	sor.u32 s18, s16;
	[tilespmem:s0+$0xAC80] =	vst v5;
	v0 =	vld.idx.msk [tilespmem:v0+s22+$0x0], $0xffff  }
0x14f: {  	v5 =	vld [tilespmem:s16+$0x2CF0];
	[tilespmem:s0+$0xAC90] =	vst v3  }
0x150: {  	v3 =	vld [tilespmem:s16+$0x2C80];
	[tilespmem:s0+$0xACA0] =	vst v2  }
0x151: {  	v2 =	vld [tilespmem:s16+$0x2C90];
	[tilespmem:s0+$0xACB0] =	vst v6  }
0x152: {  	v6 =	vld [tilespmem:s16+$0x2CA0];
	[tilespmem:s0+$0xACC0] =	vst v4  }
0x153: {  	v8 =	vld [tilespmem:s16+$0x2CB0];
	[tilespmem:s0+$0xACD0] =	vst v1  }
0x154: {  	v4 =	vld [tilespmem:s16+$0x2CC0];
	[tilespmem:s0+$0xACE0] =	vst v0  }
0x155: {  	v1 =	vld [tilespmem:s16+$0x2CD0]  }
0x156: {  	v0 =	vld [tilespmem:s16+$0x2CE0]  }
.Ltmp7:
0x157: {  	v7 =	vld.idx.msk [tilespmem:v5+s22+$0x0], $0xffff;
	(pc) =	sbr.rel @p1 .LBB2_8-.Ltmp7, $4  }
0x158: {  	v5 =	vld.idx.msk [tilespmem:v3+s22+$0x0], $0xffff  }
0x159: {  	v3 =	vld.idx.msk [tilespmem:v2+s22+$0x0], $0xffff  }
0x15a: {  	s15 =	sadd.s32 $0x10, s15;
	v2 =	vld.idx.msk [tilespmem:v6+s22+$0x0], $0xffff  }
0x15b: {  	s20 =	sadd.s32 $0x1, s20;
	s0 =	sand.u32 $0x380, s15;
	s16 =	sshll.u32 s17, $0xA;
	v6 =	vld.idx.msk [tilespmem:v8+s22+$0x0], $0xffff  }
0x15c: {  	_ =	sdelay $0x2  }
0x15d: {  	s0 =	sor.u32 s0, s16  }
0x15e: {  	v4 =	vld.idx.msk [tilespmem:v4+s22+$0x0], $0xffff;
	[tilespmem:s0+$0xACF0] =	vst v7  }
0x15f: {  	v1 =	vld.idx.msk [tilespmem:v1+s22+$0x0], $0xffff;
	[tilespmem:s0+$0xAC80] =	vst v5  }
0x160: {  	v0 =	vld.idx.msk [tilespmem:v0+s22+$0x0], $0xffff;
	[tilespmem:s0+$0xAC90] =	vst v3  }
0x161: {  	[tilespmem:s0+$0xACA0] =	vst v2  }
0x162: {  	[tilespmem:s0+$0xACB0] =	vst v6  }
0x163: {  	s4 =	sshll.u32 s8, $0xA;
	[tilespmem:s0+$0xACC0] =	vst v4  }
0x164: {  	s4 =	sand.u32 $0x6C000, s4;
	[tilespmem:s0+$0xACD0] =	vst v1  }
0x165: {  	s20 =	sadd.s32 s4, s13;
	[tilespmem:s0+$0xACE0] =	vst v0;
	s0 =	sadd.s32 s10, s6  }
0x166: {  	[hbm4b:s20+s23] =	stream.strided.scatter [tilespmem:s28], [sflag:$0x6], $0x2000, s24, s23, $0x38;
	[tilespmem:$0x10C80] =	vst v63  }
0x167: {  	p1 =	sgt.u32 s0, $0x18F  }
0x168: {  	s0 =	sshll.u32 @!p1 s0, $0xA  }
0x169: {  	s0 =	sand.u32 @!p1 $0x6C000, s0  }
0x16a: {  	s4 =	simm.s32 @!p1 $0x0;
	s8 =	simm.s32 @!p1 $0x2C80;
	s0 =	sadd.s32 @!p1 s0, s14  }
0x16b: {  	[tilespmem:s8], [sflag:$0x2] =	stream.linear.gather @!p1 [hbm4b:s0+s4], $0x2000, $0x38;
	[tilespmem:$0x10C80] =	vst v63  }
.LBB2_10:
0x16c: {  	s8 =	sor.u32 $0x40, s7  }
0x16d: {  	p1 =	sgt.u32 s8, $0x18F  }
.Ltmp8:
0x16e: {  	_ = 	snop;
	(pc) =	sbr.rel @p1 .LBB2_14-.Ltmp8, $1  }
0x16f: {  	_ =	sdelay $0x3  }
0x170: {  	_ =	swait.ge [sflag:s29], $0x2000  }
0x171: {  	[sflag:s29] =	ssyncset.done $0x0  }
0x172: {  	s0 =	simm.s32 @!p0 $0x7;
	s15 =	simm.s32 $0x0;
	[sflag:s29] =	ssyncadd.s32 $0xFFFFE000  }
0x173: {  	s4 =	simm.s32 $0x0;
	s16 =	sand.u32 $0x7, s15;
	_ =	swait.ge @!p0 [sflag:s0], $0x2000  }
0x174: {  	s17 =	sand.u32 $0x1C00, s4;
	s18 =	sshll.u32 s16, $0x7;
	[sflag:s0] =	ssyncset.done @!p0 $0x0  }
0x175: {  	s20 =	sor.u32 s18, s17;
	[sflag:s0] =	ssyncadd.s32 @!p0 $0xFFFFE000  }
0x176: {  	v2 =	vld [tilespmem:s20+$0x4CF0]  }
0x177: {  	v3 =	vld [tilespmem:s20+$0x4C80]  }
0x178: {  	v6 =	vld [tilespmem:s20+$0x4C90]  }
0x179: {  	v8 =	vld [tilespmem:s20+$0x4CA0]  }
0x17a: {  	v9 =	vld [tilespmem:s20+$0x4CB0]  }
0x17b: {  	v4 =	vld [tilespmem:s20+$0x4CC0]  }
0x17c: {  	v1 =	vld [tilespmem:s20+$0x4CD0]  }
0x17d: {  	v0 =	vld [tilespmem:s20+$0x4CE0]  }
0x17e: {  	v7 =	vld.idx.msk [tilespmem:v2+s22+$0x0], $0xffff  }
0x17f: {  	v5 =	vld.idx.msk [tilespmem:v3+s22+$0x0], $0xffff  }
0x180: {  	v3 =	vld.idx.msk [tilespmem:v6+s22+$0x0], $0xffff  }
0x181: {  	v2 =	vld.idx.msk [tilespmem:v8+s22+$0x0], $0xffff  }
0x182: {  	s16 =	sshll.u32 s16, $0xA;
	s0 =	sand.u32 $0x380, s15;
	s20 =	simm.s32 $0x1;
	v6 =	vld.idx.msk [tilespmem:v9+s22+$0x0], $0xffff  }
.LBB2_12:
0x183: {  	s4 =	sadd.s32 $0x80, s4;
	s17 =	sand.u32 $0x7, s20;
	s0 =	sor.u32 s0, s16;
	v4 =	vld.idx.msk [tilespmem:v4+s22+$0x0], $0xffff  }
0x184: {  	s16 =	sand.u32 $0x1C00, s4;
	s18 =	sshll.u32 s17, $0x7;
	p1 =	slt.u32 s4, $0x1F80;
	v1 =	vld.idx.msk [tilespmem:v1+s22+$0x0], $0xffff;
	[tilespmem:s0+$0xCCF0] =	vst v7  }
0x185: {  	s16 =	sor.u32 s18, s16;
	[tilespmem:s0+$0xCC80] =	vst v5;
	v0 =	vld.idx.msk [tilespmem:v0+s22+$0x0], $0xffff  }
0x186: {  	v5 =	vld [tilespmem:s16+$0x4CF0];
	[tilespmem:s0+$0xCC90] =	vst v3  }
0x187: {  	v3 =	vld [tilespmem:s16+$0x4C80];
	[tilespmem:s0+$0xCCA0] =	vst v2  }
0x188: {  	v2 =	vld [tilespmem:s16+$0x4C90];
	[tilespmem:s0+$0xCCB0] =	vst v6  }
0x189: {  	v6 =	vld [tilespmem:s16+$0x4CA0];
	[tilespmem:s0+$0xCCC0] =	vst v4  }
0x18a: {  	v8 =	vld [tilespmem:s16+$0x4CB0];
	[tilespmem:s0+$0xCCD0] =	vst v1  }
0x18b: {  	v4 =	vld [tilespmem:s16+$0x4CC0];
	[tilespmem:s0+$0xCCE0] =	vst v0  }
0x18c: {  	v1 =	vld [tilespmem:s16+$0x4CD0]  }
0x18d: {  	v0 =	vld [tilespmem:s16+$0x4CE0]  }
.Ltmp9:
0x18e: {  	v7 =	vld.idx.msk [tilespmem:v5+s22+$0x0], $0xffff;
	(pc) =	sbr.rel @p1 .LBB2_12-.Ltmp9, $4  }
0x18f: {  	v5 =	vld.idx.msk [tilespmem:v3+s22+$0x0], $0xffff  }
0x190: {  	v3 =	vld.idx.msk [tilespmem:v2+s22+$0x0], $0xffff  }
0x191: {  	s15 =	sadd.s32 $0x10, s15;
	v2 =	vld.idx.msk [tilespmem:v6+s22+$0x0], $0xffff  }
0x192: {  	s20 =	sadd.s32 $0x1, s20;
	s0 =	sand.u32 $0x380, s15;
	s16 =	sshll.u32 s17, $0xA;
	v6 =	vld.idx.msk [tilespmem:v8+s22+$0x0], $0xffff  }
0x193: {  	_ =	sdelay $0x2  }
0x194: {  	s0 =	sor.u32 s0, s16  }
0x195: {  	v4 =	vld.idx.msk [tilespmem:v4+s22+$0x0], $0xffff;
	[tilespmem:s0+$0xCCF0] =	vst v7  }
0x196: {  	v1 =	vld.idx.msk [tilespmem:v1+s22+$0x0], $0xffff;
	[tilespmem:s0+$0xCC80] =	vst v5  }
0x197: {  	v0 =	vld.idx.msk [tilespmem:v0+s22+$0x0], $0xffff;
	[tilespmem:s0+$0xCC90] =	vst v3  }
0x198: {  	[tilespmem:s0+$0xCCA0] =	vst v2  }
0x199: {  	[tilespmem:s0+$0xCCB0] =	vst v6  }
0x19a: {  	s4 =	sshll.u32 s8, $0xA;
	[tilespmem:s0+$0xCCC0] =	vst v4  }
0x19b: {  	s4 =	sand.u32 $0x74000, s4;
	[tilespmem:s0+$0xCCD0] =	vst v1  }
0x19c: {  	s20 =	sadd.s32 s4, s13;
	[tilespmem:s0+$0xCCE0] =	vst v0;
	s0 =	sadd.s32 s11, s6  }
0x19d: {  	[hbm4b:s20+s23] =	stream.strided.scatter [tilespmem:s30], [sflag:$0x7], $0x2000, s24, s23, $0x38;
	[tilespmem:$0x10C80] =	vst v63  }
0x19e: {  	p1 =	sgt.u32 s0, $0x18F  }
0x19f: {  	s0 =	sshll.u32 @!p1 s0, $0xA  }
0x1a0: {  	s0 =	sand.u32 @!p1 $0x74000, s0  }
0x1a1: {  	s4 =	simm.s32 @!p1 $0x0;
	s8 =	simm.s32 @!p1 $0x4C80;
	s0 =	sadd.s32 @!p1 s0, s14  }
0x1a2: {  	[tilespmem:s8], [sflag:$0x3] =	stream.linear.gather @!p1 [hbm4b:s0+s4], $0x2000, $0x38;
	[tilespmem:$0x10C80] =	vst v63  }
.LBB2_14:
0x1a3: {  	s7 =	sor.u32 $0x60, s7  }
0x1a4: {  	p1 =	sgt.u32 s7, $0x18F  }
.Ltmp10:
0x1a5: {  	_ = 	snop;
	(pc) =	sbr.rel @p1 .LBB2_18-.Ltmp10, $1  }
0x1a6: {  	_ =	sdelay $0x3  }
0x1a7: {  	_ =	swait.ge [sflag:s31], $0x2000  }
0x1a8: {  	[sflag:s31] =	ssyncset.done $0x0  }
0x1a9: {  	s0 =	simm.s32 @!p0 $0x8;
	s8 =	simm.s32 $0x0;
	[sflag:s31] =	ssyncadd.s32 $0xFFFFE000  }
0x1aa: {  	s4 =	simm.s32 $0x0;
	s15 =	sand.u32 $0x7, s8;
	_ =	swait.ge @!p0 [sflag:s0], $0x2000  }
0x1ab: {  	s16 =	sand.u32 $0x1C00, s4;
	s17 =	sshll.u32 s15, $0x7;
	[sflag:s0] =	ssyncset.done @!p0 $0x0  }
0x1ac: {  	s20 =	sor.u32 s17, s16;
	[sflag:s0] =	ssyncadd.s32 @!p0 $0xFFFFE000  }
0x1ad: {  	v2 =	vld [tilespmem:s20+$0x6CF0]  }
0x1ae: {  	v3 =	vld [tilespmem:s20+$0x6C80]  }
0x1af: {  	v6 =	vld [tilespmem:s20+$0x6C90]  }
0x1b0: {  	v8 =	vld [tilespmem:s20+$0x6CA0]  }
0x1b1: {  	v9 =	vld [tilespmem:s20+$0x6CB0]  }
0x1b2: {  	v4 =	vld [tilespmem:s20+$0x6CC0]  }
0x1b3: {  	v1 =	vld [tilespmem:s20+$0x6CD0]  }
0x1b4: {  	v0 =	vld [tilespmem:s20+$0x6CE0]  }
0x1b5: {  	v7 =	vld.idx.msk [tilespmem:v2+s22+$0x0], $0xffff  }
0x1b6: {  	v5 =	vld.idx.msk [tilespmem:v3+s22+$0x0], $0xffff  }
0x1b7: {  	v3 =	vld.idx.msk [tilespmem:v6+s22+$0x0], $0xffff  }
0x1b8: {  	v2 =	vld.idx.msk [tilespmem:v8+s22+$0x0], $0xffff  }
0x1b9: {  	s16 =	sshll.u32 s15, $0xA;
	s15 =	simm.s32 $0x1;
	s0 =	sand.u32 $0x380, s8;
	v6 =	vld.idx.msk [tilespmem:v9+s22+$0x0], $0xffff  }
.LBB2_16:
0x1ba: {  	s4 =	sadd.s32 $0x80, s4;
	s17 =	sand.u32 $0x7, s15;
	s0 =	sor.u32 s0, s16;
	v4 =	vld.idx.msk [tilespmem:v4+s22+$0x0], $0xffff  }
0x1bb: {  	s16 =	sand.u32 $0x1C00, s4;
	s18 =	sshll.u32 s17, $0x7;
	p0 =	slt.u32 s4, $0x1F80;
	v1 =	vld.idx.msk [tilespmem:v1+s22+$0x0], $0xffff;
	[tilespmem:s0+$0xECF0] =	vst v7  }
0x1bc: {  	s16 =	sor.u32 s18, s16;
	[tilespmem:s0+$0xEC80] =	vst v5;
	v0 =	vld.idx.msk [tilespmem:v0+s22+$0x0], $0xffff  }
0x1bd: {  	v5 =	vld [tilespmem:s16+$0x6CF0];
	[tilespmem:s0+$0xEC90] =	vst v3  }
0x1be: {  	v3 =	vld [tilespmem:s16+$0x6C80];
	[tilespmem:s0+$0xECA0] =	vst v2  }
0x1bf: {  	v2 =	vld [tilespmem:s16+$0x6C90];
	[tilespmem:s0+$0xECB0] =	vst v6  }
0x1c0: {  	v6 =	vld [tilespmem:s16+$0x6CA0];
	[tilespmem:s0+$0xECC0] =	vst v4  }
0x1c1: {  	v8 =	vld [tilespmem:s16+$0x6CB0];
	[tilespmem:s0+$0xECD0] =	vst v1  }
0x1c2: {  	v4 =	vld [tilespmem:s16+$0x6CC0];
	[tilespmem:s0+$0xECE0] =	vst v0  }
0x1c3: {  	v1 =	vld [tilespmem:s16+$0x6CD0]  }
0x1c4: {  	v0 =	vld [tilespmem:s16+$0x6CE0]  }
.Ltmp11:
0x1c5: {  	v7 =	vld.idx.msk [tilespmem:v5+s22+$0x0], $0xffff;
	(pc) =	sbr.rel @p0 .LBB2_16-.Ltmp11, $4  }
0x1c6: {  	v5 =	vld.idx.msk [tilespmem:v3+s22+$0x0], $0xffff  }
0x1c7: {  	v3 =	vld.idx.msk [tilespmem:v2+s22+$0x0], $0xffff  }
0x1c8: {  	s8 =	sadd.s32 $0x10, s8;
	v2 =	vld.idx.msk [tilespmem:v6+s22+$0x0], $0xffff  }
0x1c9: {  	s15 =	sadd.s32 $0x1, s15;
	s0 =	sand.u32 $0x380, s8;
	s16 =	sshll.u32 s17, $0xA;
	v6 =	vld.idx.msk [tilespmem:v8+s22+$0x0], $0xffff  }
0x1ca: {  	_ =	sdelay $0x2  }
0x1cb: {  	s0 =	sor.u32 s0, s16  }
0x1cc: {  	v4 =	vld.idx.msk [tilespmem:v4+s22+$0x0], $0xffff;
	[tilespmem:s0+$0xECF0] =	vst v7  }
0x1cd: {  	v1 =	vld.idx.msk [tilespmem:v1+s22+$0x0], $0xffff;
	[tilespmem:s0+$0xEC80] =	vst v5  }
0x1ce: {  	v0 =	vld.idx.msk [tilespmem:v0+s22+$0x0], $0xffff;
	[tilespmem:s0+$0xEC90] =	vst v3  }
0x1cf: {  	[tilespmem:s0+$0xECA0] =	vst v2  }
0x1d0: {  	[tilespmem:s0+$0xECB0] =	vst v6  }
0x1d1: {  	s4 =	sshll.u32 s7, $0xA;
	[tilespmem:s0+$0xECC0] =	vst v4  }
0x1d2: {  	s4 =	sand.u32 $0x7C000, s4;
	[tilespmem:s0+$0xECD0] =	vst v1  }
0x1d3: {  	s20 =	sadd.s32 s4, s13;
	[tilespmem:s0+$0xECE0] =	vst v0;
	s0 =	sadd.s32 s12, s6  }
0x1d4: {  	[hbm4b:s20+s23] =	stream.strided.scatter [tilespmem:s1], [sflag:$0x8], $0x2000, s24, s23, $0x38;
	[tilespmem:$0x10C80] =	vst v63  }
.Ltmp12:
0x1d5: {  	p0 =	sgt.u32 s0, $0x18F;
	(pc) =	sbr.rel .LBB2_18-.Ltmp12, $4  }
0x1d6: {  	s0 =	sshll.u32 @!p0 s0, $0xA  }
0x1d7: {  	s0 =	sand.u32 @!p0 $0x7C000, s0  }
0x1d8: {  	s4 =	simm.s32 @!p0 $0x0;
	s6 =	simm.s32 @!p0 $0x6C80;
	s0 =	sadd.s32 @!p0 s0, s14  }
0x1d9: {  	[tilespmem:s6], [sflag:$0x4] =	stream.linear.gather @!p0 [hbm4b:s0+s4], $0x2000, $0x38;
	[tilespmem:$0x10C80] =	vst v63  }
.LBB2_20:
0x1da: {  	_ =	sfence.sel $0x180000  }
0x1db: {  	[bflag:$0x0] =	sbarrier.arrive $0xFFFF  }
0x1dc: {  	_ =	strace $0x90000047  }
0x1dd: {  	s0 =	stileid.u32;
	[bflag:$0x2] =	sbarrier.arrive $0xFFFF  }
0x1de: {  	p0 =	sne.s32 s0, $0x0;
	s0 =	rddreg [dreg:$0x3]  }
0x1df: {  	s0 =	sadd.s32 @!p0 $0x100000, s0  }
0x1e0: {  	[sflag:s0] =	ssyncadd.tile.s32 @!p0 $0x1;
	_ =	shalt  }
.Lfunc_end2:
_tile_overlayer_lowered:
.L_overlay_start_2:
0x1e1: {  	(tag) =	ssettag $0x2  }
0x1e2: {  	s0 =	rddreg [dreg:$0x0];
	s2 =	stileid.u32  }
0x1e3: {  	s1 =	rddreg [dreg:$0x1];
	p0 =	sne.s32 s2, $0x0  }
0x1e4: {  	s3 =	rddreg [dreg:$0x2];
	[bflag:$0x3] =	sbarrier.arrive $0xFFFF;
	s2 =	simm.s32 @!p0 $0x1C09  }
0x1e5: {  	[timem:s3], [sflag:s2] =	dma.local @!p0 [hbm:s0], s1  }
0x1e6: {  	s0 =	simm.s32 @!p0 $0x9  }
0x1e7: {  	_ =	swait.ge @!p0 [sflag:s0], s1  }
0x1e8: {  	s1 =	ssub.s32 @!p0 $0x0, s1;
	[sflag:s0] =	ssyncset.done @!p0 $0x0  }
0x1e9: {  	[sflag:s0] =	ssyncadd.s32 @!p0 s1  }
0x1ea: {  	[bflag:$0x3] =	sbarrier.arrive $0xFFFF  }
0x1eb: {  	_ =	shalt  }

</sc_bundles>
